<compile_context>
chip_gen: v7x
topology: tpu7x:2x2x1
jax: 0.10.2.dev20260603
libtpu: 0.0.44.dev20260713+nightly
codegen_flags: <defaults>
</compile_context>

<pallas_src>
import functools

import jax
import jax.numpy as jnp
from jax import lax
from jax.experimental import pallas as pl
from jax.experimental.pallas import tpu as pltpu
from jax.experimental.pallas import tpu_sc as plsc

N = 10000
E = 320000
NC = 2
NS = 16
CS = 128
NCHUNK = 160
EPT = CS * NCHUNK
EPAD = NS * EPT
ACC_ROWS = 10112
RPT = ACC_ROWS // NS
NBUF = 4
F32 = jnp.float32

_SC_PARAMS = pltpu.CompilerParams(use_tc_tiling_on_sc=False)


def _mesh():
    return plsc.VectorSubcoreMesh(
        core_axis_name="c", subcore_axis_name="s",
        num_cores=NC, num_subcores=NS)



def _make_segsum(WH, with_counts):
    if with_counts:
        out_type = [jax.ShapeDtypeStruct((NC, ACC_ROWS, WH), F32),
                    jax.ShapeDtypeStruct((ACC_ROWS, 16), F32)]
    else:
        out_type = jax.ShapeDtypeStruct((NC, ACC_ROWS, WH), F32)

    scratch = [
        pltpu.VMEM((NCHUNK, CS), jnp.int32),
        pltpu.VMEM((NCHUNK, CS), jnp.int32),
    ]
    scratch += [pltpu.VMEM((CS, WH), F32) for _ in range(NBUF)]
    scratch += [pltpu.VMEM_SHARED((ACC_ROWS, WH), F32)]
    scratch += [pltpu.SemaphoreType.DMA for _ in range(2 * NBUF)]
    if with_counts:
        scratch += [
            pltpu.VMEM((CS, 16), F32),
            pltpu.VMEM_SHARED((ACC_ROWS, 16), F32),
            pltpu.SemaphoreType.DMA,
        ]

    def body(y_hbm, src_hbm, dst_hbm, zero_hbm, *rest):
        if with_counts:
            (zero16_hbm, ones_hbm, out_hbm, cnt_hbm, src_v, dst_v) = rest[:6]
            rows = rest[6:6 + NBUF]
            acc = rest[6 + NBUF]
            gsem = rest[7 + NBUF:7 + 2 * NBUF]
            ssem = rest[7 + 2 * NBUF:7 + 3 * NBUF]
            ones_v, cacc, csem = rest[7 + 3 * NBUF:]
        else:
            (out_hbm, src_v, dst_v) = rest[:3]
            rows = rest[3:3 + NBUF]
            acc = rest[3 + NBUF]
            gsem = rest[4 + NBUF:4 + 2 * NBUF]
            ssem = rest[4 + 2 * NBUF:4 + 3 * NBUF]

        c = lax.axis_index("c")
        s = lax.axis_index("s")

        pltpu.sync_copy(src_hbm.at[s], src_v)
        pltpu.sync_copy(dst_hbm.at[s], dst_v)
        pltpu.sync_copy(zero_hbm, acc.at[pl.ds(s * RPT, RPT)])
        if with_counts:
            @pl.when(c == 0)
            def _():
                pltpu.sync_copy(zero16_hbm, cacc.at[pl.ds(s * RPT, RPT)])
                pltpu.sync_copy(ones_hbm, ones_v)
        plsc.subcore_barrier()

        def start_g(j, b):
            pltpu.async_copy(y_hbm.at[c].at[src_v.at[j]], rows[b], gsem[b])

        def wait_g(j, b):
            pltpu.make_async_copy(
                y_hbm.at[c].at[src_v.at[j]], rows[b], gsem[b]).wait()

        def start_s(j, b):
            pltpu.async_copy(rows[b], acc.at[dst_v.at[j]], ssem[b], add=True)

        def wait_s(j, b):
            pltpu.make_async_copy(rows[b], acc.at[dst_v.at[j]], ssem[b]).wait()

        if with_counts:
            def start_c(j):
                pltpu.async_copy(ones_v, cacc.at[dst_v.at[j]], csem, add=True)

            def wait_c(j):
                pltpu.make_async_copy(ones_v, cacc.at[dst_v.at[j]], csem).wait()

        lead = NBUF // 2
        for j in range(lead):
            start_g(j, j)

        def group(i, carry):
            g = NBUF * i
            for b in range(NBUF):
                j = g + b
                wait_g(j, b)
                start_s(j, b)
                bn = (b + lead) % NBUF
                if b < lead:
                    @pl.when(i > 0)
                    def _():
                        wait_s(j - lead, bn)

                    start_g(j + lead, bn)
                else:
                    wait_s(j - lead, bn)

                    @pl.when(i < NCHUNK // NBUF - 1)
                    def _():
                        start_g(j + lead, bn)
            if with_counts:
                @pl.when((c == 0) & (i > 0))
                def _():
                    for k in range(NBUF):
                        wait_c(g - NBUF + k)

                @pl.when(c == 0)
                def _():
                    for k in range(NBUF):
                        start_c(g + k)

            return carry

        lax.fori_loop(0, NCHUNK // NBUF, group, 0)
        for j in range(NCHUNK - lead, NCHUNK):
            wait_s(j, j % NBUF)
        if with_counts:
            @pl.when(c == 0)
            def _():
                for k in range(NBUF):
                    wait_c(NCHUNK - NBUF + k)
        plsc.subcore_barrier()

        pltpu.sync_copy(acc.at[pl.ds(s * RPT, RPT)],
                        out_hbm.at[c].at[pl.ds(s * RPT, RPT)])
        if with_counts:
            @pl.when(c == 0)
            def _():
                pltpu.sync_copy(cacc.at[pl.ds(s * RPT, RPT)],
                                cnt_hbm.at[pl.ds(s * RPT, RPT)])

    return pl.kernel(body, out_type=out_type, mesh=_mesh(),
                     scratch_types=scratch,
                     compiler_params=_SC_PARAMS)


@functools.lru_cache(maxsize=None)
def _get_segsum(WH, with_counts):
    return _make_segsum(WH, with_counts)



_PREC = lax.Precision.DEFAULT
BN = 2000


def _row_spec(*dims):
    n = len(dims)

    def index_map(i):
        return tuple(i if d == n - 2 else 0 for d in range(n))

    return pl.BlockSpec(dims, index_map)


def _full_spec(shape):
    nd = len(shape)
    return pl.BlockSpec(shape, lambda i: (0,) * nd)


def _dense0_body(x_ref, wl0_ref, wl1_ref, wr_ref, b_ref, y_ref, z_ref):
    x = x_ref[...]
    y_ref[0] = jnp.dot(x, wl0_ref[...], preferred_element_type=F32,
                       precision=_PREC)
    y_ref[1] = jnp.dot(x, wl1_ref[...], preferred_element_type=F32,
                       precision=_PREC)
    z_ref[...] = jnp.dot(x, wr_ref[...], preferred_element_type=F32,
                         precision=_PREC) + b_ref[...]


def _combine_body(p_ref, cp_ref, z_ref, wl0_ref, wl1_ref, wr_ref, b_ref,
                  y_ref, z2_ref):
    cnt = cp_ref[:, 0:1]
    recip = 1.0 / jnp.maximum(cnt, 1.0)
    agg = jnp.concatenate([p_ref[0], p_ref[1]], axis=-1)
    h = jnp.maximum(agg * recip + z_ref[...], 0.0)
    y_ref[0] = jnp.dot(h, wl0_ref[...], preferred_element_type=F32,
                       precision=_PREC)
    y_ref[1] = jnp.dot(h, wl1_ref[...], preferred_element_type=F32,
                       precision=_PREC)
    z2_ref[...] = jnp.dot(h, wr_ref[...], preferred_element_type=F32,
                          precision=_PREC) + b_ref[...]


def _final_body(p_ref, cp_ref, z_ref, o_ref):
    cnt = cp_ref[:, 0:1]
    recip = 1.0 / jnp.maximum(cnt, 1.0)
    agg = jnp.concatenate([p_ref[0], p_ref[1]], axis=-1)
    h = jnp.maximum(agg * recip + z_ref[...], 0.0)
    m = jnp.max(h, axis=-1, keepdims=True)
    lse = jnp.log(jnp.sum(jnp.exp(h - m), axis=-1, keepdims=True)) + m
    o_ref[...] = h - lse


def _dense0(x, wl, wr, b):
    wh = wl.shape[1] // 2
    wo = wr.shape[1]
    return pl.pallas_call(
        _dense0_body,
        grid=(N // BN,),
        in_specs=[_row_spec(BN, 128),
                  _full_spec((128, wh)), _full_spec((128, wh)),
                  _full_spec((128, wo)), _full_spec((1, wo))],
        out_specs=[_row_spec(2, BN, wh), _row_spec(BN, wo)],
        out_shape=[jax.ShapeDtypeStruct((2, N, wh), F32),
                   jax.ShapeDtypeStruct((N, wo), F32)],
    )(x, wl[:, :wh], wl[:, wh:], wr, b.reshape(1, -1))


def _combine(p, cp, z, wl, wr, b):
    win = wl.shape[0]
    wh = wl.shape[1] // 2
    wo = wr.shape[1]
    return pl.pallas_call(
        _combine_body,
        grid=(N // BN,),
        in_specs=[_row_spec(2, BN, win // 2), _row_spec(BN, 16),
                  _row_spec(BN, win),
                  _full_spec((win, wh)), _full_spec((win, wh)),
                  _full_spec((win, wo)), _full_spec((1, wo))],
        out_specs=[_row_spec(2, BN, wh), _row_spec(BN, wo)],
        out_shape=[jax.ShapeDtypeStruct((2, N, wh), F32),
                   jax.ShapeDtypeStruct((N, wo), F32)],
    )(p, cp, z, wl[:, :wh], wl[:, wh:], wr, b.reshape(1, -1))


def _final(p, cp, z):
    wo = z.shape[1]
    return pl.pallas_call(
        _final_body,
        grid=(N // BN,),
        in_specs=[_row_spec(2, BN, wo // 2), _row_spec(BN, 16),
                  _row_spec(BN, wo)],
        out_specs=_row_spec(BN, wo),
        out_shape=jax.ShapeDtypeStruct((N, wo), F32),
    )(p, cp, z)



def kernel(x, edge_index, W1l, W1r, b1, W2l, W2r, b2, Wnl, Wnr, bn):
    src = edge_index[0]
    dst = edge_index[1]
    pad = EPAD - E
    src3 = jnp.concatenate(
        [src, jnp.zeros((pad,), jnp.int32)]).reshape(NS, NCHUNK, CS)
    dst3 = jnp.concatenate(
        [dst, jnp.full((pad,), N, jnp.int32)]).reshape(NS, NCHUNK, CS)

    z64 = jnp.zeros((RPT, 64), F32)
    z32 = jnp.zeros((RPT, 32), F32)
    z16 = jnp.zeros((RPT, 16), F32)
    ones = jnp.ones((CS, 16), F32)

    y1, z1 = _dense0(x, W1l, W1r, b1)
    p1, cp = _get_segsum(64, True)(y1, src3, dst3, z64, z16, ones)
    y2, z2 = _combine(p1, cp, z1, W2l, W2r, b2)
    p2 = _get_segsum(64, False)(y2, src3, dst3, z64)
    y3, z3 = _combine(p2, cp, z2, Wnl, Wnr, bn)
    p3 = _get_segsum(32, False)(y3, src3, dst3, z32)
    return _final(p3, cp, z3)

# --- scband reference (transcript-rebuilt; emitter-appended) ---
"""Pipeline reference for scband-graph-sage-24215025615234 (READ-ONLY COPY).

The authoritative reference and input builder live on the scoring server;
editing this copy changes nothing except your own understanding.
"""

import jax, jax.numpy as jnp
import numpy as np

N = 10000
E = 320000
D = 128
H = 128
C = 64


def _glorot(key, shape):
    fan_in = shape[0]
    return jax.random.normal(key, shape, dtype=jnp.float32) * (1.0 / np.sqrt(fan_in))


def setup_inputs(seed: int = 0) -> dict:
    key = jax.random.key(seed)
    ks = jax.random.split(key, 12)
    x = jax.random.normal(ks[0], (N, D), dtype=jnp.float32)
    edge_index = jax.random.randint(ks[1], (2, E), 0, N, dtype=jnp.int32)
    W1l = _glorot(ks[2], (D, H))
    W1r = _glorot(ks[3], (D, H))
    b1 = jnp.zeros((H,), dtype=jnp.float32)
    W2l = _glorot(ks[4], (H, H))
    W2r = _glorot(ks[5], (H, H))
    b2 = jnp.zeros((H,), dtype=jnp.float32)
    Wnl = _glorot(ks[6], (H, C))
    Wnr = _glorot(ks[7], (H, C))
    bn = jnp.zeros((C,), dtype=jnp.float32)
    return {"x": x, "edge_index": edge_index, "W1l": W1l, "W1r": W1r, "b1": b1,
            "W2l": W2l, "W2r": W2r, "b2": b2, "Wnl": Wnl, "Wnr": Wnr, "bn": bn}


def sage_conv(x, edge_index, Wl, Wr, b):
    # PyG-style SAGEConv with mean aggregation:
    # out = lin_l(mean_{j in N(i)} x_j) + lin_r(x_i) + b
    src = edge_index[0]
    dst = edge_index[1]
    msgs = jnp.take(x, src, axis=0)                       # gather (SparseCore)
    agg = jax.ops.segment_sum(msgs, dst, num_segments=N)  # scatter-add
    cnt = jax.ops.segment_sum(jnp.ones((msgs.shape[0], 1), dtype=x.dtype), dst, num_segments=N)
    mean = agg / jnp.clip(cnt, 1.0, None)
    return mean @ Wl + x @ Wr + b


def reference(x, edge_index, W1l, W1r, b1, W2l, W2r, b2, Wnl, Wnr, bn):
    h = jax.nn.relu(sage_conv(x, edge_index, W1l, W1r, b1))
    # dropout p=0.5 in eval mode -> identity
    h = jax.nn.relu(sage_conv(h, edge_index, W2l, W2r, b2))
    h = jax.nn.relu(sage_conv(h, edge_index, Wnl, Wnr, bn))
    return jax.nn.log_softmax(h, axis=-1)

if __name__ == "__main__":
    import jax
    _d = setup_inputs()
    print(jax.jit(kernel)(*tuple(_d.values())))

</pallas_src>

<mosaic_0001>
#map = affine_map<(d0, d1) -> (0, 0, 0)>
#map1 = affine_map<(d0, d1) -> (0, 0)>
module attributes {stable_mosaic.version = 14 : i64} {
  func.func @body(%arg0: i32, %arg1: i32, %arg2: memref<2x10000x64xf32, #tpu.memory_space<hbm>>, %arg3: memref<16x160x128xi32, #tpu.memory_space<hbm>>, %arg4: memref<16x160x128xi32, #tpu.memory_space<hbm>>, %arg5: memref<632x64xf32, #tpu.memory_space<hbm>>, %arg6: memref<2x10112x64xf32, #tpu.memory_space<hbm>>, %arg7: memref<160x128xi32, #tpu.memory_space<vmem>>, %arg8: memref<160x128xi32, #tpu.memory_space<vmem>>, %arg9: memref<128x64xf32, #tpu.memory_space<vmem>>, %arg10: memref<128x64xf32, #tpu.memory_space<vmem>>, %arg11: memref<128x64xf32, #tpu.memory_space<vmem>>, %arg12: memref<128x64xf32, #tpu.memory_space<vmem>>, %arg13: memref<10112x64xf32, #tpu.memory_space<vmem_shared>>, %arg14: memref<!tpu.dma_semaphore, #tpu.memory_space<semaphore_mem>>, %arg15: memref<!tpu.dma_semaphore, #tpu.memory_space<semaphore_mem>>, %arg16: memref<!tpu.dma_semaphore, #tpu.memory_space<semaphore_mem>>, %arg17: memref<!tpu.dma_semaphore, #tpu.memory_space<semaphore_mem>>, %arg18: memref<!tpu.dma_semaphore, #tpu.memory_space<semaphore_mem>>, %arg19: memref<!tpu.dma_semaphore, #tpu.memory_space<semaphore_mem>>, %arg20: memref<!tpu.dma_semaphore, #tpu.memory_space<semaphore_mem>>, %arg21: memref<!tpu.dma_semaphore, #tpu.memory_space<semaphore_mem>>) attributes {dimension_semantics = [#tpu.dimension_semantics<core_parallel>, #tpu.dimension_semantics<subcore_parallel>], iteration_bounds = array<i64: 2, 16>, scalar_prefetch = 0 : i64, scratch_operands = 15 : i64, tpu.core_type = #tpu.core_type<sc_vector_subcore>, window_params = [{transform_indices = #map}, {transform_indices = #map}, {transform_indices = #map}, {transform_indices = #map1}, {transform_indices = #map}]} {
    "tpu.region"() ({
      %run_scoped3A = tpu.sem_alloc : memref<!tpu.dma_semaphore, #tpu.memory_space<semaphore_mem>>
      %dma_start3A_45 = arith.constant 0 : i32
      %dma_start3A_46 = arith.constant 0 : i32
      %dma_start3A_47 = tpu.memref_slice %arg3[%arg1, %dma_start3A_45, %dma_start3A_46] : memref<16x160x128xi32, #tpu.memory_space<hbm>> -> memref<1x160x128xi32, #tpu.memory_space<hbm>>
      %dma_start3A_48 = tpu.memref_squeeze %dma_start3A_47 : memref<1x160x128xi32, #tpu.memory_space<hbm>> -> memref<160x128xi32, #tpu.memory_space<hbm>>
      %dma_start3A_49 = arith.constant 0 : i32
      %dma_start3A_50 = arith.constant 0 : i32
      %dma_start3A_51 = tpu.memref_slice %arg3[%arg1, %dma_start3A_49, %dma_start3A_50] : memref<16x160x128xi32, #tpu.memory_space<hbm>> -> memref<1x160x128xi32, #tpu.memory_space<hbm>>
      %dma_start3A_52 = tpu.memref_squeeze %dma_start3A_51 : memref<1x160x128xi32, #tpu.memory_space<hbm>> -> memref<160x128xi32, #tpu.memory_space<hbm>>
      tpu.enqueue_dma source(%dma_start3A_52 : memref<160x128xi32, #tpu.memory_space<hbm>>) target(%arg7 : memref<160x128xi32, #tpu.memory_space<vmem>>) target_semaphore(%run_scoped3A : memref<!tpu.dma_semaphore, #tpu.memory_space<semaphore_mem>>)
      %dma_wait3A_53 = arith.constant 0 : i32
      %dma_wait3A_54 = arith.constant 0 : i32
      %dma_wait3A_55 = tpu.memref_slice %arg3[%arg1, %dma_wait3A_53, %dma_wait3A_54] : memref<16x160x128xi32, #tpu.memory_space<hbm>> -> memref<1x160x128xi32, #tpu.memory_space<hbm>>
      %dma_wait3A_56 = tpu.memref_squeeze %dma_wait3A_55 : memref<1x160x128xi32, #tpu.memory_space<hbm>> -> memref<160x128xi32, #tpu.memory_space<hbm>>
      %dma_wait3A_57 = arith.constant 0 : i32
      %dma_wait3A_58 = arith.constant 0 : i32
      %dma_wait3A_59 = tpu.memref_slice %arg3[%arg1, %dma_wait3A_57, %dma_wait3A_58] : memref<16x160x128xi32, #tpu.memory_space<hbm>> -> memref<1x160x128xi32, #tpu.memory_space<hbm>>
      %dma_wait3A_60 = tpu.memref_squeeze %dma_wait3A_59 : memref<1x160x128xi32, #tpu.memory_space<hbm>> -> memref<160x128xi32, #tpu.memory_space<hbm>>
      tpu.wait_dma2 semaphore(%run_scoped3A : memref<!tpu.dma_semaphore, #tpu.memory_space<semaphore_mem>>) src(%dma_wait3A_60 : memref<160x128xi32, #tpu.memory_space<hbm>>) dst(%arg7 : memref<160x128xi32, #tpu.memory_space<vmem>>)
      tpu.yield
    }) : () -> ()
    "tpu.region"() ({
      %run_scoped3A = tpu.sem_alloc : memref<!tpu.dma_semaphore, #tpu.memory_space<semaphore_mem>>
      %dma_start3A_45 = arith.constant 0 : i32
      %dma_start3A_46 = arith.constant 0 : i32
      %dma_start3A_47 = tpu.memref_slice %arg4[%arg1, %dma_start3A_45, %dma_start3A_46] : memref<16x160x128xi32, #tpu.memory_space<hbm>> -> memref<1x160x128xi32, #tpu.memory_space<hbm>>
      %dma_start3A_48 = tpu.memref_squeeze %dma_start3A_47 : memref<1x160x128xi32, #tpu.memory_space<hbm>> -> memref<160x128xi32, #tpu.memory_space<hbm>>
      %dma_start3A_49 = arith.constant 0 : i32
      %dma_start3A_50 = arith.constant 0 : i32
      %dma_start3A_51 = tpu.memref_slice %arg4[%arg1, %dma_start3A_49, %dma_start3A_50] : memref<16x160x128xi32, #tpu.memory_space<hbm>> -> memref<1x160x128xi32, #tpu.memory_space<hbm>>
      %dma_start3A_52 = tpu.memref_squeeze %dma_start3A_51 : memref<1x160x128xi32, #tpu.memory_space<hbm>> -> memref<160x128xi32, #tpu.memory_space<hbm>>
      tpu.enqueue_dma source(%dma_start3A_52 : memref<160x128xi32, #tpu.memory_space<hbm>>) target(%arg8 : memref<160x128xi32, #tpu.memory_space<vmem>>) target_semaphore(%run_scoped3A : memref<!tpu.dma_semaphore, #tpu.memory_space<semaphore_mem>>)
      %dma_wait3A_53 = arith.constant 0 : i32
      %dma_wait3A_54 = arith.constant 0 : i32
      %dma_wait3A_55 = tpu.memref_slice %arg4[%arg1, %dma_wait3A_53, %dma_wait3A_54] : memref<16x160x128xi32, #tpu.memory_space<hbm>> -> memref<1x160x128xi32, #tpu.memory_space<hbm>>
      %dma_wait3A_56 = tpu.memref_squeeze %dma_wait3A_55 : memref<1x160x128xi32, #tpu.memory_space<hbm>> -> memref<160x128xi32, #tpu.memory_space<hbm>>
      %dma_wait3A_57 = arith.constant 0 : i32
      %dma_wait3A_58 = arith.constant 0 : i32
      %dma_wait3A_59 = tpu.memref_slice %arg4[%arg1, %dma_wait3A_57, %dma_wait3A_58] : memref<16x160x128xi32, #tpu.memory_space<hbm>> -> memref<1x160x128xi32, #tpu.memory_space<hbm>>
      %dma_wait3A_60 = tpu.memref_squeeze %dma_wait3A_59 : memref<1x160x128xi32, #tpu.memory_space<hbm>> -> memref<160x128xi32, #tpu.memory_space<hbm>>
      tpu.wait_dma2 semaphore(%run_scoped3A : memref<!tpu.dma_semaphore, #tpu.memory_space<semaphore_mem>>) src(%dma_wait3A_60 : memref<160x128xi32, #tpu.memory_space<hbm>>) dst(%arg8 : memref<160x128xi32, #tpu.memory_space<vmem>>)
      tpu.yield
    }) : () -> ()
    %mul3A = arith.constant 632 : i32
    %mul3A_0 = arith.muli %arg1, %mul3A : i32
    "tpu.region"() ({
      %run_scoped3A = tpu.sem_alloc : memref<!tpu.dma_semaphore, #tpu.memory_space<semaphore_mem>>
      %dma_start3A_45 = arith.constant 0 : i32
      %dma_start3A_46 = tpu.memref_slice %arg13[%mul3A_0, %dma_start3A_45] : memref<10112x64xf32, #tpu.memory_space<vmem_shared>> -> memref<632x64xf32, #tpu.memory_space<vmem_shared>>
      tpu.enqueue_dma source(%arg5 : memref<632x64xf32, #tpu.memory_space<hbm>>) target(%dma_start3A_46 : memref<632x64xf32, #tpu.memory_space<vmem_shared>>) target_semaphore(%run_scoped3A : memref<!tpu.dma_semaphore, #tpu.memory_space<semaphore_mem>>)
      %dma_wait3A_47 = arith.constant 0 : i32
      %dma_wait3A_48 = tpu.memref_slice %arg13[%mul3A_0, %dma_wait3A_47] : memref<10112x64xf32, #tpu.memory_space<vmem_shared>> -> memref<632x64xf32, #tpu.memory_space<vmem_shared>>
      tpu.wait_dma2 semaphore(%run_scoped3A : memref<!tpu.dma_semaphore, #tpu.memory_space<semaphore_mem>>) src(%arg5 : memref<632x64xf32, #tpu.memory_space<hbm>>) dst(%dma_wait3A_48 : memref<632x64xf32, #tpu.memory_space<vmem_shared>>)
      tpu.yield
    }) : () -> ()
    %barrier3A = arith.constant 0 : index
    tpu.barrier barrier_id(%barrier3A)
    %dma_start3A = arith.constant 0 : i32
    %dma_start3A_1 = arith.constant 0 : i32
    %dma_start3A_2 = tpu.memref_slice %arg7[%dma_start3A, %dma_start3A_1] : memref<160x128xi32, #tpu.memory_space<vmem>> -> memref<1x128xi32, #tpu.memory_space<vmem>>
    %dma_start3A_3 = tpu.memref_squeeze %dma_start3A_2 : memref<1x128xi32, #tpu.memory_space<vmem>> -> memref<128xi32, #tpu.memory_space<vmem>>
    %dma_start3A_4 = arith.constant 0 : i32
    %dma_start3A_5 = arith.constant 0 : i32
    %dma_start3A_6 = tpu.memref_slice %arg2[%arg0, %dma_start3A_4, %dma_start3A_5] : memref<2x10000x64xf32, #tpu.memory_space<hbm>> -> memref<1x10000x64xf32, #tpu.memory_space<hbm>>
    %dma_start3A_7 = tpu.memref_squeeze %dma_start3A_6 : memref<1x10000x64xf32, #tpu.memory_space<hbm>> -> memref<10000x64xf32, #tpu.memory_space<hbm>>
    %dma_start3A_8 = arith.constant 0 : i32
    %dma_start3A_9 = arith.constant 0 : i32
    %dma_start3A_10 = tpu.memref_slice %dma_start3A_7[%dma_start3A_8, %dma_start3A_9] : memref<10000x64xf32, #tpu.memory_space<hbm>> -> memref<10000x64xf32, #tpu.memory_space<hbm>>
    tpu.enqueue_indirect_dma source(%dma_start3A_10 : memref<10000x64xf32, #tpu.memory_space<hbm>>) target(%arg9 : memref<128x64xf32, #tpu.memory_space<vmem>>) offsets(%dma_start3A_3 : memref<128xi32, #tpu.memory_space<vmem>>) semaphore(%arg14 : memref<!tpu.dma_semaphore, #tpu.memory_space<semaphore_mem>>)
    %dma_start3A_11 = arith.constant 1 : i32
    %dma_start3A_12 = arith.constant 0 : i32
    %dma_start3A_13 = tpu.memref_slice %arg7[%dma_start3A_11, %dma_start3A_12] : memref<160x128xi32, #tpu.memory_space<vmem>> -> memref<1x128xi32, #tpu.memory_space<vmem>>
    %dma_start3A_14 = tpu.memref_squeeze %dma_start3A_13 : memref<1x128xi32, #tpu.memory_space<vmem>> -> memref<128xi32, #tpu.memory_space<vmem>>
    %dma_start3A_15 = arith.constant 0 : i32
    %dma_start3A_16 = arith.constant 0 : i32
    %dma_start3A_17 = tpu.memref_slice %arg2[%arg0, %dma_start3A_15, %dma_start3A_16] : memref<2x10000x64xf32, #tpu.memory_space<hbm>> -> memref<1x10000x64xf32, #tpu.memory_space<hbm>>
    %dma_start3A_18 = tpu.memref_squeeze %dma_start3A_17 : memref<1x10000x64xf32, #tpu.memory_space<hbm>> -> memref<10000x64xf32, #tpu.memory_space<hbm>>
    %dma_start3A_19 = arith.constant 0 : i32
    %dma_start3A_20 = arith.constant 0 : i32
    %dma_start3A_21 = tpu.memref_slice %dma_start3A_18[%dma_start3A_19, %dma_start3A_20] : memref<10000x64xf32, #tpu.memory_space<hbm>> -> memref<10000x64xf32, #tpu.memory_space<hbm>>
    tpu.enqueue_indirect_dma source(%dma_start3A_21 : memref<10000x64xf32, #tpu.memory_space<hbm>>) target(%arg10 : memref<128x64xf32, #tpu.memory_space<vmem>>) offsets(%dma_start3A_14 : memref<128xi32, #tpu.memory_space<vmem>>) semaphore(%arg15 : memref<!tpu.dma_semaphore, #tpu.memory_space<semaphore_mem>>)
    %scan3A = arith.constant 0 : i32
    %scan3A_22 = arith.constant 0 : i32
    %scan3A_23 = arith.constant 40 : i32
    %scan3A_24 = arith.addi %scan3A_22, %scan3A_23 : i32
    %scan3A_25 = arith.constant 1 : i32
    scf.for %scan3A_45 = %scan3A_22 to %scan3A_24 step %scan3A_25  : i32 {
      %mul3A_46 = arith.constant 4 : i32
      %mul3A_47 = arith.muli %mul3A_46, %scan3A_45 : i32
      %add3A = arith.constant 0 : i32
      %add3A_48 = arith.addi %mul3A_47, %add3A : i32
      %dma_wait3A_49 = arith.constant 0 : i32
      %dma_wait3A_50 = tpu.memref_slice %arg7[%add3A_48, %dma_wait3A_49] : memref<160x128xi32, #tpu.memory_space<vmem>> -> memref<1x128xi32, #tpu.memory_space<vmem>>
      %dma_wait3A_51 = tpu.memref_squeeze %dma_wait3A_50 : memref<1x128xi32, #tpu.memory_space<vmem>> -> memref<128xi32, #tpu.memory_space<vmem>>
      %dma_wait3A_52 = arith.constant 0 : i32
      %dma_wait3A_53 = arith.constant 0 : i32
      %dma_wait3A_54 = tpu.memref_slice %arg2[%arg0, %dma_wait3A_52, %dma_wait3A_53] : memref<2x10000x64xf32, #tpu.memory_space<hbm>> -> memref<1x10000x64xf32, #tpu.memory_space<hbm>>
      %dma_wait3A_55 = tpu.memref_squeeze %dma_wait3A_54 : memref<1x10000x64xf32, #tpu.memory_space<hbm>> -> memref<10000x64xf32, #tpu.memory_space<hbm>>
      %dma_wait3A_56 = arith.constant 0 : i32
      %dma_wait3A_57 = arith.constant 0 : i32
      %dma_wait3A_58 = tpu.memref_slice %dma_wait3A_55[%dma_wait3A_56, %dma_wait3A_57] : memref<10000x64xf32, #tpu.memory_space<hbm>> -> memref<10000x64xf32, #tpu.memory_space<hbm>>
      tpu.wait_indirect_dma semaphore(%arg14 : memref<!tpu.dma_semaphore, #tpu.memory_space<semaphore_mem>>) src(%dma_wait3A_58 : memref<10000x64xf32, #tpu.memory_space<hbm>>) dst(%arg9 : memref<128x64xf32, #tpu.memory_space<vmem>>)
      %dma_start3A_59 = arith.constant 0 : i32
      %dma_start3A_60 = tpu.memref_slice %arg8[%add3A_48, %dma_start3A_59] : memref<160x128xi32, #tpu.memory_space<vmem>> -> memref<1x128xi32, #tpu.memory_space<vmem>>
      %dma_start3A_61 = tpu.memref_squeeze %dma_start3A_60 : memref<1x128xi32, #tpu.memory_space<vmem>> -> memref<128xi32, #tpu.memory_space<vmem>>
      %dma_start3A_62 = arith.constant 0 : i32
      %dma_start3A_63 = arith.constant 0 : i32
      %dma_start3A_64 = tpu.memref_slice %arg13[%dma_start3A_62, %dma_start3A_63] : memref<10112x64xf32, #tpu.memory_space<vmem_shared>> -> memref<10112x64xf32, #tpu.memory_space<vmem_shared>>
      tpu.enqueue_indirect_dma source(%arg9 : memref<128x64xf32, #tpu.memory_space<vmem>>) target(%dma_start3A_64 : memref<10112x64xf32, #tpu.memory_space<vmem_shared>>) offsets(%dma_start3A_61 : memref<128xi32, #tpu.memory_space<vmem>>) semaphore(%arg18 : memref<!tpu.dma_semaphore, #tpu.memory_space<semaphore_mem>>) {add = true}
      %gt3A = arith.constant 0 : i32
      %gt3A_65 = arith.cmpi sgt, %scan3A_45, %gt3A : i32
      %convert_element_type3A = arith.extui %gt3A_65 : i1 to i32
      %cond3A = arith.constant 0 : i32
      %cond3A_66 = arith.cmpi ne, %convert_element_type3A, %cond3A : i32
      scf.if %cond3A_66 {
        %sub3A_174 = arith.constant 2 : i32
        %sub3A_175 = arith.subi %add3A_48, %sub3A_174 : i32
        %dma_wait3A_176 = arith.constant 0 : i32
        %dma_wait3A_177 = tpu.memref_slice %arg8[%sub3A_175, %dma_wait3A_176] : memref<160x128xi32, #tpu.memory_space<vmem>> -> memref<1x128xi32, #tpu.memory_space<vmem>>
        %dma_wait3A_178 = tpu.memref_squeeze %dma_wait3A_177 : memref<1x128xi32, #tpu.memory_space<vmem>> -> memref<128xi32, #tpu.memory_space<vmem>>
        %dma_wait3A_179 = arith.constant 0 : i32
        %dma_wait3A_180 = arith.constant 0 : i32
        %dma_wait3A_181 = tpu.memref_slice %arg13[%dma_wait3A_179, %dma_wait3A_180] : memref<10112x64xf32, #tpu.memory_space<vmem_shared>> -> memref<10112x64xf32, #tpu.memory_space<vmem_shared>>
        tpu.wait_indirect_dma semaphore(%arg20 : memref<!tpu.dma_semaphore, #tpu.memory_space<semaphore_mem>>) src(%arg11 : memref<128x64xf32, #tpu.memory_space<vmem>>) dst(%dma_wait3A_181 : memref<10112x64xf32, #tpu.memory_space<vmem_shared>>)
      } else {
      }
      %add3A_67 = arith.constant 2 : i32
      %add3A_68 = arith.addi %add3A_48, %add3A_67 : i32
      %dma_start3A_69 = arith.constant 0 : i32
      %dma_start3A_70 = tpu.memref_slice %arg7[%add3A_68, %dma_start3A_69] : memref<160x128xi32, #tpu.memory_space<vmem>> -> memref<1x128xi32, #tpu.memory_space<vmem>>
      %dma_start3A_71 = tpu.memref_squeeze %dma_start3A_70 : memref<1x128xi32, #tpu.memory_space<vmem>> -> memref<128xi32, #tpu.memory_space<vmem>>
      %dma_start3A_72 = arith.constant 0 : i32
      %dma_start3A_73 = arith.constant 0 : i32
      %dma_start3A_74 = tpu.memref_slice %arg2[%arg0, %dma_start3A_72, %dma_start3A_73] : memref<2x10000x64xf32, #tpu.memory_space<hbm>> -> memref<1x10000x64xf32, #tpu.memory_space<hbm>>
      %dma_start3A_75 = tpu.memref_squeeze %dma_start3A_74 : memref<1x10000x64xf32, #tpu.memory_space<hbm>> -> memref<10000x64xf32, #tpu.memory_space<hbm>>
      %dma_start3A_76 = arith.constant 0 : i32
      %dma_start3A_77 = arith.constant 0 : i32
      %dma_start3A_78 = tpu.memref_slice %dma_start3A_75[%dma_start3A_76, %dma_start3A_77] : memref<10000x64xf32, #tpu.memory_space<hbm>> -> memref<10000x64xf32, #tpu.memory_space<hbm>>
      tpu.enqueue_indirect_dma source(%dma_start3A_78 : memref<10000x64xf32, #tpu.memory_space<hbm>>) target(%arg11 : memref<128x64xf32, #tpu.memory_space<vmem>>) offsets(%dma_start3A_71 : memref<128xi32, #tpu.memory_space<vmem>>) semaphore(%arg16 : memref<!tpu.dma_semaphore, #tpu.memory_space<semaphore_mem>>)
      %add3A_79 = arith.constant 1 : i32
      %add3A_80 = arith.addi %mul3A_47, %add3A_79 : i32
      %dma_wait3A_81 = arith.constant 0 : i32
      %dma_wait3A_82 = tpu.memref_slice %arg7[%add3A_80, %dma_wait3A_81] : memref<160x128xi32, #tpu.memory_space<vmem>> -> memref<1x128xi32, #tpu.memory_space<vmem>>
      %dma_wait3A_83 = tpu.memref_squeeze %dma_wait3A_82 : memref<1x128xi32, #tpu.memory_space<vmem>> -> memref<128xi32, #tpu.memory_space<vmem>>
      %dma_wait3A_84 = arith.constant 0 : i32
      %dma_wait3A_85 = arith.constant 0 : i32
      %dma_wait3A_86 = tpu.memref_slice %arg2[%arg0, %dma_wait3A_84, %dma_wait3A_85] : memref<2x10000x64xf32, #tpu.memory_space<hbm>> -> memref<1x10000x64xf32, #tpu.memory_space<hbm>>
      %dma_wait3A_87 = tpu.memref_squeeze %dma_wait3A_86 : memref<1x10000x64xf32, #tpu.memory_space<hbm>> -> memref<10000x64xf32, #tpu.memory_space<hbm>>
      %dma_wait3A_88 = arith.constant 0 : i32
      %dma_wait3A_89 = arith.constant 0 : i32
      %dma_wait3A_90 = tpu.memref_slice %dma_wait3A_87[%dma_wait3A_88, %dma_wait3A_89] : memref<10000x64xf32, #tpu.memory_space<hbm>> -> memref<10000x64xf32, #tpu.memory_space<hbm>>
      tpu.wait_indirect_dma semaphore(%arg15 : memref<!tpu.dma_semaphore, #tpu.memory_space<semaphore_mem>>) src(%dma_wait3A_90 : memref<10000x64xf32, #tpu.memory_space<hbm>>) dst(%arg10 : memref<128x64xf32, #tpu.memory_space<vmem>>)
      %dma_start3A_91 = arith.constant 0 : i32
      %dma_start3A_92 = tpu.memref_slice %arg8[%add3A_80, %dma_start3A_91] : memref<160x128xi32, #tpu.memory_space<vmem>> -> memref<1x128xi32, #tpu.memory_space<vmem>>
      %dma_start3A_93 = tpu.memref_squeeze %dma_start3A_92 : memref<1x128xi32, #tpu.memory_space<vmem>> -> memref<128xi32, #tpu.memory_space<vmem>>
      %dma_start3A_94 = arith.constant 0 : i32
      %dma_start3A_95 = arith.constant 0 : i32
      %dma_start3A_96 = tpu.memref_slice %arg13[%dma_start3A_94, %dma_start3A_95] : memref<10112x64xf32, #tpu.memory_space<vmem_shared>> -> memref<10112x64xf32, #tpu.memory_space<vmem_shared>>
      tpu.enqueue_indirect_dma source(%arg10 : memref<128x64xf32, #tpu.memory_space<vmem>>) target(%dma_start3A_96 : memref<10112x64xf32, #tpu.memory_space<vmem_shared>>) offsets(%dma_start3A_93 : memref<128xi32, #tpu.memory_space<vmem>>) semaphore(%arg19 : memref<!tpu.dma_semaphore, #tpu.memory_space<semaphore_mem>>) {add = true}
      %gt3A_97 = arith.constant 0 : i32
      %gt3A_98 = arith.cmpi sgt, %scan3A_45, %gt3A_97 : i32
      %convert_element_type3A_99 = arith.extui %gt3A_98 : i1 to i32
      %cond3A_100 = arith.constant 0 : i32
      %cond3A_101 = arith.cmpi ne, %convert_element_type3A_99, %cond3A_100 : i32
      scf.if %cond3A_101 {
        %sub3A_174 = arith.constant 2 : i32
        %sub3A_175 = arith.subi %add3A_80, %sub3A_174 : i32
        %dma_wait3A_176 = arith.constant 0 : i32
        %dma_wait3A_177 = tpu.memref_slice %arg8[%sub3A_175, %dma_wait3A_176] : memref<160x128xi32, #tpu.memory_space<vmem>> -> memref<1x128xi32, #tpu.memory_space<vmem>>
        %dma_wait3A_178 = tpu.memref_squeeze %dma_wait3A_177 : memref<1x128xi32, #tpu.memory_space<vmem>> -> memref<128xi32, #tpu.memory_space<vmem>>
        %dma_wait3A_179 = arith.constant 0 : i32
        %dma_wait3A_180 = arith.constant 0 : i32
        %dma_wait3A_181 = tpu.memref_slice %arg13[%dma_wait3A_179, %dma_wait3A_180] : memref<10112x64xf32, #tpu.memory_space<vmem_shared>> -> memref<10112x64xf32, #tpu.memory_space<vmem_shared>>
        tpu.wait_indirect_dma semaphore(%arg21 : memref<!tpu.dma_semaphore, #tpu.memory_space<semaphore_mem>>) src(%arg12 : memref<128x64xf32, #tpu.memory_space<vmem>>) dst(%dma_wait3A_181 : memref<10112x64xf32, #tpu.memory_space<vmem_shared>>)
      } else {
      }
      %add3A_102 = arith.constant 2 : i32
      %add3A_103 = arith.addi %add3A_80, %add3A_102 : i32
      %dma_start3A_104 = arith.constant 0 : i32
      %dma_start3A_105 = tpu.memref_slice %arg7[%add3A_103, %dma_start3A_104] : memref<160x128xi32, #tpu.memory_space<vmem>> -> memref<1x128xi32, #tpu.memory_space<vmem>>
      %dma_start3A_106 = tpu.memref_squeeze %dma_start3A_105 : memref<1x128xi32, #tpu.memory_space<vmem>> -> memref<128xi32, #tpu.memory_space<vmem>>
      %dma_start3A_107 = arith.constant 0 : i32
      %dma_start3A_108 = arith.constant 0 : i32
      %dma_start3A_109 = tpu.memref_slice %arg2[%arg0, %dma_start3A_107, %dma_start3A_108] : memref<2x10000x64xf32, #tpu.memory_space<hbm>> -> memref<1x10000x64xf32, #tpu.memory_space<hbm>>
      %dma_start3A_110 = tpu.memref_squeeze %dma_start3A_109 : memref<1x10000x64xf32, #tpu.memory_space<hbm>> -> memref<10000x64xf32, #tpu.memory_space<hbm>>
      %dma_start3A_111 = arith.constant 0 : i32
      %dma_start3A_112 = arith.constant 0 : i32
      %dma_start3A_113 = tpu.memref_slice %dma_start3A_110[%dma_start3A_111, %dma_start3A_112] : memref<10000x64xf32, #tpu.memory_space<hbm>> -> memref<10000x64xf32, #tpu.memory_space<hbm>>
      tpu.enqueue_indirect_dma source(%dma_start3A_113 : memref<10000x64xf32, #tpu.memory_space<hbm>>) target(%arg12 : memref<128x64xf32, #tpu.memory_space<vmem>>) offsets(%dma_start3A_106 : memref<128xi32, #tpu.memory_space<vmem>>) semaphore(%arg17 : memref<!tpu.dma_semaphore, #tpu.memory_space<semaphore_mem>>)
      %add3A_114 = arith.constant 2 : i32
      %add3A_115 = arith.addi %mul3A_47, %add3A_114 : i32
      %dma_wait3A_116 = arith.constant 0 : i32
      %dma_wait3A_117 = tpu.memref_slice %arg7[%add3A_115, %dma_wait3A_116] : memref<160x128xi32, #tpu.memory_space<vmem>> -> memref<1x128xi32, #tpu.memory_space<vmem>>
      %dma_wait3A_118 = tpu.memref_squeeze %dma_wait3A_117 : memref<1x128xi32, #tpu.memory_space<vmem>> -> memref<128xi32, #tpu.memory_space<vmem>>
      %dma_wait3A_119 = arith.constant 0 : i32
      %dma_wait3A_120 = arith.constant 0 : i32
      %dma_wait3A_121 = tpu.memref_slice %arg2[%arg0, %dma_wait3A_119, %dma_wait3A_120] : memref<2x10000x64xf32, #tpu.memory_space<hbm>> -> memref<1x10000x64xf32, #tpu.memory_space<hbm>>
      %dma_wait3A_122 = tpu.memref_squeeze %dma_wait3A_121 : memref<1x10000x64xf32, #tpu.memory_space<hbm>> -> memref<10000x64xf32, #tpu.memory_space<hbm>>
      %dma_wait3A_123 = arith.constant 0 : i32
      %dma_wait3A_124 = arith.constant 0 : i32
      %dma_wait3A_125 = tpu.memref_slice %dma_wait3A_122[%dma_wait3A_123, %dma_wait3A_124] : memref<10000x64xf32, #tpu.memory_space<hbm>> -> memref<10000x64xf32, #tpu.memory_space<hbm>>
      tpu.wait_indirect_dma semaphore(%arg16 : memref<!tpu.dma_semaphore, #tpu.memory_space<semaphore_mem>>) src(%dma_wait3A_125 : memref<10000x64xf32, #tpu.memory_space<hbm>>) dst(%arg11 : memref<128x64xf32, #tpu.memory_space<vmem>>)
      %dma_start3A_126 = arith.constant 0 : i32
      %dma_start3A_127 = tpu.memref_slice %arg8[%add3A_115, %dma_start3A_126] : memref<160x128xi32, #tpu.memory_space<vmem>> -> memref<1x128xi32, #tpu.memory_space<vmem>>
      %dma_start3A_128 = tpu.memref_squeeze %dma_start3A_127 : memref<1x128xi32, #tpu.memory_space<vmem>> -> memref<128xi32, #tpu.memory_space<vmem>>
      %dma_start3A_129 = arith.constant 0 : i32
      %dma_start3A_130 = arith.constant 0 : i32
      %dma_start3A_131 = tpu.memref_slice %arg13[%dma_start3A_129, %dma_start3A_130] : memref<10112x64xf32, #tpu.memory_space<vmem_shared>> -> memref<10112x64xf32, #tpu.memory_space<vmem_shared>>
      tpu.enqueue_indirect_dma source(%arg11 : memref<128x64xf32, #tpu.memory_space<vmem>>) target(%dma_start3A_131 : memref<10112x64xf32, #tpu.memory_space<vmem_shared>>) offsets(%dma_start3A_128 : memref<128xi32, #tpu.memory_space<vmem>>) semaphore(%arg20 : memref<!tpu.dma_semaphore, #tpu.memory_space<semaphore_mem>>) {add = true}
      %sub3A = arith.constant 2 : i32
      %sub3A_132 = arith.subi %add3A_115, %sub3A : i32
      %dma_wait3A_133 = arith.constant 0 : i32
      %dma_wait3A_134 = tpu.memref_slice %arg8[%sub3A_132, %dma_wait3A_133] : memref<160x128xi32, #tpu.memory_space<vmem>> -> memref<1x128xi32, #tpu.memory_space<vmem>>
      %dma_wait3A_135 = tpu.memref_squeeze %dma_wait3A_134 : memref<1x128xi32, #tpu.memory_space<vmem>> -> memref<128xi32, #tpu.memory_space<vmem>>
      %dma_wait3A_136 = arith.constant 0 : i32
      %dma_wait3A_137 = arith.constant 0 : i32
      %dma_wait3A_138 = tpu.memref_slice %arg13[%dma_wait3A_136, %dma_wait3A_137] : memref<10112x64xf32, #tpu.memory_space<vmem_shared>> -> memref<10112x64xf32, #tpu.memory_space<vmem_shared>>
      tpu.wait_indirect_dma semaphore(%arg18 : memref<!tpu.dma_semaphore, #tpu.memory_space<semaphore_mem>>) src(%arg9 : memref<128x64xf32, #tpu.memory_space<vmem>>) dst(%dma_wait3A_138 : memref<10112x64xf32, #tpu.memory_space<vmem_shared>>)
      %lt3A = arith.constant 39 : i32
      %lt3A_139 = arith.cmpi slt, %scan3A_45, %lt3A : i32
      %convert_element_type3A_140 = arith.extui %lt3A_139 : i1 to i32
      %cond3A_141 = arith.constant 0 : i32
      %cond3A_142 = arith.cmpi ne, %convert_element_type3A_140, %cond3A_141 : i32
      scf.if %cond3A_142 {
        %add3A_174 = arith.constant 2 : i32
        %add3A_175 = arith.addi %add3A_115, %add3A_174 : i32
        %dma_start3A_176 = arith.constant 0 : i32
        %dma_start3A_177 = tpu.memref_slice %arg7[%add3A_175, %dma_start3A_176] : memref<160x128xi32, #tpu.memory_space<vmem>> -> memref<1x128xi32, #tpu.memory_space<vmem>>
        %dma_start3A_178 = tpu.memref_squeeze %dma_start3A_177 : memref<1x128xi32, #tpu.memory_space<vmem>> -> memref<128xi32, #tpu.memory_space<vmem>>
        %dma_start3A_179 = arith.constant 0 : i32
        %dma_start3A_180 = arith.constant 0 : i32
        %dma_start3A_181 = tpu.memref_slice %arg2[%arg0, %dma_start3A_179, %dma_start3A_180] : memref<2x10000x64xf32, #tpu.memory_space<hbm>> -> memref<1x10000x64xf32, #tpu.memory_space<hbm>>
        %dma_start3A_182 = tpu.memref_squeeze %dma_start3A_181 : memref<1x10000x64xf32, #tpu.memory_space<hbm>> -> memref<10000x64xf32, #tpu.memory_space<hbm>>
        %dma_start3A_183 = arith.constant 0 : i32
        %dma_start3A_184 = arith.constant 0 : i32
        %dma_start3A_185 = tpu.memref_slice %dma_start3A_182[%dma_start3A_183, %dma_start3A_184] : memref<10000x64xf32, #tpu.memory_space<hbm>> -> memref<10000x64xf32, #tpu.memory_space<hbm>>
        tpu.enqueue_indirect_dma source(%dma_start3A_185 : memref<10000x64xf32, #tpu.memory_space<hbm>>) target(%arg9 : memref<128x64xf32, #tpu.memory_space<vmem>>) offsets(%dma_start3A_178 : memref<128xi32, #tpu.memory_space<vmem>>) semaphore(%arg14 : memref<!tpu.dma_semaphore, #tpu.memory_space<semaphore_mem>>)
      } else {
      }
      %add3A_143 = arith.constant 3 : i32
      %add3A_144 = arith.addi %mul3A_47, %add3A_143 : i32
      %dma_wait3A_145 = arith.constant 0 : i32
      %dma_wait3A_146 = tpu.memref_slice %arg7[%add3A_144, %dma_wait3A_145] : memref<160x128xi32, #tpu.memory_space<vmem>> -> memref<1x128xi32, #tpu.memory_space<vmem>>
      %dma_wait3A_147 = tpu.memref_squeeze %dma_wait3A_146 : memref<1x128xi32, #tpu.memory_space<vmem>> -> memref<128xi32, #tpu.memory_space<vmem>>
      %dma_wait3A_148 = arith.constant 0 : i32
      %dma_wait3A_149 = arith.constant 0 : i32
      %dma_wait3A_150 = tpu.memref_slice %arg2[%arg0, %dma_wait3A_148, %dma_wait3A_149] : memref<2x10000x64xf32, #tpu.memory_space<hbm>> -> memref<1x10000x64xf32, #tpu.memory_space<hbm>>
      %dma_wait3A_151 = tpu.memref_squeeze %dma_wait3A_150 : memref<1x10000x64xf32, #tpu.memory_space<hbm>> -> memref<10000x64xf32, #tpu.memory_space<hbm>>
      %dma_wait3A_152 = arith.constant 0 : i32
      %dma_wait3A_153 = arith.constant 0 : i32
      %dma_wait3A_154 = tpu.memref_slice %dma_wait3A_151[%dma_wait3A_152, %dma_wait3A_153] : memref<10000x64xf32, #tpu.memory_space<hbm>> -> memref<10000x64xf32, #tpu.memory_space<hbm>>
      tpu.wait_indirect_dma semaphore(%arg17 : memref<!tpu.dma_semaphore, #tpu.memory_space<semaphore_mem>>) src(%dma_wait3A_154 : memref<10000x64xf32, #tpu.memory_space<hbm>>) dst(%arg12 : memref<128x64xf32, #tpu.memory_space<vmem>>)
      %dma_start3A_155 = arith.constant 0 : i32
      %dma_start3A_156 = tpu.memref_slice %arg8[%add3A_144, %dma_start3A_155] : memref<160x128xi32, #tpu.memory_space<vmem>> -> memref<1x128xi32, #tpu.memory_space<vmem>>
      %dma_start3A_157 = tpu.memref_squeeze %dma_start3A_156 : memref<1x128xi32, #tpu.memory_space<vmem>> -> memref<128xi32, #tpu.memory_space<vmem>>
      %dma_start3A_158 = arith.constant 0 : i32
      %dma_start3A_159 = arith.constant 0 : i32
      %dma_start3A_160 = tpu.memref_slice %arg13[%dma_start3A_158, %dma_start3A_159] : memref<10112x64xf32, #tpu.memory_space<vmem_shared>> -> memref<10112x64xf32, #tpu.memory_space<vmem_shared>>
      tpu.enqueue_indirect_dma source(%arg12 : memref<128x64xf32, #tpu.memory_space<vmem>>) target(%dma_start3A_160 : memref<10112x64xf32, #tpu.memory_space<vmem_shared>>) offsets(%dma_start3A_157 : memref<128xi32, #tpu.memory_space<vmem>>) semaphore(%arg21 : memref<!tpu.dma_semaphore, #tpu.memory_space<semaphore_mem>>) {add = true}
      %sub3A_161 = arith.constant 2 : i32
      %sub3A_162 = arith.subi %add3A_144, %sub3A_161 : i32
      %dma_wait3A_163 = arith.constant 0 : i32
      %dma_wait3A_164 = tpu.memref_slice %arg8[%sub3A_162, %dma_wait3A_163] : memref<160x128xi32, #tpu.memory_space<vmem>> -> memref<1x128xi32, #tpu.memory_space<vmem>>
      %dma_wait3A_165 = tpu.memref_squeeze %dma_wait3A_164 : memref<1x128xi32, #tpu.memory_space<vmem>> -> memref<128xi32, #tpu.memory_space<vmem>>
      %dma_wait3A_166 = arith.constant 0 : i32
      %dma_wait3A_167 = arith.constant 0 : i32
      %dma_wait3A_168 = tpu.memref_slice %arg13[%dma_wait3A_166, %dma_wait3A_167] : memref<10112x64xf32, #tpu.memory_space<vmem_shared>> -> memref<10112x64xf32, #tpu.memory_space<vmem_shared>>
      tpu.wait_indirect_dma semaphore(%arg19 : memref<!tpu.dma_semaphore, #tpu.memory_space<semaphore_mem>>) src(%arg10 : memref<128x64xf32, #tpu.memory_space<vmem>>) dst(%dma_wait3A_168 : memref<10112x64xf32, #tpu.memory_space<vmem_shared>>)
      %lt3A_169 = arith.constant 39 : i32
      %lt3A_170 = arith.cmpi slt, %scan3A_45, %lt3A_169 : i32
      %convert_element_type3A_171 = arith.extui %lt3A_170 : i1 to i32
      %cond3A_172 = arith.constant 0 : i32
      %cond3A_173 = arith.cmpi ne, %convert_element_type3A_171, %cond3A_172 : i32
      scf.if %cond3A_173 {
        %add3A_174 = arith.constant 2 : i32
        %add3A_175 = arith.addi %add3A_144, %add3A_174 : i32
        %dma_start3A_176 = arith.constant 0 : i32
        %dma_start3A_177 = tpu.memref_slice %arg7[%add3A_175, %dma_start3A_176] : memref<160x128xi32, #tpu.memory_space<vmem>> -> memref<1x128xi32, #tpu.memory_space<vmem>>
        %dma_start3A_178 = tpu.memref_squeeze %dma_start3A_177 : memref<1x128xi32, #tpu.memory_space<vmem>> -> memref<128xi32, #tpu.memory_space<vmem>>
        %dma_start3A_179 = arith.constant 0 : i32
        %dma_start3A_180 = arith.constant 0 : i32
        %dma_start3A_181 = tpu.memref_slice %arg2[%arg0, %dma_start3A_179, %dma_start3A_180] : memref<2x10000x64xf32, #tpu.memory_space<hbm>> -> memref<1x10000x64xf32, #tpu.memory_space<hbm>>
        %dma_start3A_182 = tpu.memref_squeeze %dma_start3A_181 : memref<1x10000x64xf32, #tpu.memory_space<hbm>> -> memref<10000x64xf32, #tpu.memory_space<hbm>>
        %dma_start3A_183 = arith.constant 0 : i32
        %dma_start3A_184 = arith.constant 0 : i32
        %dma_start3A_185 = tpu.memref_slice %dma_start3A_182[%dma_start3A_183, %dma_start3A_184] : memref<10000x64xf32, #tpu.memory_space<hbm>> -> memref<10000x64xf32, #tpu.memory_space<hbm>>
        tpu.enqueue_indirect_dma source(%dma_start3A_185 : memref<10000x64xf32, #tpu.memory_space<hbm>>) target(%arg10 : memref<128x64xf32, #tpu.memory_space<vmem>>) offsets(%dma_start3A_178 : memref<128xi32, #tpu.memory_space<vmem>>) semaphore(%arg15 : memref<!tpu.dma_semaphore, #tpu.memory_space<semaphore_mem>>)
      } else {
      }
    }
    %scan3A_26 = arith.constant 40 : i32
    %dma_wait3A = arith.constant 158 : i32
    %dma_wait3A_27 = arith.constant 0 : i32
    %dma_wait3A_28 = tpu.memref_slice %arg8[%dma_wait3A, %dma_wait3A_27] : memref<160x128xi32, #tpu.memory_space<vmem>> -> memref<1x128xi32, #tpu.memory_space<vmem>>
    %dma_wait3A_29 = tpu.memref_squeeze %dma_wait3A_28 : memref<1x128xi32, #tpu.memory_space<vmem>> -> memref<128xi32, #tpu.memory_space<vmem>>
    %dma_wait3A_30 = arith.constant 0 : i32
    %dma_wait3A_31 = arith.constant 0 : i32
    %dma_wait3A_32 = tpu.memref_slice %arg13[%dma_wait3A_30, %dma_wait3A_31] : memref<10112x64xf32, #tpu.memory_space<vmem_shared>> -> memref<10112x64xf32, #tpu.memory_space<vmem_shared>>
    tpu.wait_indirect_dma semaphore(%arg20 : memref<!tpu.dma_semaphore, #tpu.memory_space<semaphore_mem>>) src(%arg11 : memref<128x64xf32, #tpu.memory_space<vmem>>) dst(%dma_wait3A_32 : memref<10112x64xf32, #tpu.memory_space<vmem_shared>>)
    %dma_wait3A_33 = arith.constant 159 : i32
    %dma_wait3A_34 = arith.constant 0 : i32
    %dma_wait3A_35 = tpu.memref_slice %arg8[%dma_wait3A_33, %dma_wait3A_34] : memref<160x128xi32, #tpu.memory_space<vmem>> -> memref<1x128xi32, #tpu.memory_space<vmem>>
    %dma_wait3A_36 = tpu.memref_squeeze %dma_wait3A_35 : memref<1x128xi32, #tpu.memory_space<vmem>> -> memref<128xi32, #tpu.memory_space<vmem>>
    %dma_wait3A_37 = arith.constant 0 : i32
    %dma_wait3A_38 = arith.constant 0 : i32
    %dma_wait3A_39 = tpu.memref_slice %arg13[%dma_wait3A_37, %dma_wait3A_38] : memref<10112x64xf32, #tpu.memory_space<vmem_shared>> -> memref<10112x64xf32, #tpu.memory_space<vmem_shared>>
    tpu.wait_indirect_dma semaphore(%arg21 : memref<!tpu.dma_semaphore, #tpu.memory_space<semaphore_mem>>) src(%arg12 : memref<128x64xf32, #tpu.memory_space<vmem>>) dst(%dma_wait3A_39 : memref<10112x64xf32, #tpu.memory_space<vmem_shared>>)
    %barrier3A_40 = arith.constant 0 : index
    tpu.barrier barrier_id(%barrier3A_40)
    %mul3A_41 = arith.constant 632 : i32
    %mul3A_42 = arith.muli %arg1, %mul3A_41 : i32
    %mul3A_43 = arith.constant 632 : i32
    %mul3A_44 = arith.muli %arg1, %mul3A_43 : i32
    "tpu.region"() ({
      %run_scoped3A = tpu.sem_alloc : memref<!tpu.dma_semaphore, #tpu.memory_space<semaphore_mem>>
      %dma_start3A_45 = arith.constant 0 : i32
      %dma_start3A_46 = arith.constant 0 : i32
      %dma_start3A_47 = tpu.memref_slice %arg6[%arg0, %dma_start3A_45, %dma_start3A_46] : memref<2x10112x64xf32, #tpu.memory_space<hbm>> -> memref<1x10112x64xf32, #tpu.memory_space<hbm>>
      %dma_start3A_48 = tpu.memref_squeeze %dma_start3A_47 : memref<1x10112x64xf32, #tpu.memory_space<hbm>> -> memref<10112x64xf32, #tpu.memory_space<hbm>>
      %dma_start3A_49 = arith.constant 0 : i32
      %dma_start3A_50 = tpu.memref_slice %dma_start3A_48[%mul3A_44, %dma_start3A_49] : memref<10112x64xf32, #tpu.memory_space<hbm>> -> memref<632x64xf32, #tpu.memory_space<hbm>>
      %dma_start3A_51 = arith.constant 0 : i32
      %dma_start3A_52 = tpu.memref_slice %arg13[%mul3A_42, %dma_start3A_51] : memref<10112x64xf32, #tpu.memory_space<vmem_shared>> -> memref<632x64xf32, #tpu.memory_space<vmem_shared>>
      tpu.enqueue_dma source(%dma_start3A_52 : memref<632x64xf32, #tpu.memory_space<vmem_shared>>) target(%dma_start3A_50 : memref<632x64xf32, #tpu.memory_space<hbm>>) target_semaphore(%run_scoped3A : memref<!tpu.dma_semaphore, #tpu.memory_space<semaphore_mem>>)
      %dma_wait3A_53 = arith.constant 0 : i32
      %dma_wait3A_54 = arith.constant 0 : i32
      %dma_wait3A_55 = tpu.memref_slice %arg6[%arg0, %dma_wait3A_53, %dma_wait3A_54] : memref<2x10112x64xf32, #tpu.memory_space<hbm>> -> memref<1x10112x64xf32, #tpu.memory_space<hbm>>
      %dma_wait3A_56 = tpu.memref_squeeze %dma_wait3A_55 : memref<1x10112x64xf32, #tpu.memory_space<hbm>> -> memref<10112x64xf32, #tpu.memory_space<hbm>>
      %dma_wait3A_57 = arith.constant 0 : i32
      %dma_wait3A_58 = tpu.memref_slice %dma_wait3A_56[%mul3A_44, %dma_wait3A_57] : memref<10112x64xf32, #tpu.memory_space<hbm>> -> memref<632x64xf32, #tpu.memory_space<hbm>>
      %dma_wait3A_59 = arith.constant 0 : i32
      %dma_wait3A_60 = tpu.memref_slice %arg13[%mul3A_42, %dma_wait3A_59] : memref<10112x64xf32, #tpu.memory_space<vmem_shared>> -> memref<632x64xf32, #tpu.memory_space<vmem_shared>>
      tpu.wait_dma2 semaphore(%run_scoped3A : memref<!tpu.dma_semaphore, #tpu.memory_space<semaphore_mem>>) src(%dma_wait3A_60 : memref<632x64xf32, #tpu.memory_space<vmem_shared>>) dst(%dma_wait3A_58 : memref<632x64xf32, #tpu.memory_space<hbm>>)
      tpu.yield
    }) : () -> ()
    return
  }
}

#map = affine_map<(d0, d1) -> (0, 0, 0)>
#map1 = affine_map<(d0, d1) -> (0, 0)>
module attributes {stable_mosaic.version = 14 : i64} {
  func.func @body(%arg0: i32, %arg1: i32, %arg2: memref<2x10000x64xf32, #tpu.memory_space<hbm>>, %arg3: memref<16x160x128xi32, #tpu.memory_space<hbm>>, %arg4: memref<16x160x128xi32, #tpu.memory_space<hbm>>, %arg5: memref<632x64xf32, #tpu.memory_space<hbm>>, %arg6: memref<632x16xf32, #tpu.memory_space<hbm>>, %arg7: memref<128x16xf32, #tpu.memory_space<hbm>>, %arg8: memref<2x10112x64xf32, #tpu.memory_space<hbm>>, %arg9: memref<10112x16xf32, #tpu.memory_space<hbm>>, %arg10: memref<160x128xi32, #tpu.memory_space<vmem>>, %arg11: memref<160x128xi32, #tpu.memory_space<vmem>>, %arg12: memref<128x64xf32, #tpu.memory_space<vmem>>, %arg13: memref<128x64xf32, #tpu.memory_space<vmem>>, %arg14: memref<128x64xf32, #tpu.memory_space<vmem>>, %arg15: memref<128x64xf32, #tpu.memory_space<vmem>>, %arg16: memref<10112x64xf32, #tpu.memory_space<vmem_shared>>, %arg17: memref<!tpu.dma_semaphore, #tpu.memory_space<semaphore_mem>>, %arg18: memref<!tpu.dma_semaphore, #tpu.memory_space<semaphore_mem>>, %arg19: memref<!tpu.dma_semaphore, #tpu.memory_space<semaphore_mem>>, %arg20: memref<!tpu.dma_semaphore, #tpu.memory_space<semaphore_mem>>, %arg21: memref<!tpu.dma_semaphore, #tpu.memory_space<semaphore_mem>>, %arg22: memref<!tpu.dma_semaphore, #tpu.memory_space<semaphore_mem>>, %arg23: memref<!tpu.dma_semaphore, #tpu.memory_space<semaphore_mem>>, %arg24: memref<!tpu.dma_semaphore, #tpu.memory_space<semaphore_mem>>, %arg25: memref<128x16xf32, #tpu.memory_space<vmem>>, %arg26: memref<10112x16xf32, #tpu.memory_space<vmem_shared>>, %arg27: memref<!tpu.dma_semaphore, #tpu.memory_space<semaphore_mem>>) attributes {dimension_semantics = [#tpu.dimension_semantics<core_parallel>, #tpu.dimension_semantics<subcore_parallel>], iteration_bounds = array<i64: 2, 16>, scalar_prefetch = 0 : i64, scratch_operands = 18 : i64, tpu.core_type = #tpu.core_type<sc_vector_subcore>, window_params = [{transform_indices = #map}, {transform_indices = #map}, {transform_indices = #map}, {transform_indices = #map1}, {transform_indices = #map1}, {transform_indices = #map1}, {transform_indices = #map}, {transform_indices = #map1}]} {
    "tpu.region"() ({
      %run_scoped3A = tpu.sem_alloc : memref<!tpu.dma_semaphore, #tpu.memory_space<semaphore_mem>>
      %dma_start3A_57 = arith.constant 0 : i32
      %dma_start3A_58 = arith.constant 0 : i32
      %dma_start3A_59 = tpu.memref_slice %arg3[%arg1, %dma_start3A_57, %dma_start3A_58] : memref<16x160x128xi32, #tpu.memory_space<hbm>> -> memref<1x160x128xi32, #tpu.memory_space<hbm>>
      %dma_start3A_60 = tpu.memref_squeeze %dma_start3A_59 : memref<1x160x128xi32, #tpu.memory_space<hbm>> -> memref<160x128xi32, #tpu.memory_space<hbm>>
      %dma_start3A_61 = arith.constant 0 : i32
      %dma_start3A_62 = arith.constant 0 : i32
      %dma_start3A_63 = tpu.memref_slice %arg3[%arg1, %dma_start3A_61, %dma_start3A_62] : memref<16x160x128xi32, #tpu.memory_space<hbm>> -> memref<1x160x128xi32, #tpu.memory_space<hbm>>
      %dma_start3A_64 = tpu.memref_squeeze %dma_start3A_63 : memref<1x160x128xi32, #tpu.memory_space<hbm>> -> memref<160x128xi32, #tpu.memory_space<hbm>>
      tpu.enqueue_dma source(%dma_start3A_64 : memref<160x128xi32, #tpu.memory_space<hbm>>) target(%arg10 : memref<160x128xi32, #tpu.memory_space<vmem>>) target_semaphore(%run_scoped3A : memref<!tpu.dma_semaphore, #tpu.memory_space<semaphore_mem>>)
      %dma_wait3A_65 = arith.constant 0 : i32
      %dma_wait3A_66 = arith.constant 0 : i32
      %dma_wait3A_67 = tpu.memref_slice %arg3[%arg1, %dma_wait3A_65, %dma_wait3A_66] : memref<16x160x128xi32, #tpu.memory_space<hbm>> -> memref<1x160x128xi32, #tpu.memory_space<hbm>>
      %dma_wait3A_68 = tpu.memref_squeeze %dma_wait3A_67 : memref<1x160x128xi32, #tpu.memory_space<hbm>> -> memref<160x128xi32, #tpu.memory_space<hbm>>
      %dma_wait3A_69 = arith.constant 0 : i32
      %dma_wait3A_70 = arith.constant 0 : i32
      %dma_wait3A_71 = tpu.memref_slice %arg3[%arg1, %dma_wait3A_69, %dma_wait3A_70] : memref<16x160x128xi32, #tpu.memory_space<hbm>> -> memref<1x160x128xi32, #tpu.memory_space<hbm>>
      %dma_wait3A_72 = tpu.memref_squeeze %dma_wait3A_71 : memref<1x160x128xi32, #tpu.memory_space<hbm>> -> memref<160x128xi32, #tpu.memory_space<hbm>>
      tpu.wait_dma2 semaphore(%run_scoped3A : memref<!tpu.dma_semaphore, #tpu.memory_space<semaphore_mem>>) src(%dma_wait3A_72 : memref<160x128xi32, #tpu.memory_space<hbm>>) dst(%arg10 : memref<160x128xi32, #tpu.memory_space<vmem>>)
      tpu.yield
    }) : () -> ()
    "tpu.region"() ({
      %run_scoped3A = tpu.sem_alloc : memref<!tpu.dma_semaphore, #tpu.memory_space<semaphore_mem>>
      %dma_start3A_57 = arith.constant 0 : i32
      %dma_start3A_58 = arith.constant 0 : i32
      %dma_start3A_59 = tpu.memref_slice %arg4[%arg1, %dma_start3A_57, %dma_start3A_58] : memref<16x160x128xi32, #tpu.memory_space<hbm>> -> memref<1x160x128xi32, #tpu.memory_space<hbm>>
      %dma_start3A_60 = tpu.memref_squeeze %dma_start3A_59 : memref<1x160x128xi32, #tpu.memory_space<hbm>> -> memref<160x128xi32, #tpu.memory_space<hbm>>
      %dma_start3A_61 = arith.constant 0 : i32
      %dma_start3A_62 = arith.constant 0 : i32
      %dma_start3A_63 = tpu.memref_slice %arg4[%arg1, %dma_start3A_61, %dma_start3A_62] : memref<16x160x128xi32, #tpu.memory_space<hbm>> -> memref<1x160x128xi32, #tpu.memory_space<hbm>>
      %dma_start3A_64 = tpu.memref_squeeze %dma_start3A_63 : memref<1x160x128xi32, #tpu.memory_space<hbm>> -> memref<160x128xi32, #tpu.memory_space<hbm>>
      tpu.enqueue_dma source(%dma_start3A_64 : memref<160x128xi32, #tpu.memory_space<hbm>>) target(%arg11 : memref<160x128xi32, #tpu.memory_space<vmem>>) target_semaphore(%run_scoped3A : memref<!tpu.dma_semaphore, #tpu.memory_space<semaphore_mem>>)
      %dma_wait3A_65 = arith.constant 0 : i32
      %dma_wait3A_66 = arith.constant 0 : i32
      %dma_wait3A_67 = tpu.memref_slice %arg4[%arg1, %dma_wait3A_65, %dma_wait3A_66] : memref<16x160x128xi32, #tpu.memory_space<hbm>> -> memref<1x160x128xi32, #tpu.memory_space<hbm>>
      %dma_wait3A_68 = tpu.memref_squeeze %dma_wait3A_67 : memref<1x160x128xi32, #tpu.memory_space<hbm>> -> memref<160x128xi32, #tpu.memory_space<hbm>>
      %dma_wait3A_69 = arith.constant 0 : i32
      %dma_wait3A_70 = arith.constant 0 : i32
      %dma_wait3A_71 = tpu.memref_slice %arg4[%arg1, %dma_wait3A_69, %dma_wait3A_70] : memref<16x160x128xi32, #tpu.memory_space<hbm>> -> memref<1x160x128xi32, #tpu.memory_space<hbm>>
      %dma_wait3A_72 = tpu.memref_squeeze %dma_wait3A_71 : memref<1x160x128xi32, #tpu.memory_space<hbm>> -> memref<160x128xi32, #tpu.memory_space<hbm>>
      tpu.wait_dma2 semaphore(%run_scoped3A : memref<!tpu.dma_semaphore, #tpu.memory_space<semaphore_mem>>) src(%dma_wait3A_72 : memref<160x128xi32, #tpu.memory_space<hbm>>) dst(%arg11 : memref<160x128xi32, #tpu.memory_space<vmem>>)
      tpu.yield
    }) : () -> ()
    %mul3A = arith.constant 632 : i32
    %mul3A_0 = arith.muli %arg1, %mul3A : i32
    "tpu.region"() ({
      %run_scoped3A = tpu.sem_alloc : memref<!tpu.dma_semaphore, #tpu.memory_space<semaphore_mem>>
      %dma_start3A_57 = arith.constant 0 : i32
      %dma_start3A_58 = tpu.memref_slice %arg16[%mul3A_0, %dma_start3A_57] : memref<10112x64xf32, #tpu.memory_space<vmem_shared>> -> memref<632x64xf32, #tpu.memory_space<vmem_shared>>
      tpu.enqueue_dma source(%arg5 : memref<632x64xf32, #tpu.memory_space<hbm>>) target(%dma_start3A_58 : memref<632x64xf32, #tpu.memory_space<vmem_shared>>) target_semaphore(%run_scoped3A : memref<!tpu.dma_semaphore, #tpu.memory_space<semaphore_mem>>)
      %dma_wait3A_59 = arith.constant 0 : i32
      %dma_wait3A_60 = tpu.memref_slice %arg16[%mul3A_0, %dma_wait3A_59] : memref<10112x64xf32, #tpu.memory_space<vmem_shared>> -> memref<632x64xf32, #tpu.memory_space<vmem_shared>>
      tpu.wait_dma2 semaphore(%run_scoped3A : memref<!tpu.dma_semaphore, #tpu.memory_space<semaphore_mem>>) src(%arg5 : memref<632x64xf32, #tpu.memory_space<hbm>>) dst(%dma_wait3A_60 : memref<632x64xf32, #tpu.memory_space<vmem_shared>>)
      tpu.yield
    }) : () -> ()
    %eq3A = arith.constant 0 : i32
    %eq3A_1 = arith.cmpi eq, %arg0, %eq3A : i32
    %convert_element_type3A = arith.extui %eq3A_1 : i1 to i32
    %cond3A = arith.constant 0 : i32
    %cond3A_2 = arith.cmpi ne, %convert_element_type3A, %cond3A : i32
    scf.if %cond3A_2 {
      %mul3A_57 = arith.constant 632 : i32
      %mul3A_58 = arith.muli %arg1, %mul3A_57 : i32
      "tpu.region"() ({
        %run_scoped3A = tpu.sem_alloc : memref<!tpu.dma_semaphore, #tpu.memory_space<semaphore_mem>>
        %dma_start3A_59 = arith.constant 0 : i32
        %dma_start3A_60 = tpu.memref_slice %arg26[%mul3A_58, %dma_start3A_59] : memref<10112x16xf32, #tpu.memory_space<vmem_shared>> -> memref<632x16xf32, #tpu.memory_space<vmem_shared>>
        tpu.enqueue_dma source(%arg6 : memref<632x16xf32, #tpu.memory_space<hbm>>) target(%dma_start3A_60 : memref<632x16xf32, #tpu.memory_space<vmem_shared>>) target_semaphore(%run_scoped3A : memref<!tpu.dma_semaphore, #tpu.memory_space<semaphore_mem>>)
        %dma_wait3A_61 = arith.constant 0 : i32
        %dma_wait3A_62 = tpu.memref_slice %arg26[%mul3A_58, %dma_wait3A_61] : memref<10112x16xf32, #tpu.memory_space<vmem_shared>> -> memref<632x16xf32, #tpu.memory_space<vmem_shared>>
        tpu.wait_dma2 semaphore(%run_scoped3A : memref<!tpu.dma_semaphore, #tpu.memory_space<semaphore_mem>>) src(%arg6 : memref<632x16xf32, #tpu.memory_space<hbm>>) dst(%dma_wait3A_62 : memref<632x16xf32, #tpu.memory_space<vmem_shared>>)
        tpu.yield
      }) : () -> ()
      "tpu.region"() ({
        %run_scoped3A = tpu.sem_alloc : memref<!tpu.dma_semaphore, #tpu.memory_space<semaphore_mem>>
        tpu.enqueue_dma source(%arg7 : memref<128x16xf32, #tpu.memory_space<hbm>>) target(%arg25 : memref<128x16xf32, #tpu.memory_space<vmem>>) target_semaphore(%run_scoped3A : memref<!tpu.dma_semaphore, #tpu.memory_space<semaphore_mem>>)
        tpu.wait_dma2 semaphore(%run_scoped3A : memref<!tpu.dma_semaphore, #tpu.memory_space<semaphore_mem>>) src(%arg7 : memref<128x16xf32, #tpu.memory_space<hbm>>) dst(%arg25 : memref<128x16xf32, #tpu.memory_space<vmem>>)
        tpu.yield
      }) : () -> ()
    } else {
    }
    %barrier3A = arith.constant 0 : index
    tpu.barrier barrier_id(%barrier3A)
    %dma_start3A = arith.constant 0 : i32
    %dma_start3A_3 = arith.constant 0 : i32
    %dma_start3A_4 = tpu.memref_slice %arg10[%dma_start3A, %dma_start3A_3] : memref<160x128xi32, #tpu.memory_space<vmem>> -> memref<1x128xi32, #tpu.memory_space<vmem>>
    %dma_start3A_5 = tpu.memref_squeeze %dma_start3A_4 : memref<1x128xi32, #tpu.memory_space<vmem>> -> memref<128xi32, #tpu.memory_space<vmem>>
    %dma_start3A_6 = arith.constant 0 : i32
    %dma_start3A_7 = arith.constant 0 : i32
    %dma_start3A_8 = tpu.memref_slice %arg2[%arg0, %dma_start3A_6, %dma_start3A_7] : memref<2x10000x64xf32, #tpu.memory_space<hbm>> -> memref<1x10000x64xf32, #tpu.memory_space<hbm>>
    %dma_start3A_9 = tpu.memref_squeeze %dma_start3A_8 : memref<1x10000x64xf32, #tpu.memory_space<hbm>> -> memref<10000x64xf32, #tpu.memory_space<hbm>>
    %dma_start3A_10 = arith.constant 0 : i32
    %dma_start3A_11 = arith.constant 0 : i32
    %dma_start3A_12 = tpu.memref_slice %dma_start3A_9[%dma_start3A_10, %dma_start3A_11] : memref<10000x64xf32, #tpu.memory_space<hbm>> -> memref<10000x64xf32, #tpu.memory_space<hbm>>
    tpu.enqueue_indirect_dma source(%dma_start3A_12 : memref<10000x64xf32, #tpu.memory_space<hbm>>) target(%arg12 : memref<128x64xf32, #tpu.memory_space<vmem>>) offsets(%dma_start3A_5 : memref<128xi32, #tpu.memory_space<vmem>>) semaphore(%arg17 : memref<!tpu.dma_semaphore, #tpu.memory_space<semaphore_mem>>)
    %dma_start3A_13 = arith.constant 1 : i32
    %dma_start3A_14 = arith.constant 0 : i32
    %dma_start3A_15 = tpu.memref_slice %arg10[%dma_start3A_13, %dma_start3A_14] : memref<160x128xi32, #tpu.memory_space<vmem>> -> memref<1x128xi32, #tpu.memory_space<vmem>>
    %dma_start3A_16 = tpu.memref_squeeze %dma_start3A_15 : memref<1x128xi32, #tpu.memory_space<vmem>> -> memref<128xi32, #tpu.memory_space<vmem>>
    %dma_start3A_17 = arith.constant 0 : i32
    %dma_start3A_18 = arith.constant 0 : i32
    %dma_start3A_19 = tpu.memref_slice %arg2[%arg0, %dma_start3A_17, %dma_start3A_18] : memref<2x10000x64xf32, #tpu.memory_space<hbm>> -> memref<1x10000x64xf32, #tpu.memory_space<hbm>>
    %dma_start3A_20 = tpu.memref_squeeze %dma_start3A_19 : memref<1x10000x64xf32, #tpu.memory_space<hbm>> -> memref<10000x64xf32, #tpu.memory_space<hbm>>
    %dma_start3A_21 = arith.constant 0 : i32
    %dma_start3A_22 = arith.constant 0 : i32
    %dma_start3A_23 = tpu.memref_slice %dma_start3A_20[%dma_start3A_21, %dma_start3A_22] : memref<10000x64xf32, #tpu.memory_space<hbm>> -> memref<10000x64xf32, #tpu.memory_space<hbm>>
    tpu.enqueue_indirect_dma source(%dma_start3A_23 : memref<10000x64xf32, #tpu.memory_space<hbm>>) target(%arg13 : memref<128x64xf32, #tpu.memory_space<vmem>>) offsets(%dma_start3A_16 : memref<128xi32, #tpu.memory_space<vmem>>) semaphore(%arg18 : memref<!tpu.dma_semaphore, #tpu.memory_space<semaphore_mem>>)
    %scan3A = arith.constant 0 : i32
    %scan3A_24 = arith.constant 0 : i32
    %scan3A_25 = arith.constant 40 : i32
    %scan3A_26 = arith.addi %scan3A_24, %scan3A_25 : i32
    %scan3A_27 = arith.constant 1 : i32
    scf.for %scan3A_57 = %scan3A_24 to %scan3A_26 step %scan3A_27  : i32 {
      %mul3A_58 = arith.constant 4 : i32
      %mul3A_59 = arith.muli %mul3A_58, %scan3A_57 : i32
      %add3A = arith.constant 0 : i32
      %add3A_60 = arith.addi %mul3A_59, %add3A : i32
      %dma_wait3A_61 = arith.constant 0 : i32
      %dma_wait3A_62 = tpu.memref_slice %arg10[%add3A_60, %dma_wait3A_61] : memref<160x128xi32, #tpu.memory_space<vmem>> -> memref<1x128xi32, #tpu.memory_space<vmem>>
      %dma_wait3A_63 = tpu.memref_squeeze %dma_wait3A_62 : memref<1x128xi32, #tpu.memory_space<vmem>> -> memref<128xi32, #tpu.memory_space<vmem>>
      %dma_wait3A_64 = arith.constant 0 : i32
      %dma_wait3A_65 = arith.constant 0 : i32
      %dma_wait3A_66 = tpu.memref_slice %arg2[%arg0, %dma_wait3A_64, %dma_wait3A_65] : memref<2x10000x64xf32, #tpu.memory_space<hbm>> -> memref<1x10000x64xf32, #tpu.memory_space<hbm>>
      %dma_wait3A_67 = tpu.memref_squeeze %dma_wait3A_66 : memref<1x10000x64xf32, #tpu.memory_space<hbm>> -> memref<10000x64xf32, #tpu.memory_space<hbm>>
      %dma_wait3A_68 = arith.constant 0 : i32
      %dma_wait3A_69 = arith.constant 0 : i32
      %dma_wait3A_70 = tpu.memref_slice %dma_wait3A_67[%dma_wait3A_68, %dma_wait3A_69] : memref<10000x64xf32, #tpu.memory_space<hbm>> -> memref<10000x64xf32, #tpu.memory_space<hbm>>
      tpu.wait_indirect_dma semaphore(%arg17 : memref<!tpu.dma_semaphore, #tpu.memory_space<semaphore_mem>>) src(%dma_wait3A_70 : memref<10000x64xf32, #tpu.memory_space<hbm>>) dst(%arg12 : memref<128x64xf32, #tpu.memory_space<vmem>>)
      %dma_start3A_71 = arith.constant 0 : i32
      %dma_start3A_72 = tpu.memref_slice %arg11[%add3A_60, %dma_start3A_71] : memref<160x128xi32, #tpu.memory_space<vmem>> -> memref<1x128xi32, #tpu.memory_space<vmem>>
      %dma_start3A_73 = tpu.memref_squeeze %dma_start3A_72 : memref<1x128xi32, #tpu.memory_space<vmem>> -> memref<128xi32, #tpu.memory_space<vmem>>
      %dma_start3A_74 = arith.constant 0 : i32
      %dma_start3A_75 = arith.constant 0 : i32
      %dma_start3A_76 = tpu.memref_slice %arg16[%dma_start3A_74, %dma_start3A_75] : memref<10112x64xf32, #tpu.memory_space<vmem_shared>> -> memref<10112x64xf32, #tpu.memory_space<vmem_shared>>
      tpu.enqueue_indirect_dma source(%arg12 : memref<128x64xf32, #tpu.memory_space<vmem>>) target(%dma_start3A_76 : memref<10112x64xf32, #tpu.memory_space<vmem_shared>>) offsets(%dma_start3A_73 : memref<128xi32, #tpu.memory_space<vmem>>) semaphore(%arg21 : memref<!tpu.dma_semaphore, #tpu.memory_space<semaphore_mem>>) {add = true}
      %gt3A = arith.constant 0 : i32
      %gt3A_77 = arith.cmpi sgt, %scan3A_57, %gt3A : i32
      %convert_element_type3A_78 = arith.extui %gt3A_77 : i1 to i32
      %cond3A_79 = arith.constant 0 : i32
      %cond3A_80 = arith.cmpi ne, %convert_element_type3A_78, %cond3A_79 : i32
      scf.if %cond3A_80 {
        %sub3A_200 = arith.constant 2 : i32
        %sub3A_201 = arith.subi %add3A_60, %sub3A_200 : i32
        %dma_wait3A_202 = arith.constant 0 : i32
        %dma_wait3A_203 = tpu.memref_slice %arg11[%sub3A_201, %dma_wait3A_202] : memref<160x128xi32, #tpu.memory_space<vmem>> -> memref<1x128xi32, #tpu.memory_space<vmem>>
        %dma_wait3A_204 = tpu.memref_squeeze %dma_wait3A_203 : memref<1x128xi32, #tpu.memory_space<vmem>> -> memref<128xi32, #tpu.memory_space<vmem>>
        %dma_wait3A_205 = arith.constant 0 : i32
        %dma_wait3A_206 = arith.constant 0 : i32
        %dma_wait3A_207 = tpu.memref_slice %arg16[%dma_wait3A_205, %dma_wait3A_206] : memref<10112x64xf32, #tpu.memory_space<vmem_shared>> -> memref<10112x64xf32, #tpu.memory_space<vmem_shared>>
        tpu.wait_indirect_dma semaphore(%arg23 : memref<!tpu.dma_semaphore, #tpu.memory_space<semaphore_mem>>) src(%arg14 : memref<128x64xf32, #tpu.memory_space<vmem>>) dst(%dma_wait3A_207 : memref<10112x64xf32, #tpu.memory_space<vmem_shared>>)
      } else {
      }
      %add3A_81 = arith.constant 2 : i32
      %add3A_82 = arith.addi %add3A_60, %add3A_81 : i32
      %dma_start3A_83 = arith.constant 0 : i32
      %dma_start3A_84 = tpu.memref_slice %arg10[%add3A_82, %dma_start3A_83] : memref<160x128xi32, #tpu.memory_space<vmem>> -> memref<1x128xi32, #tpu.memory_space<vmem>>
      %dma_start3A_85 = tpu.memref_squeeze %dma_start3A_84 : memref<1x128xi32, #tpu.memory_space<vmem>> -> memref<128xi32, #tpu.memory_space<vmem>>
      %dma_start3A_86 = arith.constant 0 : i32
      %dma_start3A_87 = arith.constant 0 : i32
      %dma_start3A_88 = tpu.memref_slice %arg2[%arg0, %dma_start3A_86, %dma_start3A_87] : memref<2x10000x64xf32, #tpu.memory_space<hbm>> -> memref<1x10000x64xf32, #tpu.memory_space<hbm>>
      %dma_start3A_89 = tpu.memref_squeeze %dma_start3A_88 : memref<1x10000x64xf32, #tpu.memory_space<hbm>> -> memref<10000x64xf32, #tpu.memory_space<hbm>>
      %dma_start3A_90 = arith.constant 0 : i32
      %dma_start3A_91 = arith.constant 0 : i32
      %dma_start3A_92 = tpu.memref_slice %dma_start3A_89[%dma_start3A_90, %dma_start3A_91] : memref<10000x64xf32, #tpu.memory_space<hbm>> -> memref<10000x64xf32, #tpu.memory_space<hbm>>
      tpu.enqueue_indirect_dma source(%dma_start3A_92 : memref<10000x64xf32, #tpu.memory_space<hbm>>) target(%arg14 : memref<128x64xf32, #tpu.memory_space<vmem>>) offsets(%dma_start3A_85 : memref<128xi32, #tpu.memory_space<vmem>>) semaphore(%arg19 : memref<!tpu.dma_semaphore, #tpu.memory_space<semaphore_mem>>)
      %add3A_93 = arith.constant 1 : i32
      %add3A_94 = arith.addi %mul3A_59, %add3A_93 : i32
      %dma_wait3A_95 = arith.constant 0 : i32
      %dma_wait3A_96 = tpu.memref_slice %arg10[%add3A_94, %dma_wait3A_95] : memref<160x128xi32, #tpu.memory_space<vmem>> -> memref<1x128xi32, #tpu.memory_space<vmem>>
      %dma_wait3A_97 = tpu.memref_squeeze %dma_wait3A_96 : memref<1x128xi32, #tpu.memory_space<vmem>> -> memref<128xi32, #tpu.memory_space<vmem>>
      %dma_wait3A_98 = arith.constant 0 : i32
      %dma_wait3A_99 = arith.constant 0 : i32
      %dma_wait3A_100 = tpu.memref_slice %arg2[%arg0, %dma_wait3A_98, %dma_wait3A_99] : memref<2x10000x64xf32, #tpu.memory_space<hbm>> -> memref<1x10000x64xf32, #tpu.memory_space<hbm>>
      %dma_wait3A_101 = tpu.memref_squeeze %dma_wait3A_100 : memref<1x10000x64xf32, #tpu.memory_space<hbm>> -> memref<10000x64xf32, #tpu.memory_space<hbm>>
      %dma_wait3A_102 = arith.constant 0 : i32
      %dma_wait3A_103 = arith.constant 0 : i32
      %dma_wait3A_104 = tpu.memref_slice %dma_wait3A_101[%dma_wait3A_102, %dma_wait3A_103] : memref<10000x64xf32, #tpu.memory_space<hbm>> -> memref<10000x64xf32, #tpu.memory_space<hbm>>
      tpu.wait_indirect_dma semaphore(%arg18 : memref<!tpu.dma_semaphore, #tpu.memory_space<semaphore_mem>>) src(%dma_wait3A_104 : memref<10000x64xf32, #tpu.memory_space<hbm>>) dst(%arg13 : memref<128x64xf32, #tpu.memory_space<vmem>>)
      %dma_start3A_105 = arith.constant 0 : i32
      %dma_start3A_106 = tpu.memref_slice %arg11[%add3A_94, %dma_start3A_105] : memref<160x128xi32, #tpu.memory_space<vmem>> -> memref<1x128xi32, #tpu.memory_space<vmem>>
      %dma_start3A_107 = tpu.memref_squeeze %dma_start3A_106 : memref<1x128xi32, #tpu.memory_space<vmem>> -> memref<128xi32, #tpu.memory_space<vmem>>
      %dma_start3A_108 = arith.constant 0 : i32
      %dma_start3A_109 = arith.constant 0 : i32
      %dma_start3A_110 = tpu.memref_slice %arg16[%dma_start3A_108, %dma_start3A_109] : memref<10112x64xf32, #tpu.memory_space<vmem_shared>> -> memref<10112x64xf32, #tpu.memory_space<vmem_shared>>
      tpu.enqueue_indirect_dma source(%arg13 : memref<128x64xf32, #tpu.memory_space<vmem>>) target(%dma_start3A_110 : memref<10112x64xf32, #tpu.memory_space<vmem_shared>>) offsets(%dma_start3A_107 : memref<128xi32, #tpu.memory_space<vmem>>) semaphore(%arg22 : memref<!tpu.dma_semaphore, #tpu.memory_space<semaphore_mem>>) {add = true}
      %gt3A_111 = arith.constant 0 : i32
      %gt3A_112 = arith.cmpi sgt, %scan3A_57, %gt3A_111 : i32
      %convert_element_type3A_113 = arith.extui %gt3A_112 : i1 to i32
      %cond3A_114 = arith.constant 0 : i32
      %cond3A_115 = arith.cmpi ne, %convert_element_type3A_113, %cond3A_114 : i32
      scf.if %cond3A_115 {
        %sub3A_200 = arith.constant 2 : i32
        %sub3A_201 = arith.subi %add3A_94, %sub3A_200 : i32
        %dma_wait3A_202 = arith.constant 0 : i32
        %dma_wait3A_203 = tpu.memref_slice %arg11[%sub3A_201, %dma_wait3A_202] : memref<160x128xi32, #tpu.memory_space<vmem>> -> memref<1x128xi32, #tpu.memory_space<vmem>>
        %dma_wait3A_204 = tpu.memref_squeeze %dma_wait3A_203 : memref<1x128xi32, #tpu.memory_space<vmem>> -> memref<128xi32, #tpu.memory_space<vmem>>
        %dma_wait3A_205 = arith.constant 0 : i32
        %dma_wait3A_206 = arith.constant 0 : i32
        %dma_wait3A_207 = tpu.memref_slice %arg16[%dma_wait3A_205, %dma_wait3A_206] : memref<10112x64xf32, #tpu.memory_space<vmem_shared>> -> memref<10112x64xf32, #tpu.memory_space<vmem_shared>>
        tpu.wait_indirect_dma semaphore(%arg24 : memref<!tpu.dma_semaphore, #tpu.memory_space<semaphore_mem>>) src(%arg15 : memref<128x64xf32, #tpu.memory_space<vmem>>) dst(%dma_wait3A_207 : memref<10112x64xf32, #tpu.memory_space<vmem_shared>>)
      } else {
      }
      %add3A_116 = arith.constant 2 : i32
      %add3A_117 = arith.addi %add3A_94, %add3A_116 : i32
      %dma_start3A_118 = arith.constant 0 : i32
      %dma_start3A_119 = tpu.memref_slice %arg10[%add3A_117, %dma_start3A_118] : memref<160x128xi32, #tpu.memory_space<vmem>> -> memref<1x128xi32, #tpu.memory_space<vmem>>
      %dma_start3A_120 = tpu.memref_squeeze %dma_start3A_119 : memref<1x128xi32, #tpu.memory_space<vmem>> -> memref<128xi32, #tpu.memory_space<vmem>>
      %dma_start3A_121 = arith.constant 0 : i32
      %dma_start3A_122 = arith.constant 0 : i32
      %dma_start3A_123 = tpu.memref_slice %arg2[%arg0, %dma_start3A_121, %dma_start3A_122] : memref<2x10000x64xf32, #tpu.memory_space<hbm>> -> memref<1x10000x64xf32, #tpu.memory_space<hbm>>
      %dma_start3A_124 = tpu.memref_squeeze %dma_start3A_123 : memref<1x10000x64xf32, #tpu.memory_space<hbm>> -> memref<10000x64xf32, #tpu.memory_space<hbm>>
      %dma_start3A_125 = arith.constant 0 : i32
      %dma_start3A_126 = arith.constant 0 : i32
      %dma_start3A_127 = tpu.memref_slice %dma_start3A_124[%dma_start3A_125, %dma_start3A_126] : memref<10000x64xf32, #tpu.memory_space<hbm>> -> memref<10000x64xf32, #tpu.memory_space<hbm>>
      tpu.enqueue_indirect_dma source(%dma_start3A_127 : memref<10000x64xf32, #tpu.memory_space<hbm>>) target(%arg15 : memref<128x64xf32, #tpu.memory_space<vmem>>) offsets(%dma_start3A_120 : memref<128xi32, #tpu.memory_space<vmem>>) semaphore(%arg20 : memref<!tpu.dma_semaphore, #tpu.memory_space<semaphore_mem>>)
      %add3A_128 = arith.constant 2 : i32
      %add3A_129 = arith.addi %mul3A_59, %add3A_128 : i32
      %dma_wait3A_130 = arith.constant 0 : i32
      %dma_wait3A_131 = tpu.memref_slice %arg10[%add3A_129, %dma_wait3A_130] : memref<160x128xi32, #tpu.memory_space<vmem>> -> memref<1x128xi32, #tpu.memory_space<vmem>>
      %dma_wait3A_132 = tpu.memref_squeeze %dma_wait3A_131 : memref<1x128xi32, #tpu.memory_space<vmem>> -> memref<128xi32, #tpu.memory_space<vmem>>
      %dma_wait3A_133 = arith.constant 0 : i32
      %dma_wait3A_134 = arith.constant 0 : i32
      %dma_wait3A_135 = tpu.memref_slice %arg2[%arg0, %dma_wait3A_133, %dma_wait3A_134] : memref<2x10000x64xf32, #tpu.memory_space<hbm>> -> memref<1x10000x64xf32, #tpu.memory_space<hbm>>
      %dma_wait3A_136 = tpu.memref_squeeze %dma_wait3A_135 : memref<1x10000x64xf32, #tpu.memory_space<hbm>> -> memref<10000x64xf32, #tpu.memory_space<hbm>>
      %dma_wait3A_137 = arith.constant 0 : i32
      %dma_wait3A_138 = arith.constant 0 : i32
      %dma_wait3A_139 = tpu.memref_slice %dma_wait3A_136[%dma_wait3A_137, %dma_wait3A_138] : memref<10000x64xf32, #tpu.memory_space<hbm>> -> memref<10000x64xf32, #tpu.memory_space<hbm>>
      tpu.wait_indirect_dma semaphore(%arg19 : memref<!tpu.dma_semaphore, #tpu.memory_space<semaphore_mem>>) src(%dma_wait3A_139 : memref<10000x64xf32, #tpu.memory_space<hbm>>) dst(%arg14 : memref<128x64xf32, #tpu.memory_space<vmem>>)
      %dma_start3A_140 = arith.constant 0 : i32
      %dma_start3A_141 = tpu.memref_slice %arg11[%add3A_129, %dma_start3A_140] : memref<160x128xi32, #tpu.memory_space<vmem>> -> memref<1x128xi32, #tpu.memory_space<vmem>>
      %dma_start3A_142 = tpu.memref_squeeze %dma_start3A_141 : memref<1x128xi32, #tpu.memory_space<vmem>> -> memref<128xi32, #tpu.memory_space<vmem>>
      %dma_start3A_143 = arith.constant 0 : i32
      %dma_start3A_144 = arith.constant 0 : i32
      %dma_start3A_145 = tpu.memref_slice %arg16[%dma_start3A_143, %dma_start3A_144] : memref<10112x64xf32, #tpu.memory_space<vmem_shared>> -> memref<10112x64xf32, #tpu.memory_space<vmem_shared>>
      tpu.enqueue_indirect_dma source(%arg14 : memref<128x64xf32, #tpu.memory_space<vmem>>) target(%dma_start3A_145 : memref<10112x64xf32, #tpu.memory_space<vmem_shared>>) offsets(%dma_start3A_142 : memref<128xi32, #tpu.memory_space<vmem>>) semaphore(%arg23 : memref<!tpu.dma_semaphore, #tpu.memory_space<semaphore_mem>>) {add = true}
      %sub3A = arith.constant 2 : i32
      %sub3A_146 = arith.subi %add3A_129, %sub3A : i32
      %dma_wait3A_147 = arith.constant 0 : i32
      %dma_wait3A_148 = tpu.memref_slice %arg11[%sub3A_146, %dma_wait3A_147] : memref<160x128xi32, #tpu.memory_space<vmem>> -> memref<1x128xi32, #tpu.memory_space<vmem>>
      %dma_wait3A_149 = tpu.memref_squeeze %dma_wait3A_148 : memref<1x128xi32, #tpu.memory_space<vmem>> -> memref<128xi32, #tpu.memory_space<vmem>>
      %dma_wait3A_150 = arith.constant 0 : i32
      %dma_wait3A_151 = arith.constant 0 : i32
      %dma_wait3A_152 = tpu.memref_slice %arg16[%dma_wait3A_150, %dma_wait3A_151] : memref<10112x64xf32, #tpu.memory_space<vmem_shared>> -> memref<10112x64xf32, #tpu.memory_space<vmem_shared>>
      tpu.wait_indirect_dma semaphore(%arg21 : memref<!tpu.dma_semaphore, #tpu.memory_space<semaphore_mem>>) src(%arg12 : memref<128x64xf32, #tpu.memory_space<vmem>>) dst(%dma_wait3A_152 : memref<10112x64xf32, #tpu.memory_space<vmem_shared>>)
      %lt3A = arith.constant 39 : i32
      %lt3A_153 = arith.cmpi slt, %scan3A_57, %lt3A : i32
      %convert_element_type3A_154 = arith.extui %lt3A_153 : i1 to i32
      %cond3A_155 = arith.constant 0 : i32
      %cond3A_156 = arith.cmpi ne, %convert_element_type3A_154, %cond3A_155 : i32
      scf.if %cond3A_156 {
        %add3A_200 = arith.constant 2 : i32
        %add3A_201 = arith.addi %add3A_129, %add3A_200 : i32
        %dma_start3A_202 = arith.constant 0 : i32
        %dma_start3A_203 = tpu.memref_slice %arg10[%add3A_201, %dma_start3A_202] : memref<160x128xi32, #tpu.memory_space<vmem>> -> memref<1x128xi32, #tpu.memory_space<vmem>>
        %dma_start3A_204 = tpu.memref_squeeze %dma_start3A_203 : memref<1x128xi32, #tpu.memory_space<vmem>> -> memref<128xi32, #tpu.memory_space<vmem>>
        %dma_start3A_205 = arith.constant 0 : i32
        %dma_start3A_206 = arith.constant 0 : i32
        %dma_start3A_207 = tpu.memref_slice %arg2[%arg0, %dma_start3A_205, %dma_start3A_206] : memref<2x10000x64xf32, #tpu.memory_space<hbm>> -> memref<1x10000x64xf32, #tpu.memory_space<hbm>>
        %dma_start3A_208 = tpu.memref_squeeze %dma_start3A_207 : memref<1x10000x64xf32, #tpu.memory_space<hbm>> -> memref<10000x64xf32, #tpu.memory_space<hbm>>
        %dma_start3A_209 = arith.constant 0 : i32
        %dma_start3A_210 = arith.constant 0 : i32
        %dma_start3A_211 = tpu.memref_slice %dma_start3A_208[%dma_start3A_209, %dma_start3A_210] : memref<10000x64xf32, #tpu.memory_space<hbm>> -> memref<10000x64xf32, #tpu.memory_space<hbm>>
        tpu.enqueue_indirect_dma source(%dma_start3A_211 : memref<10000x64xf32, #tpu.memory_space<hbm>>) target(%arg12 : memref<128x64xf32, #tpu.memory_space<vmem>>) offsets(%dma_start3A_204 : memref<128xi32, #tpu.memory_space<vmem>>) semaphore(%arg17 : memref<!tpu.dma_semaphore, #tpu.memory_space<semaphore_mem>>)
      } else {
      }
      %add3A_157 = arith.constant 3 : i32
      %add3A_158 = arith.addi %mul3A_59, %add3A_157 : i32
      %dma_wait3A_159 = arith.constant 0 : i32
      %dma_wait3A_160 = tpu.memref_slice %arg10[%add3A_158, %dma_wait3A_159] : memref<160x128xi32, #tpu.memory_space<vmem>> -> memref<1x128xi32, #tpu.memory_space<vmem>>
      %dma_wait3A_161 = tpu.memref_squeeze %dma_wait3A_160 : memref<1x128xi32, #tpu.memory_space<vmem>> -> memref<128xi32, #tpu.memory_space<vmem>>
      %dma_wait3A_162 = arith.constant 0 : i32
      %dma_wait3A_163 = arith.constant 0 : i32
      %dma_wait3A_164 = tpu.memref_slice %arg2[%arg0, %dma_wait3A_162, %dma_wait3A_163] : memref<2x10000x64xf32, #tpu.memory_space<hbm>> -> memref<1x10000x64xf32, #tpu.memory_space<hbm>>
      %dma_wait3A_165 = tpu.memref_squeeze %dma_wait3A_164 : memref<1x10000x64xf32, #tpu.memory_space<hbm>> -> memref<10000x64xf32, #tpu.memory_space<hbm>>
      %dma_wait3A_166 = arith.constant 0 : i32
      %dma_wait3A_167 = arith.constant 0 : i32
      %dma_wait3A_168 = tpu.memref_slice %dma_wait3A_165[%dma_wait3A_166, %dma_wait3A_167] : memref<10000x64xf32, #tpu.memory_space<hbm>> -> memref<10000x64xf32, #tpu.memory_space<hbm>>
      tpu.wait_indirect_dma semaphore(%arg20 : memref<!tpu.dma_semaphore, #tpu.memory_space<semaphore_mem>>) src(%dma_wait3A_168 : memref<10000x64xf32, #tpu.memory_space<hbm>>) dst(%arg15 : memref<128x64xf32, #tpu.memory_space<vmem>>)
      %dma_start3A_169 = arith.constant 0 : i32
      %dma_start3A_170 = tpu.memref_slice %arg11[%add3A_158, %dma_start3A_169] : memref<160x128xi32, #tpu.memory_space<vmem>> -> memref<1x128xi32, #tpu.memory_space<vmem>>
      %dma_start3A_171 = tpu.memref_squeeze %dma_start3A_170 : memref<1x128xi32, #tpu.memory_space<vmem>> -> memref<128xi32, #tpu.memory_space<vmem>>
      %dma_start3A_172 = arith.constant 0 : i32
      %dma_start3A_173 = arith.constant 0 : i32
      %dma_start3A_174 = tpu.memref_slice %arg16[%dma_start3A_172, %dma_start3A_173] : memref<10112x64xf32, #tpu.memory_space<vmem_shared>> -> memref<10112x64xf32, #tpu.memory_space<vmem_shared>>
      tpu.enqueue_indirect_dma source(%arg15 : memref<128x64xf32, #tpu.memory_space<vmem>>) target(%dma_start3A_174 : memref<10112x64xf32, #tpu.memory_space<vmem_shared>>) offsets(%dma_start3A_171 : memref<128xi32, #tpu.memory_space<vmem>>) semaphore(%arg24 : memref<!tpu.dma_semaphore, #tpu.memory_space<semaphore_mem>>) {add = true}
      %sub3A_175 = arith.constant 2 : i32
      %sub3A_176 = arith.subi %add3A_158, %sub3A_175 : i32
      %dma_wait3A_177 = arith.constant 0 : i32
      %dma_wait3A_178 = tpu.memref_slice %arg11[%sub3A_176, %dma_wait3A_177] : memref<160x128xi32, #tpu.memory_space<vmem>> -> memref<1x128xi32, #tpu.memory_space<vmem>>
      %dma_wait3A_179 = tpu.memref_squeeze %dma_wait3A_178 : memref<1x128xi32, #tpu.memory_space<vmem>> -> memref<128xi32, #tpu.memory_space<vmem>>
      %dma_wait3A_180 = arith.constant 0 : i32
      %dma_wait3A_181 = arith.constant 0 : i32
      %dma_wait3A_182 = tpu.memref_slice %arg16[%dma_wait3A_180, %dma_wait3A_181] : memref<10112x64xf32, #tpu.memory_space<vmem_shared>> -> memref<10112x64xf32, #tpu.memory_space<vmem_shared>>
      tpu.wait_indirect_dma semaphore(%arg22 : memref<!tpu.dma_semaphore, #tpu.memory_space<semaphore_mem>>) src(%arg13 : memref<128x64xf32, #tpu.memory_space<vmem>>) dst(%dma_wait3A_182 : memref<10112x64xf32, #tpu.memory_space<vmem_shared>>)
      %lt3A_183 = arith.constant 39 : i32
      %lt3A_184 = arith.cmpi slt, %scan3A_57, %lt3A_183 : i32
      %convert_element_type3A_185 = arith.extui %lt3A_184 : i1 to i32
      %cond3A_186 = arith.constant 0 : i32
      %cond3A_187 = arith.cmpi ne, %convert_element_type3A_185, %cond3A_186 : i32
      scf.if %cond3A_187 {
        %add3A_200 = arith.constant 2 : i32
        %add3A_201 = arith.addi %add3A_158, %add3A_200 : i32
        %dma_start3A_202 = arith.constant 0 : i32
        %dma_start3A_203 = tpu.memref_slice %arg10[%add3A_201, %dma_start3A_202] : memref<160x128xi32, #tpu.memory_space<vmem>> -> memref<1x128xi32, #tpu.memory_space<vmem>>
        %dma_start3A_204 = tpu.memref_squeeze %dma_start3A_203 : memref<1x128xi32, #tpu.memory_space<vmem>> -> memref<128xi32, #tpu.memory_space<vmem>>
        %dma_start3A_205 = arith.constant 0 : i32
        %dma_start3A_206 = arith.constant 0 : i32
        %dma_start3A_207 = tpu.memref_slice %arg2[%arg0, %dma_start3A_205, %dma_start3A_206] : memref<2x10000x64xf32, #tpu.memory_space<hbm>> -> memref<1x10000x64xf32, #tpu.memory_space<hbm>>
        %dma_start3A_208 = tpu.memref_squeeze %dma_start3A_207 : memref<1x10000x64xf32, #tpu.memory_space<hbm>> -> memref<10000x64xf32, #tpu.memory_space<hbm>>
        %dma_start3A_209 = arith.constant 0 : i32
        %dma_start3A_210 = arith.constant 0 : i32
        %dma_start3A_211 = tpu.memref_slice %dma_start3A_208[%dma_start3A_209, %dma_start3A_210] : memref<10000x64xf32, #tpu.memory_space<hbm>> -> memref<10000x64xf32, #tpu.memory_space<hbm>>
        tpu.enqueue_indirect_dma source(%dma_start3A_211 : memref<10000x64xf32, #tpu.memory_space<hbm>>) target(%arg13 : memref<128x64xf32, #tpu.memory_space<vmem>>) offsets(%dma_start3A_204 : memref<128xi32, #tpu.memory_space<vmem>>) semaphore(%arg18 : memref<!tpu.dma_semaphore, #tpu.memory_space<semaphore_mem>>)
      } else {
      }
      %eq3A_188 = arith.constant 0 : i32
      %eq3A_189 = arith.cmpi eq, %arg0, %eq3A_188 : i32
      %gt3A_190 = arith.constant 0 : i32
      %gt3A_191 = arith.cmpi sgt, %scan3A_57, %gt3A_190 : i32
      %and3A = arith.andi %eq3A_189, %gt3A_191 : i1
      %convert_element_type3A_192 = arith.extui %and3A : i1 to i32
      %cond3A_193 = arith.constant 0 : i32
      %cond3A_194 = arith.cmpi ne, %convert_element_type3A_192, %cond3A_193 : i32
      scf.if %cond3A_194 {
        %sub3A_200 = arith.constant 4 : i32
        %sub3A_201 = arith.subi %mul3A_59, %sub3A_200 : i32
        %add3A_202 = arith.constant 0 : i32
        %add3A_203 = arith.addi %sub3A_201, %add3A_202 : i32
        %dma_wait3A_204 = arith.constant 0 : i32
        %dma_wait3A_205 = tpu.memref_slice %arg11[%add3A_203, %dma_wait3A_204] : memref<160x128xi32, #tpu.memory_space<vmem>> -> memref<1x128xi32, #tpu.memory_space<vmem>>
        %dma_wait3A_206 = tpu.memref_squeeze %dma_wait3A_205 : memref<1x128xi32, #tpu.memory_space<vmem>> -> memref<128xi32, #tpu.memory_space<vmem>>
        %dma_wait3A_207 = arith.constant 0 : i32
        %dma_wait3A_208 = arith.constant 0 : i32
        %dma_wait3A_209 = tpu.memref_slice %arg26[%dma_wait3A_207, %dma_wait3A_208] : memref<10112x16xf32, #tpu.memory_space<vmem_shared>> -> memref<10112x16xf32, #tpu.memory_space<vmem_shared>>
        tpu.wait_indirect_dma semaphore(%arg27 : memref<!tpu.dma_semaphore, #tpu.memory_space<semaphore_mem>>) src(%arg25 : memref<128x16xf32, #tpu.memory_space<vmem>>) dst(%dma_wait3A_209 : memref<10112x16xf32, #tpu.memory_space<vmem_shared>>)
        %sub3A_210 = arith.constant 4 : i32
        %sub3A_211 = arith.subi %mul3A_59, %sub3A_210 : i32
        %add3A_212 = arith.constant 1 : i32
        %add3A_213 = arith.addi %sub3A_211, %add3A_212 : i32
        %dma_wait3A_214 = arith.constant 0 : i32
        %dma_wait3A_215 = tpu.memref_slice %arg11[%add3A_213, %dma_wait3A_214] : memref<160x128xi32, #tpu.memory_space<vmem>> -> memref<1x128xi32, #tpu.memory_space<vmem>>
        %dma_wait3A_216 = tpu.memref_squeeze %dma_wait3A_215 : memref<1x128xi32, #tpu.memory_space<vmem>> -> memref<128xi32, #tpu.memory_space<vmem>>
        %dma_wait3A_217 = arith.constant 0 : i32
        %dma_wait3A_218 = arith.constant 0 : i32
        %dma_wait3A_219 = tpu.memref_slice %arg26[%dma_wait3A_217, %dma_wait3A_218] : memref<10112x16xf32, #tpu.memory_space<vmem_shared>> -> memref<10112x16xf32, #tpu.memory_space<vmem_shared>>
        tpu.wait_indirect_dma semaphore(%arg27 : memref<!tpu.dma_semaphore, #tpu.memory_space<semaphore_mem>>) src(%arg25 : memref<128x16xf32, #tpu.memory_space<vmem>>) dst(%dma_wait3A_219 : memref<10112x16xf32, #tpu.memory_space<vmem_shared>>)
        %sub3A_220 = arith.constant 4 : i32
        %sub3A_221 = arith.subi %mul3A_59, %sub3A_220 : i32
        %add3A_222 = arith.constant 2 : i32
        %add3A_223 = arith.addi %sub3A_221, %add3A_222 : i32
        %dma_wait3A_224 = arith.constant 0 : i32
        %dma_wait3A_225 = tpu.memref_slice %arg11[%add3A_223, %dma_wait3A_224] : memref<160x128xi32, #tpu.memory_space<vmem>> -> memref<1x128xi32, #tpu.memory_space<vmem>>
        %dma_wait3A_226 = tpu.memref_squeeze %dma_wait3A_225 : memref<1x128xi32, #tpu.memory_space<vmem>> -> memref<128xi32, #tpu.memory_space<vmem>>
        %dma_wait3A_227 = arith.constant 0 : i32
        %dma_wait3A_228 = arith.constant 0 : i32
        %dma_wait3A_229 = tpu.memref_slice %arg26[%dma_wait3A_227, %dma_wait3A_228] : memref<10112x16xf32, #tpu.memory_space<vmem_shared>> -> memref<10112x16xf32, #tpu.memory_space<vmem_shared>>
        tpu.wait_indirect_dma semaphore(%arg27 : memref<!tpu.dma_semaphore, #tpu.memory_space<semaphore_mem>>) src(%arg25 : memref<128x16xf32, #tpu.memory_space<vmem>>) dst(%dma_wait3A_229 : memref<10112x16xf32, #tpu.memory_space<vmem_shared>>)
        %sub3A_230 = arith.constant 4 : i32
        %sub3A_231 = arith.subi %mul3A_59, %sub3A_230 : i32
        %add3A_232 = arith.constant 3 : i32
        %add3A_233 = arith.addi %sub3A_231, %add3A_232 : i32
        %dma_wait3A_234 = arith.constant 0 : i32
        %dma_wait3A_235 = tpu.memref_slice %arg11[%add3A_233, %dma_wait3A_234] : memref<160x128xi32, #tpu.memory_space<vmem>> -> memref<1x128xi32, #tpu.memory_space<vmem>>
        %dma_wait3A_236 = tpu.memref_squeeze %dma_wait3A_235 : memref<1x128xi32, #tpu.memory_space<vmem>> -> memref<128xi32, #tpu.memory_space<vmem>>
        %dma_wait3A_237 = arith.constant 0 : i32
        %dma_wait3A_238 = arith.constant 0 : i32
        %dma_wait3A_239 = tpu.memref_slice %arg26[%dma_wait3A_237, %dma_wait3A_238] : memref<10112x16xf32, #tpu.memory_space<vmem_shared>> -> memref<10112x16xf32, #tpu.memory_space<vmem_shared>>
        tpu.wait_indirect_dma semaphore(%arg27 : memref<!tpu.dma_semaphore, #tpu.memory_space<semaphore_mem>>) src(%arg25 : memref<128x16xf32, #tpu.memory_space<vmem>>) dst(%dma_wait3A_239 : memref<10112x16xf32, #tpu.memory_space<vmem_shared>>)
      } else {
      }
      %eq3A_195 = arith.constant 0 : i32
      %eq3A_196 = arith.cmpi eq, %arg0, %eq3A_195 : i32
      %convert_element_type3A_197 = arith.extui %eq3A_196 : i1 to i32
      %cond3A_198 = arith.constant 0 : i32
      %cond3A_199 = arith.cmpi ne, %convert_element_type3A_197, %cond3A_198 : i32
      scf.if %cond3A_199 {
        %add3A_200 = arith.constant 0 : i32
        %add3A_201 = arith.addi %mul3A_59, %add3A_200 : i32
        %dma_start3A_202 = arith.constant 0 : i32
        %dma_start3A_203 = tpu.memref_slice %arg11[%add3A_201, %dma_start3A_202] : memref<160x128xi32, #tpu.memory_space<vmem>> -> memref<1x128xi32, #tpu.memory_space<vmem>>
        %dma_start3A_204 = tpu.memref_squeeze %dma_start3A_203 : memref<1x128xi32, #tpu.memory_space<vmem>> -> memref<128xi32, #tpu.memory_space<vmem>>
        %dma_start3A_205 = arith.constant 0 : i32
        %dma_start3A_206 = arith.constant 0 : i32
        %dma_start3A_207 = tpu.memref_slice %arg26[%dma_start3A_205, %dma_start3A_206] : memref<10112x16xf32, #tpu.memory_space<vmem_shared>> -> memref<10112x16xf32, #tpu.memory_space<vmem_shared>>
        tpu.enqueue_indirect_dma source(%arg25 : memref<128x16xf32, #tpu.memory_space<vmem>>) target(%dma_start3A_207 : memref<10112x16xf32, #tpu.memory_space<vmem_shared>>) offsets(%dma_start3A_204 : memref<128xi32, #tpu.memory_space<vmem>>) semaphore(%arg27 : memref<!tpu.dma_semaphore, #tpu.memory_space<semaphore_mem>>) {add = true}
        %add3A_208 = arith.constant 1 : i32
        %add3A_209 = arith.addi %mul3A_59, %add3A_208 : i32
        %dma_start3A_210 = arith.constant 0 : i32
        %dma_start3A_211 = tpu.memref_slice %arg11[%add3A_209, %dma_start3A_210] : memref<160x128xi32, #tpu.memory_space<vmem>> -> memref<1x128xi32, #tpu.memory_space<vmem>>
        %dma_start3A_212 = tpu.memref_squeeze %dma_start3A_211 : memref<1x128xi32, #tpu.memory_space<vmem>> -> memref<128xi32, #tpu.memory_space<vmem>>
        %dma_start3A_213 = arith.constant 0 : i32
        %dma_start3A_214 = arith.constant 0 : i32
        %dma_start3A_215 = tpu.memref_slice %arg26[%dma_start3A_213, %dma_start3A_214] : memref<10112x16xf32, #tpu.memory_space<vmem_shared>> -> memref<10112x16xf32, #tpu.memory_space<vmem_shared>>
        tpu.enqueue_indirect_dma source(%arg25 : memref<128x16xf32, #tpu.memory_space<vmem>>) target(%dma_start3A_215 : memref<10112x16xf32, #tpu.memory_space<vmem_shared>>) offsets(%dma_start3A_212 : memref<128xi32, #tpu.memory_space<vmem>>) semaphore(%arg27 : memref<!tpu.dma_semaphore, #tpu.memory_space<semaphore_mem>>) {add = true}
        %add3A_216 = arith.constant 2 : i32
        %add3A_217 = arith.addi %mul3A_59, %add3A_216 : i32
        %dma_start3A_218 = arith.constant 0 : i32
        %dma_start3A_219 = tpu.memref_slice %arg11[%add3A_217, %dma_start3A_218] : memref<160x128xi32, #tpu.memory_space<vmem>> -> memref<1x128xi32, #tpu.memory_space<vmem>>
        %dma_start3A_220 = tpu.memref_squeeze %dma_start3A_219 : memref<1x128xi32, #tpu.memory_space<vmem>> -> memref<128xi32, #tpu.memory_space<vmem>>
        %dma_start3A_221 = arith.constant 0 : i32
        %dma_start3A_222 = arith.constant 0 : i32
        %dma_start3A_223 = tpu.memref_slice %arg26[%dma_start3A_221, %dma_start3A_222] : memref<10112x16xf32, #tpu.memory_space<vmem_shared>> -> memref<10112x16xf32, #tpu.memory_space<vmem_shared>>
        tpu.enqueue_indirect_dma source(%arg25 : memref<128x16xf32, #tpu.memory_space<vmem>>) target(%dma_start3A_223 : memref<10112x16xf32, #tpu.memory_space<vmem_shared>>) offsets(%dma_start3A_220 : memref<128xi32, #tpu.memory_space<vmem>>) semaphore(%arg27 : memref<!tpu.dma_semaphore, #tpu.memory_space<semaphore_mem>>) {add = true}
        %add3A_224 = arith.constant 3 : i32
        %add3A_225 = arith.addi %mul3A_59, %add3A_224 : i32
        %dma_start3A_226 = arith.constant 0 : i32
        %dma_start3A_227 = tpu.memref_slice %arg11[%add3A_225, %dma_start3A_226] : memref<160x128xi32, #tpu.memory_space<vmem>> -> memref<1x128xi32, #tpu.memory_space<vmem>>
        %dma_start3A_228 = tpu.memref_squeeze %dma_start3A_227 : memref<1x128xi32, #tpu.memory_space<vmem>> -> memref<128xi32, #tpu.memory_space<vmem>>
        %dma_start3A_229 = arith.constant 0 : i32
        %dma_start3A_230 = arith.constant 0 : i32
        %dma_start3A_231 = tpu.memref_slice %arg26[%dma_start3A_229, %dma_start3A_230] : memref<10112x16xf32, #tpu.memory_space<vmem_shared>> -> memref<10112x16xf32, #tpu.memory_space<vmem_shared>>
        tpu.enqueue_indirect_dma source(%arg25 : memref<128x16xf32, #tpu.memory_space<vmem>>) target(%dma_start3A_231 : memref<10112x16xf32, #tpu.memory_space<vmem_shared>>) offsets(%dma_start3A_228 : memref<128xi32, #tpu.memory_space<vmem>>) semaphore(%arg27 : memref<!tpu.dma_semaphore, #tpu.memory_space<semaphore_mem>>) {add = true}
      } else {
      }
    }
    %scan3A_28 = arith.constant 40 : i32
    %dma_wait3A = arith.constant 158 : i32
    %dma_wait3A_29 = arith.constant 0 : i32
    %dma_wait3A_30 = tpu.memref_slice %arg11[%dma_wait3A, %dma_wait3A_29] : memref<160x128xi32, #tpu.memory_space<vmem>> -> memref<1x128xi32, #tpu.memory_space<vmem>>
    %dma_wait3A_31 = tpu.memref_squeeze %dma_wait3A_30 : memref<1x128xi32, #tpu.memory_space<vmem>> -> memref<128xi32, #tpu.memory_space<vmem>>
    %dma_wait3A_32 = arith.constant 0 : i32
    %dma_wait3A_33 = arith.constant 0 : i32
    %dma_wait3A_34 = tpu.memref_slice %arg16[%dma_wait3A_32, %dma_wait3A_33] : memref<10112x64xf32, #tpu.memory_space<vmem_shared>> -> memref<10112x64xf32, #tpu.memory_space<vmem_shared>>
    tpu.wait_indirect_dma semaphore(%arg23 : memref<!tpu.dma_semaphore, #tpu.memory_space<semaphore_mem>>) src(%arg14 : memref<128x64xf32, #tpu.memory_space<vmem>>) dst(%dma_wait3A_34 : memref<10112x64xf32, #tpu.memory_space<vmem_shared>>)
    %dma_wait3A_35 = arith.constant 159 : i32
    %dma_wait3A_36 = arith.constant 0 : i32
    %dma_wait3A_37 = tpu.memref_slice %arg11[%dma_wait3A_35, %dma_wait3A_36] : memref<160x128xi32, #tpu.memory_space<vmem>> -> memref<1x128xi32, #tpu.memory_space<vmem>>
    %dma_wait3A_38 = tpu.memref_squeeze %dma_wait3A_37 : memref<1x128xi32, #tpu.memory_space<vmem>> -> memref<128xi32, #tpu.memory_space<vmem>>
    %dma_wait3A_39 = arith.constant 0 : i32
    %dma_wait3A_40 = arith.constant 0 : i32
    %dma_wait3A_41 = tpu.memref_slice %arg16[%dma_wait3A_39, %dma_wait3A_40] : memref<10112x64xf32, #tpu.memory_space<vmem_shared>> -> memref<10112x64xf32, #tpu.memory_space<vmem_shared>>
    tpu.wait_indirect_dma semaphore(%arg24 : memref<!tpu.dma_semaphore, #tpu.memory_space<semaphore_mem>>) src(%arg15 : memref<128x64xf32, #tpu.memory_space<vmem>>) dst(%dma_wait3A_41 : memref<10112x64xf32, #tpu.memory_space<vmem_shared>>)
    %eq3A_42 = arith.constant 0 : i32
    %eq3A_43 = arith.cmpi eq, %arg0, %eq3A_42 : i32
    %convert_element_type3A_44 = arith.extui %eq3A_43 : i1 to i32
    %cond3A_45 = arith.constant 0 : i32
    %cond3A_46 = arith.cmpi ne, %convert_element_type3A_44, %cond3A_45 : i32
    scf.if %cond3A_46 {
      %dma_wait3A_57 = arith.constant 156 : i32
      %dma_wait3A_58 = arith.constant 0 : i32
      %dma_wait3A_59 = tpu.memref_slice %arg11[%dma_wait3A_57, %dma_wait3A_58] : memref<160x128xi32, #tpu.memory_space<vmem>> -> memref<1x128xi32, #tpu.memory_space<vmem>>
      %dma_wait3A_60 = tpu.memref_squeeze %dma_wait3A_59 : memref<1x128xi32, #tpu.memory_space<vmem>> -> memref<128xi32, #tpu.memory_space<vmem>>
      %dma_wait3A_61 = arith.constant 0 : i32
      %dma_wait3A_62 = arith.constant 0 : i32
      %dma_wait3A_63 = tpu.memref_slice %arg26[%dma_wait3A_61, %dma_wait3A_62] : memref<10112x16xf32, #tpu.memory_space<vmem_shared>> -> memref<10112x16xf32, #tpu.memory_space<vmem_shared>>
      tpu.wait_indirect_dma semaphore(%arg27 : memref<!tpu.dma_semaphore, #tpu.memory_space<semaphore_mem>>) src(%arg25 : memref<128x16xf32, #tpu.memory_space<vmem>>) dst(%dma_wait3A_63 : memref<10112x16xf32, #tpu.memory_space<vmem_shared>>)
      %dma_wait3A_64 = arith.constant 157 : i32
      %dma_wait3A_65 = arith.constant 0 : i32
      %dma_wait3A_66 = tpu.memref_slice %arg11[%dma_wait3A_64, %dma_wait3A_65] : memref<160x128xi32, #tpu.memory_space<vmem>> -> memref<1x128xi32, #tpu.memory_space<vmem>>
      %dma_wait3A_67 = tpu.memref_squeeze %dma_wait3A_66 : memref<1x128xi32, #tpu.memory_space<vmem>> -> memref<128xi32, #tpu.memory_space<vmem>>
      %dma_wait3A_68 = arith.constant 0 : i32
      %dma_wait3A_69 = arith.constant 0 : i32
      %dma_wait3A_70 = tpu.memref_slice %arg26[%dma_wait3A_68, %dma_wait3A_69] : memref<10112x16xf32, #tpu.memory_space<vmem_shared>> -> memref<10112x16xf32, #tpu.memory_space<vmem_shared>>
      tpu.wait_indirect_dma semaphore(%arg27 : memref<!tpu.dma_semaphore, #tpu.memory_space<semaphore_mem>>) src(%arg25 : memref<128x16xf32, #tpu.memory_space<vmem>>) dst(%dma_wait3A_70 : memref<10112x16xf32, #tpu.memory_space<vmem_shared>>)
      %dma_wait3A_71 = arith.constant 158 : i32
      %dma_wait3A_72 = arith.constant 0 : i32
      %dma_wait3A_73 = tpu.memref_slice %arg11[%dma_wait3A_71, %dma_wait3A_72] : memref<160x128xi32, #tpu.memory_space<vmem>> -> memref<1x128xi32, #tpu.memory_space<vmem>>
      %dma_wait3A_74 = tpu.memref_squeeze %dma_wait3A_73 : memref<1x128xi32, #tpu.memory_space<vmem>> -> memref<128xi32, #tpu.memory_space<vmem>>
      %dma_wait3A_75 = arith.constant 0 : i32
      %dma_wait3A_76 = arith.constant 0 : i32
      %dma_wait3A_77 = tpu.memref_slice %arg26[%dma_wait3A_75, %dma_wait3A_76] : memref<10112x16xf32, #tpu.memory_space<vmem_shared>> -> memref<10112x16xf32, #tpu.memory_space<vmem_shared>>
      tpu.wait_indirect_dma semaphore(%arg27 : memref<!tpu.dma_semaphore, #tpu.memory_space<semaphore_mem>>) src(%arg25 : memref<128x16xf32, #tpu.memory_space<vmem>>) dst(%dma_wait3A_77 : memref<10112x16xf32, #tpu.memory_space<vmem_shared>>)
      %dma_wait3A_78 = arith.constant 159 : i32
      %dma_wait3A_79 = arith.constant 0 : i32
      %dma_wait3A_80 = tpu.memref_slice %arg11[%dma_wait3A_78, %dma_wait3A_79] : memref<160x128xi32, #tpu.memory_space<vmem>> -> memref<1x128xi32, #tpu.memory_space<vmem>>
      %dma_wait3A_81 = tpu.memref_squeeze %dma_wait3A_80 : memref<1x128xi32, #tpu.memory_space<vmem>> -> memref<128xi32, #tpu.memory_space<vmem>>
      %dma_wait3A_82 = arith.constant 0 : i32
      %dma_wait3A_83 = arith.constant 0 : i32
      %dma_wait3A_84 = tpu.memref_slice %arg26[%dma_wait3A_82, %dma_wait3A_83] : memref<10112x16xf32, #tpu.memory_space<vmem_shared>> -> memref<10112x16xf32, #tpu.memory_space<vmem_shared>>
      tpu.wait_indirect_dma semaphore(%arg27 : memref<!tpu.dma_semaphore, #tpu.memory_space<semaphore_mem>>) src(%arg25 : memref<128x16xf32, #tpu.memory_space<vmem>>) dst(%dma_wait3A_84 : memref<10112x16xf32, #tpu.memory_space<vmem_shared>>)
    } else {
    }
    %barrier3A_47 = arith.constant 0 : index
    tpu.barrier barrier_id(%barrier3A_47)
    %mul3A_48 = arith.constant 632 : i32
    %mul3A_49 = arith.muli %arg1, %mul3A_48 : i32
    %mul3A_50 = arith.constant 632 : i32
    %mul3A_51 = arith.muli %arg1, %mul3A_50 : i32
    "tpu.region"() ({
      %run_scoped3A = tpu.sem_alloc : memref<!tpu.dma_semaphore, #tpu.memory_space<semaphore_mem>>
      %dma_start3A_57 = arith.constant 0 : i32
      %dma_start3A_58 = arith.constant 0 : i32
      %dma_start3A_59 = tpu.memref_slice %arg8[%arg0, %dma_start3A_57, %dma_start3A_58] : memref<2x10112x64xf32, #tpu.memory_space<hbm>> -> memref<1x10112x64xf32, #tpu.memory_space<hbm>>
      %dma_start3A_60 = tpu.memref_squeeze %dma_start3A_59 : memref<1x10112x64xf32, #tpu.memory_space<hbm>> -> memref<10112x64xf32, #tpu.memory_space<hbm>>
      %dma_start3A_61 = arith.constant 0 : i32
      %dma_start3A_62 = tpu.memref_slice %dma_start3A_60[%mul3A_51, %dma_start3A_61] : memref<10112x64xf32, #tpu.memory_space<hbm>> -> memref<632x64xf32, #tpu.memory_space<hbm>>
      %dma_start3A_63 = arith.constant 0 : i32
      %dma_start3A_64 = tpu.memref_slice %arg16[%mul3A_49, %dma_start3A_63] : memref<10112x64xf32, #tpu.memory_space<vmem_shared>> -> memref<632x64xf32, #tpu.memory_space<vmem_shared>>
      tpu.enqueue_dma source(%dma_start3A_64 : memref<632x64xf32, #tpu.memory_space<vmem_shared>>) target(%dma_start3A_62 : memref<632x64xf32, #tpu.memory_space<hbm>>) target_semaphore(%run_scoped3A : memref<!tpu.dma_semaphore, #tpu.memory_space<semaphore_mem>>)
      %dma_wait3A_65 = arith.constant 0 : i32
      %dma_wait3A_66 = arith.constant 0 : i32
      %dma_wait3A_67 = tpu.memref_slice %arg8[%arg0, %dma_wait3A_65, %dma_wait3A_66] : memref<2x10112x64xf32, #tpu.memory_space<hbm>> -> memref<1x10112x64xf32, #tpu.memory_space<hbm>>
      %dma_wait3A_68 = tpu.memref_squeeze %dma_wait3A_67 : memref<1x10112x64xf32, #tpu.memory_space<hbm>> -> memref<10112x64xf32, #tpu.memory_space<hbm>>
      %dma_wait3A_69 = arith.constant 0 : i32
      %dma_wait3A_70 = tpu.memref_slice %dma_wait3A_68[%mul3A_51, %dma_wait3A_69] : memref<10112x64xf32, #tpu.memory_space<hbm>> -> memref<632x64xf32, #tpu.memory_space<hbm>>
      %dma_wait3A_71 = arith.constant 0 : i32
      %dma_wait3A_72 = tpu.memref_slice %arg16[%mul3A_49, %dma_wait3A_71] : memref<10112x64xf32, #tpu.memory_space<vmem_shared>> -> memref<632x64xf32, #tpu.memory_space<vmem_shared>>
      tpu.wait_dma2 semaphore(%run_scoped3A : memref<!tpu.dma_semaphore, #tpu.memory_space<semaphore_mem>>) src(%dma_wait3A_72 : memref<632x64xf32, #tpu.memory_space<vmem_shared>>) dst(%dma_wait3A_70 : memref<632x64xf32, #tpu.memory_space<hbm>>)
      tpu.yield
    }) : () -> ()
    %eq3A_52 = arith.constant 0 : i32
    %eq3A_53 = arith.cmpi eq, %arg0, %eq3A_52 : i32
    %convert_element_type3A_54 = arith.extui %eq3A_53 : i1 to i32
    %cond3A_55 = arith.constant 0 : i32
    %cond3A_56 = arith.cmpi ne, %convert_element_type3A_54, %cond3A_55 : i32
    scf.if %cond3A_56 {
      %mul3A_57 = arith.constant 632 : i32
      %mul3A_58 = arith.muli %arg1, %mul3A_57 : i32
      %mul3A_59 = arith.constant 632 : i32
      %mul3A_60 = arith.muli %arg1, %mul3A_59 : i32
      "tpu.region"() ({
        %run_scoped3A = tpu.sem_alloc : memref<!tpu.dma_semaphore, #tpu.memory_space<semaphore_mem>>
        %dma_start3A_61 = arith.constant 0 : i32
        %dma_start3A_62 = tpu.memref_slice %arg9[%mul3A_60, %dma_start3A_61] : memref<10112x16xf32, #tpu.memory_space<hbm>> -> memref<632x16xf32, #tpu.memory_space<hbm>>
        %dma_start3A_63 = arith.constant 0 : i32
        %dma_start3A_64 = tpu.memref_slice %arg26[%mul3A_58, %dma_start3A_63] : memref<10112x16xf32, #tpu.memory_space<vmem_shared>> -> memref<632x16xf32, #tpu.memory_space<vmem_shared>>
        tpu.enqueue_dma source(%dma_start3A_64 : memref<632x16xf32, #tpu.memory_space<vmem_shared>>) target(%dma_start3A_62 : memref<632x16xf32, #tpu.memory_space<hbm>>) target_semaphore(%run_scoped3A : memref<!tpu.dma_semaphore, #tpu.memory_space<semaphore_mem>>)
        %dma_wait3A_65 = arith.constant 0 : i32
        %dma_wait3A_66 = tpu.memref_slice %arg9[%mul3A_60, %dma_wait3A_65] : memref<10112x16xf32, #tpu.memory_space<hbm>> -> memref<632x16xf32, #tpu.memory_space<hbm>>
        %dma_wait3A_67 = arith.constant 0 : i32
        %dma_wait3A_68 = tpu.memref_slice %arg26[%mul3A_58, %dma_wait3A_67] : memref<10112x16xf32, #tpu.memory_space<vmem_shared>> -> memref<632x16xf32, #tpu.memory_space<vmem_shared>>
        tpu.wait_dma2 semaphore(%run_scoped3A : memref<!tpu.dma_semaphore, #tpu.memory_space<semaphore_mem>>) src(%dma_wait3A_68 : memref<632x16xf32, #tpu.memory_space<vmem_shared>>) dst(%dma_wait3A_66 : memref<632x16xf32, #tpu.memory_space<hbm>>)
        tpu.yield
      }) : () -> ()
    } else {
    }
    return
  }
}

#map = affine_map<(d0, d1) -> (0, 0, 0)>
#map1 = affine_map<(d0, d1) -> (0, 0)>
module attributes {stable_mosaic.version = 14 : i64} {
  func.func @body(%arg0: i32, %arg1: i32, %arg2: memref<2x10000x32xf32, #tpu.memory_space<hbm>>, %arg3: memref<16x160x128xi32, #tpu.memory_space<hbm>>, %arg4: memref<16x160x128xi32, #tpu.memory_space<hbm>>, %arg5: memref<632x32xf32, #tpu.memory_space<hbm>>, %arg6: memref<2x10112x32xf32, #tpu.memory_space<hbm>>, %arg7: memref<160x128xi32, #tpu.memory_space<vmem>>, %arg8: memref<160x128xi32, #tpu.memory_space<vmem>>, %arg9: memref<128x32xf32, #tpu.memory_space<vmem>>, %arg10: memref<128x32xf32, #tpu.memory_space<vmem>>, %arg11: memref<128x32xf32, #tpu.memory_space<vmem>>, %arg12: memref<128x32xf32, #tpu.memory_space<vmem>>, %arg13: memref<10112x32xf32, #tpu.memory_space<vmem_shared>>, %arg14: memref<!tpu.dma_semaphore, #tpu.memory_space<semaphore_mem>>, %arg15: memref<!tpu.dma_semaphore, #tpu.memory_space<semaphore_mem>>, %arg16: memref<!tpu.dma_semaphore, #tpu.memory_space<semaphore_mem>>, %arg17: memref<!tpu.dma_semaphore, #tpu.memory_space<semaphore_mem>>, %arg18: memref<!tpu.dma_semaphore, #tpu.memory_space<semaphore_mem>>, %arg19: memref<!tpu.dma_semaphore, #tpu.memory_space<semaphore_mem>>, %arg20: memref<!tpu.dma_semaphore, #tpu.memory_space<semaphore_mem>>, %arg21: memref<!tpu.dma_semaphore, #tpu.memory_space<semaphore_mem>>) attributes {dimension_semantics = [#tpu.dimension_semantics<core_parallel>, #tpu.dimension_semantics<subcore_parallel>], iteration_bounds = array<i64: 2, 16>, scalar_prefetch = 0 : i64, scratch_operands = 15 : i64, tpu.core_type = #tpu.core_type<sc_vector_subcore>, window_params = [{transform_indices = #map}, {transform_indices = #map}, {transform_indices = #map}, {transform_indices = #map1}, {transform_indices = #map}]} {
    "tpu.region"() ({
      %run_scoped3A = tpu.sem_alloc : memref<!tpu.dma_semaphore, #tpu.memory_space<semaphore_mem>>
      %dma_start3A_45 = arith.constant 0 : i32
      %dma_start3A_46 = arith.constant 0 : i32
      %dma_start3A_47 = tpu.memref_slice %arg3[%arg1, %dma_start3A_45, %dma_start3A_46] : memref<16x160x128xi32, #tpu.memory_space<hbm>> -> memref<1x160x128xi32, #tpu.memory_space<hbm>>
      %dma_start3A_48 = tpu.memref_squeeze %dma_start3A_47 : memref<1x160x128xi32, #tpu.memory_space<hbm>> -> memref<160x128xi32, #tpu.memory_space<hbm>>
      %dma_start3A_49 = arith.constant 0 : i32
      %dma_start3A_50 = arith.constant 0 : i32
      %dma_start3A_51 = tpu.memref_slice %arg3[%arg1, %dma_start3A_49, %dma_start3A_50] : memref<16x160x128xi32, #tpu.memory_space<hbm>> -> memref<1x160x128xi32, #tpu.memory_space<hbm>>
      %dma_start3A_52 = tpu.memref_squeeze %dma_start3A_51 : memref<1x160x128xi32, #tpu.memory_space<hbm>> -> memref<160x128xi32, #tpu.memory_space<hbm>>
      tpu.enqueue_dma source(%dma_start3A_52 : memref<160x128xi32, #tpu.memory_space<hbm>>) target(%arg7 : memref<160x128xi32, #tpu.memory_space<vmem>>) target_semaphore(%run_scoped3A : memref<!tpu.dma_semaphore, #tpu.memory_space<semaphore_mem>>)
      %dma_wait3A_53 = arith.constant 0 : i32
      %dma_wait3A_54 = arith.constant 0 : i32
      %dma_wait3A_55 = tpu.memref_slice %arg3[%arg1, %dma_wait3A_53, %dma_wait3A_54] : memref<16x160x128xi32, #tpu.memory_space<hbm>> -> memref<1x160x128xi32, #tpu.memory_space<hbm>>
      %dma_wait3A_56 = tpu.memref_squeeze %dma_wait3A_55 : memref<1x160x128xi32, #tpu.memory_space<hbm>> -> memref<160x128xi32, #tpu.memory_space<hbm>>
      %dma_wait3A_57 = arith.constant 0 : i32
      %dma_wait3A_58 = arith.constant 0 : i32
      %dma_wait3A_59 = tpu.memref_slice %arg3[%arg1, %dma_wait3A_57, %dma_wait3A_58] : memref<16x160x128xi32, #tpu.memory_space<hbm>> -> memref<1x160x128xi32, #tpu.memory_space<hbm>>
      %dma_wait3A_60 = tpu.memref_squeeze %dma_wait3A_59 : memref<1x160x128xi32, #tpu.memory_space<hbm>> -> memref<160x128xi32, #tpu.memory_space<hbm>>
      tpu.wait_dma2 semaphore(%run_scoped3A : memref<!tpu.dma_semaphore, #tpu.memory_space<semaphore_mem>>) src(%dma_wait3A_60 : memref<160x128xi32, #tpu.memory_space<hbm>>) dst(%arg7 : memref<160x128xi32, #tpu.memory_space<vmem>>)
      tpu.yield
    }) : () -> ()
    "tpu.region"() ({
      %run_scoped3A = tpu.sem_alloc : memref<!tpu.dma_semaphore, #tpu.memory_space<semaphore_mem>>
      %dma_start3A_45 = arith.constant 0 : i32
      %dma_start3A_46 = arith.constant 0 : i32
      %dma_start3A_47 = tpu.memref_slice %arg4[%arg1, %dma_start3A_45, %dma_start3A_46] : memref<16x160x128xi32, #tpu.memory_space<hbm>> -> memref<1x160x128xi32, #tpu.memory_space<hbm>>
      %dma_start3A_48 = tpu.memref_squeeze %dma_start3A_47 : memref<1x160x128xi32, #tpu.memory_space<hbm>> -> memref<160x128xi32, #tpu.memory_space<hbm>>
      %dma_start3A_49 = arith.constant 0 : i32
      %dma_start3A_50 = arith.constant 0 : i32
      %dma_start3A_51 = tpu.memref_slice %arg4[%arg1, %dma_start3A_49, %dma_start3A_50] : memref<16x160x128xi32, #tpu.memory_space<hbm>> -> memref<1x160x128xi32, #tpu.memory_space<hbm>>
      %dma_start3A_52 = tpu.memref_squeeze %dma_start3A_51 : memref<1x160x128xi32, #tpu.memory_space<hbm>> -> memref<160x128xi32, #tpu.memory_space<hbm>>
      tpu.enqueue_dma source(%dma_start3A_52 : memref<160x128xi32, #tpu.memory_space<hbm>>) target(%arg8 : memref<160x128xi32, #tpu.memory_space<vmem>>) target_semaphore(%run_scoped3A : memref<!tpu.dma_semaphore, #tpu.memory_space<semaphore_mem>>)
      %dma_wait3A_53 = arith.constant 0 : i32
      %dma_wait3A_54 = arith.constant 0 : i32
      %dma_wait3A_55 = tpu.memref_slice %arg4[%arg1, %dma_wait3A_53, %dma_wait3A_54] : memref<16x160x128xi32, #tpu.memory_space<hbm>> -> memref<1x160x128xi32, #tpu.memory_space<hbm>>
      %dma_wait3A_56 = tpu.memref_squeeze %dma_wait3A_55 : memref<1x160x128xi32, #tpu.memory_space<hbm>> -> memref<160x128xi32, #tpu.memory_space<hbm>>
      %dma_wait3A_57 = arith.constant 0 : i32
      %dma_wait3A_58 = arith.constant 0 : i32
      %dma_wait3A_59 = tpu.memref_slice %arg4[%arg1, %dma_wait3A_57, %dma_wait3A_58] : memref<16x160x128xi32, #tpu.memory_space<hbm>> -> memref<1x160x128xi32, #tpu.memory_space<hbm>>
      %dma_wait3A_60 = tpu.memref_squeeze %dma_wait3A_59 : memref<1x160x128xi32, #tpu.memory_space<hbm>> -> memref<160x128xi32, #tpu.memory_space<hbm>>
      tpu.wait_dma2 semaphore(%run_scoped3A : memref<!tpu.dma_semaphore, #tpu.memory_space<semaphore_mem>>) src(%dma_wait3A_60 : memref<160x128xi32, #tpu.memory_space<hbm>>) dst(%arg8 : memref<160x128xi32, #tpu.memory_space<vmem>>)
      tpu.yield
    }) : () -> ()
    %mul3A = arith.constant 632 : i32
    %mul3A_0 = arith.muli %arg1, %mul3A : i32
    "tpu.region"() ({
      %run_scoped3A = tpu.sem_alloc : memref<!tpu.dma_semaphore, #tpu.memory_space<semaphore_mem>>
      %dma_start3A_45 = arith.constant 0 : i32
      %dma_start3A_46 = tpu.memref_slice %arg13[%mul3A_0, %dma_start3A_45] : memref<10112x32xf32, #tpu.memory_space<vmem_shared>> -> memref<632x32xf32, #tpu.memory_space<vmem_shared>>
      tpu.enqueue_dma source(%arg5 : memref<632x32xf32, #tpu.memory_space<hbm>>) target(%dma_start3A_46 : memref<632x32xf32, #tpu.memory_space<vmem_shared>>) target_semaphore(%run_scoped3A : memref<!tpu.dma_semaphore, #tpu.memory_space<semaphore_mem>>)
      %dma_wait3A_47 = arith.constant 0 : i32
      %dma_wait3A_48 = tpu.memref_slice %arg13[%mul3A_0, %dma_wait3A_47] : memref<10112x32xf32, #tpu.memory_space<vmem_shared>> -> memref<632x32xf32, #tpu.memory_space<vmem_shared>>
      tpu.wait_dma2 semaphore(%run_scoped3A : memref<!tpu.dma_semaphore, #tpu.memory_space<semaphore_mem>>) src(%arg5 : memref<632x32xf32, #tpu.memory_space<hbm>>) dst(%dma_wait3A_48 : memref<632x32xf32, #tpu.memory_space<vmem_shared>>)
      tpu.yield
    }) : () -> ()
    %barrier3A = arith.constant 0 : index
    tpu.barrier barrier_id(%barrier3A)
    %dma_start3A = arith.constant 0 : i32
    %dma_start3A_1 = arith.constant 0 : i32
    %dma_start3A_2 = tpu.memref_slice %arg7[%dma_start3A, %dma_start3A_1] : memref<160x128xi32, #tpu.memory_space<vmem>> -> memref<1x128xi32, #tpu.memory_space<vmem>>
    %dma_start3A_3 = tpu.memref_squeeze %dma_start3A_2 : memref<1x128xi32, #tpu.memory_space<vmem>> -> memref<128xi32, #tpu.memory_space<vmem>>
    %dma_start3A_4 = arith.constant 0 : i32
    %dma_start3A_5 = arith.constant 0 : i32
    %dma_start3A_6 = tpu.memref_slice %arg2[%arg0, %dma_start3A_4, %dma_start3A_5] : memref<2x10000x32xf32, #tpu.memory_space<hbm>> -> memref<1x10000x32xf32, #tpu.memory_space<hbm>>
    %dma_start3A_7 = tpu.memref_squeeze %dma_start3A_6 : memref<1x10000x32xf32, #tpu.memory_space<hbm>> -> memref<10000x32xf32, #tpu.memory_space<hbm>>
    %dma_start3A_8 = arith.constant 0 : i32
    %dma_start3A_9 = arith.constant 0 : i32
    %dma_start3A_10 = tpu.memref_slice %dma_start3A_7[%dma_start3A_8, %dma_start3A_9] : memref<10000x32xf32, #tpu.memory_space<hbm>> -> memref<10000x32xf32, #tpu.memory_space<hbm>>
    tpu.enqueue_indirect_dma source(%dma_start3A_10 : memref<10000x32xf32, #tpu.memory_space<hbm>>) target(%arg9 : memref<128x32xf32, #tpu.memory_space<vmem>>) offsets(%dma_start3A_3 : memref<128xi32, #tpu.memory_space<vmem>>) semaphore(%arg14 : memref<!tpu.dma_semaphore, #tpu.memory_space<semaphore_mem>>)
    %dma_start3A_11 = arith.constant 1 : i32
    %dma_start3A_12 = arith.constant 0 : i32
    %dma_start3A_13 = tpu.memref_slice %arg7[%dma_start3A_11, %dma_start3A_12] : memref<160x128xi32, #tpu.memory_space<vmem>> -> memref<1x128xi32, #tpu.memory_space<vmem>>
    %dma_start3A_14 = tpu.memref_squeeze %dma_start3A_13 : memref<1x128xi32, #tpu.memory_space<vmem>> -> memref<128xi32, #tpu.memory_space<vmem>>
    %dma_start3A_15 = arith.constant 0 : i32
    %dma_start3A_16 = arith.constant 0 : i32
    %dma_start3A_17 = tpu.memref_slice %arg2[%arg0, %dma_start3A_15, %dma_start3A_16] : memref<2x10000x32xf32, #tpu.memory_space<hbm>> -> memref<1x10000x32xf32, #tpu.memory_space<hbm>>
    %dma_start3A_18 = tpu.memref_squeeze %dma_start3A_17 : memref<1x10000x32xf32, #tpu.memory_space<hbm>> -> memref<10000x32xf32, #tpu.memory_space<hbm>>
    %dma_start3A_19 = arith.constant 0 : i32
    %dma_start3A_20 = arith.constant 0 : i32
    %dma_start3A_21 = tpu.memref_slice %dma_start3A_18[%dma_start3A_19, %dma_start3A_20] : memref<10000x32xf32, #tpu.memory_space<hbm>> -> memref<10000x32xf32, #tpu.memory_space<hbm>>
    tpu.enqueue_indirect_dma source(%dma_start3A_21 : memref<10000x32xf32, #tpu.memory_space<hbm>>) target(%arg10 : memref<128x32xf32, #tpu.memory_space<vmem>>) offsets(%dma_start3A_14 : memref<128xi32, #tpu.memory_space<vmem>>) semaphore(%arg15 : memref<!tpu.dma_semaphore, #tpu.memory_space<semaphore_mem>>)
    %scan3A = arith.constant 0 : i32
    %scan3A_22 = arith.constant 0 : i32
    %scan3A_23 = arith.constant 40 : i32
    %scan3A_24 = arith.addi %scan3A_22, %scan3A_23 : i32
    %scan3A_25 = arith.constant 1 : i32
    scf.for %scan3A_45 = %scan3A_22 to %scan3A_24 step %scan3A_25  : i32 {
      %mul3A_46 = arith.constant 4 : i32
      %mul3A_47 = arith.muli %mul3A_46, %scan3A_45 : i32
      %add3A = arith.constant 0 : i32
      %add3A_48 = arith.addi %mul3A_47, %add3A : i32
      %dma_wait3A_49 = arith.constant 0 : i32
      %dma_wait3A_50 = tpu.memref_slice %arg7[%add3A_48, %dma_wait3A_49] : memref<160x128xi32, #tpu.memory_space<vmem>> -> memref<1x128xi32, #tpu.memory_space<vmem>>
      %dma_wait3A_51 = tpu.memref_squeeze %dma_wait3A_50 : memref<1x128xi32, #tpu.memory_space<vmem>> -> memref<128xi32, #tpu.memory_space<vmem>>
      %dma_wait3A_52 = arith.constant 0 : i32
      %dma_wait3A_53 = arith.constant 0 : i32
      %dma_wait3A_54 = tpu.memref_slice %arg2[%arg0, %dma_wait3A_52, %dma_wait3A_53] : memref<2x10000x32xf32, #tpu.memory_space<hbm>> -> memref<1x10000x32xf32, #tpu.memory_space<hbm>>
      %dma_wait3A_55 = tpu.memref_squeeze %dma_wait3A_54 : memref<1x10000x32xf32, #tpu.memory_space<hbm>> -> memref<10000x32xf32, #tpu.memory_space<hbm>>
      %dma_wait3A_56 = arith.constant 0 : i32
      %dma_wait3A_57 = arith.constant 0 : i32
      %dma_wait3A_58 = tpu.memref_slice %dma_wait3A_55[%dma_wait3A_56, %dma_wait3A_57] : memref<10000x32xf32, #tpu.memory_space<hbm>> -> memref<10000x32xf32, #tpu.memory_space<hbm>>
      tpu.wait_indirect_dma semaphore(%arg14 : memref<!tpu.dma_semaphore, #tpu.memory_space<semaphore_mem>>) src(%dma_wait3A_58 : memref<10000x32xf32, #tpu.memory_space<hbm>>) dst(%arg9 : memref<128x32xf32, #tpu.memory_space<vmem>>)
      %dma_start3A_59 = arith.constant 0 : i32
      %dma_start3A_60 = tpu.memref_slice %arg8[%add3A_48, %dma_start3A_59] : memref<160x128xi32, #tpu.memory_space<vmem>> -> memref<1x128xi32, #tpu.memory_space<vmem>>
      %dma_start3A_61 = tpu.memref_squeeze %dma_start3A_60 : memref<1x128xi32, #tpu.memory_space<vmem>> -> memref<128xi32, #tpu.memory_space<vmem>>
      %dma_start3A_62 = arith.constant 0 : i32
      %dma_start3A_63 = arith.constant 0 : i32
      %dma_start3A_64 = tpu.memref_slice %arg13[%dma_start3A_62, %dma_start3A_63] : memref<10112x32xf32, #tpu.memory_space<vmem_shared>> -> memref<10112x32xf32, #tpu.memory_space<vmem_shared>>
      tpu.enqueue_indirect_dma source(%arg9 : memref<128x32xf32, #tpu.memory_space<vmem>>) target(%dma_start3A_64 : memref<10112x32xf32, #tpu.memory_space<vmem_shared>>) offsets(%dma_start3A_61 : memref<128xi32, #tpu.memory_space<vmem>>) semaphore(%arg18 : memref<!tpu.dma_semaphore, #tpu.memory_space<semaphore_mem>>) {add = true}
      %gt3A = arith.constant 0 : i32
      %gt3A_65 = arith.cmpi sgt, %scan3A_45, %gt3A : i32
      %convert_element_type3A = arith.extui %gt3A_65 : i1 to i32
      %cond3A = arith.constant 0 : i32
      %cond3A_66 = arith.cmpi ne, %convert_element_type3A, %cond3A : i32
      scf.if %cond3A_66 {
        %sub3A_174 = arith.constant 2 : i32
        %sub3A_175 = arith.subi %add3A_48, %sub3A_174 : i32
        %dma_wait3A_176 = arith.constant 0 : i32
        %dma_wait3A_177 = tpu.memref_slice %arg8[%sub3A_175, %dma_wait3A_176] : memref<160x128xi32, #tpu.memory_space<vmem>> -> memref<1x128xi32, #tpu.memory_space<vmem>>
        %dma_wait3A_178 = tpu.memref_squeeze %dma_wait3A_177 : memref<1x128xi32, #tpu.memory_space<vmem>> -> memref<128xi32, #tpu.memory_space<vmem>>
        %dma_wait3A_179 = arith.constant 0 : i32
        %dma_wait3A_180 = arith.constant 0 : i32
        %dma_wait3A_181 = tpu.memref_slice %arg13[%dma_wait3A_179, %dma_wait3A_180] : memref<10112x32xf32, #tpu.memory_space<vmem_shared>> -> memref<10112x32xf32, #tpu.memory_space<vmem_shared>>
        tpu.wait_indirect_dma semaphore(%arg20 : memref<!tpu.dma_semaphore, #tpu.memory_space<semaphore_mem>>) src(%arg11 : memref<128x32xf32, #tpu.memory_space<vmem>>) dst(%dma_wait3A_181 : memref<10112x32xf32, #tpu.memory_space<vmem_shared>>)
      } else {
      }
      %add3A_67 = arith.constant 2 : i32
      %add3A_68 = arith.addi %add3A_48, %add3A_67 : i32
      %dma_start3A_69 = arith.constant 0 : i32
      %dma_start3A_70 = tpu.memref_slice %arg7[%add3A_68, %dma_start3A_69] : memref<160x128xi32, #tpu.memory_space<vmem>> -> memref<1x128xi32, #tpu.memory_space<vmem>>
      %dma_start3A_71 = tpu.memref_squeeze %dma_start3A_70 : memref<1x128xi32, #tpu.memory_space<vmem>> -> memref<128xi32, #tpu.memory_space<vmem>>
      %dma_start3A_72 = arith.constant 0 : i32
      %dma_start3A_73 = arith.constant 0 : i32
      %dma_start3A_74 = tpu.memref_slice %arg2[%arg0, %dma_start3A_72, %dma_start3A_73] : memref<2x10000x32xf32, #tpu.memory_space<hbm>> -> memref<1x10000x32xf32, #tpu.memory_space<hbm>>
      %dma_start3A_75 = tpu.memref_squeeze %dma_start3A_74 : memref<1x10000x32xf32, #tpu.memory_space<hbm>> -> memref<10000x32xf32, #tpu.memory_space<hbm>>
      %dma_start3A_76 = arith.constant 0 : i32
      %dma_start3A_77 = arith.constant 0 : i32
      %dma_start3A_78 = tpu.memref_slice %dma_start3A_75[%dma_start3A_76, %dma_start3A_77] : memref<10000x32xf32, #tpu.memory_space<hbm>> -> memref<10000x32xf32, #tpu.memory_space<hbm>>
      tpu.enqueue_indirect_dma source(%dma_start3A_78 : memref<10000x32xf32, #tpu.memory_space<hbm>>) target(%arg11 : memref<128x32xf32, #tpu.memory_space<vmem>>) offsets(%dma_start3A_71 : memref<128xi32, #tpu.memory_space<vmem>>) semaphore(%arg16 : memref<!tpu.dma_semaphore, #tpu.memory_space<semaphore_mem>>)
      %add3A_79 = arith.constant 1 : i32
      %add3A_80 = arith.addi %mul3A_47, %add3A_79 : i32
      %dma_wait3A_81 = arith.constant 0 : i32
      %dma_wait3A_82 = tpu.memref_slice %arg7[%add3A_80, %dma_wait3A_81] : memref<160x128xi32, #tpu.memory_space<vmem>> -> memref<1x128xi32, #tpu.memory_space<vmem>>
      %dma_wait3A_83 = tpu.memref_squeeze %dma_wait3A_82 : memref<1x128xi32, #tpu.memory_space<vmem>> -> memref<128xi32, #tpu.memory_space<vmem>>
      %dma_wait3A_84 = arith.constant 0 : i32
      %dma_wait3A_85 = arith.constant 0 : i32
      %dma_wait3A_86 = tpu.memref_slice %arg2[%arg0, %dma_wait3A_84, %dma_wait3A_85] : memref<2x10000x32xf32, #tpu.memory_space<hbm>> -> memref<1x10000x32xf32, #tpu.memory_space<hbm>>
      %dma_wait3A_87 = tpu.memref_squeeze %dma_wait3A_86 : memref<1x10000x32xf32, #tpu.memory_space<hbm>> -> memref<10000x32xf32, #tpu.memory_space<hbm>>
      %dma_wait3A_88 = arith.constant 0 : i32
      %dma_wait3A_89 = arith.constant 0 : i32
      %dma_wait3A_90 = tpu.memref_slice %dma_wait3A_87[%dma_wait3A_88, %dma_wait3A_89] : memref<10000x32xf32, #tpu.memory_space<hbm>> -> memref<10000x32xf32, #tpu.memory_space<hbm>>
      tpu.wait_indirect_dma semaphore(%arg15 : memref<!tpu.dma_semaphore, #tpu.memory_space<semaphore_mem>>) src(%dma_wait3A_90 : memref<10000x32xf32, #tpu.memory_space<hbm>>) dst(%arg10 : memref<128x32xf32, #tpu.memory_space<vmem>>)
      %dma_start3A_91 = arith.constant 0 : i32
      %dma_start3A_92 = tpu.memref_slice %arg8[%add3A_80, %dma_start3A_91] : memref<160x128xi32, #tpu.memory_space<vmem>> -> memref<1x128xi32, #tpu.memory_space<vmem>>
      %dma_start3A_93 = tpu.memref_squeeze %dma_start3A_92 : memref<1x128xi32, #tpu.memory_space<vmem>> -> memref<128xi32, #tpu.memory_space<vmem>>
      %dma_start3A_94 = arith.constant 0 : i32
      %dma_start3A_95 = arith.constant 0 : i32
      %dma_start3A_96 = tpu.memref_slice %arg13[%dma_start3A_94, %dma_start3A_95] : memref<10112x32xf32, #tpu.memory_space<vmem_shared>> -> memref<10112x32xf32, #tpu.memory_space<vmem_shared>>
      tpu.enqueue_indirect_dma source(%arg10 : memref<128x32xf32, #tpu.memory_space<vmem>>) target(%dma_start3A_96 : memref<10112x32xf32, #tpu.memory_space<vmem_shared>>) offsets(%dma_start3A_93 : memref<128xi32, #tpu.memory_space<vmem>>) semaphore(%arg19 : memref<!tpu.dma_semaphore, #tpu.memory_space<semaphore_mem>>) {add = true}
      %gt3A_97 = arith.constant 0 : i32
      %gt3A_98 = arith.cmpi sgt, %scan3A_45, %gt3A_97 : i32
      %convert_element_type3A_99 = arith.extui %gt3A_98 : i1 to i32
      %cond3A_100 = arith.constant 0 : i32
      %cond3A_101 = arith.cmpi ne, %convert_element_type3A_99, %cond3A_100 : i32
      scf.if %cond3A_101 {
        %sub3A_174 = arith.constant 2 : i32
        %sub3A_175 = arith.subi %add3A_80, %sub3A_174 : i32
        %dma_wait3A_176 = arith.constant 0 : i32
        %dma_wait3A_177 = tpu.memref_slice %arg8[%sub3A_175, %dma_wait3A_176] : memref<160x128xi32, #tpu.memory_space<vmem>> -> memref<1x128xi32, #tpu.memory_space<vmem>>
        %dma_wait3A_178 = tpu.memref_squeeze %dma_wait3A_177 : memref<1x128xi32, #tpu.memory_space<vmem>> -> memref<128xi32, #tpu.memory_space<vmem>>
        %dma_wait3A_179 = arith.constant 0 : i32
        %dma_wait3A_180 = arith.constant 0 : i32
        %dma_wait3A_181 = tpu.memref_slice %arg13[%dma_wait3A_179, %dma_wait3A_180] : memref<10112x32xf32, #tpu.memory_space<vmem_shared>> -> memref<10112x32xf32, #tpu.memory_space<vmem_shared>>
        tpu.wait_indirect_dma semaphore(%arg21 : memref<!tpu.dma_semaphore, #tpu.memory_space<semaphore_mem>>) src(%arg12 : memref<128x32xf32, #tpu.memory_space<vmem>>) dst(%dma_wait3A_181 : memref<10112x32xf32, #tpu.memory_space<vmem_shared>>)
      } else {
      }
      %add3A_102 = arith.constant 2 : i32
      %add3A_103 = arith.addi %add3A_80, %add3A_102 : i32
      %dma_start3A_104 = arith.constant 0 : i32
      %dma_start3A_105 = tpu.memref_slice %arg7[%add3A_103, %dma_start3A_104] : memref<160x128xi32, #tpu.memory_space<vmem>> -> memref<1x128xi32, #tpu.memory_space<vmem>>
      %dma_start3A_106 = tpu.memref_squeeze %dma_start3A_105 : memref<1x128xi32, #tpu.memory_space<vmem>> -> memref<128xi32, #tpu.memory_space<vmem>>
      %dma_start3A_107 = arith.constant 0 : i32
      %dma_start3A_108 = arith.constant 0 : i32
      %dma_start3A_109 = tpu.memref_slice %arg2[%arg0, %dma_start3A_107, %dma_start3A_108] : memref<2x10000x32xf32, #tpu.memory_space<hbm>> -> memref<1x10000x32xf32, #tpu.memory_space<hbm>>
      %dma_start3A_110 = tpu.memref_squeeze %dma_start3A_109 : memref<1x10000x32xf32, #tpu.memory_space<hbm>> -> memref<10000x32xf32, #tpu.memory_space<hbm>>
      %dma_start3A_111 = arith.constant 0 : i32
      %dma_start3A_112 = arith.constant 0 : i32
      %dma_start3A_113 = tpu.memref_slice %dma_start3A_110[%dma_start3A_111, %dma_start3A_112] : memref<10000x32xf32, #tpu.memory_space<hbm>> -> memref<10000x32xf32, #tpu.memory_space<hbm>>
      tpu.enqueue_indirect_dma source(%dma_start3A_113 : memref<10000x32xf32, #tpu.memory_space<hbm>>) target(%arg12 : memref<128x32xf32, #tpu.memory_space<vmem>>) offsets(%dma_start3A_106 : memref<128xi32, #tpu.memory_space<vmem>>) semaphore(%arg17 : memref<!tpu.dma_semaphore, #tpu.memory_space<semaphore_mem>>)
      %add3A_114 = arith.constant 2 : i32
      %add3A_115 = arith.addi %mul3A_47, %add3A_114 : i32
      %dma_wait3A_116 = arith.constant 0 : i32
      %dma_wait3A_117 = tpu.memref_slice %arg7[%add3A_115, %dma_wait3A_116] : memref<160x128xi32, #tpu.memory_space<vmem>> -> memref<1x128xi32, #tpu.memory_space<vmem>>
      %dma_wait3A_118 = tpu.memref_squeeze %dma_wait3A_117 : memref<1x128xi32, #tpu.memory_space<vmem>> -> memref<128xi32, #tpu.memory_space<vmem>>
      %dma_wait3A_119 = arith.constant 0 : i32
      %dma_wait3A_120 = arith.constant 0 : i32
      %dma_wait3A_121 = tpu.memref_slice %arg2[%arg0, %dma_wait3A_119, %dma_wait3A_120] : memref<2x10000x32xf32, #tpu.memory_space<hbm>> -> memref<1x10000x32xf32, #tpu.memory_space<hbm>>
      %dma_wait3A_122 = tpu.memref_squeeze %dma_wait3A_121 : memref<1x10000x32xf32, #tpu.memory_space<hbm>> -> memref<10000x32xf32, #tpu.memory_space<hbm>>
      %dma_wait3A_123 = arith.constant 0 : i32
      %dma_wait3A_124 = arith.constant 0 : i32
      %dma_wait3A_125 = tpu.memref_slice %dma_wait3A_122[%dma_wait3A_123, %dma_wait3A_124] : memref<10000x32xf32, #tpu.memory_space<hbm>> -> memref<10000x32xf32, #tpu.memory_space<hbm>>
      tpu.wait_indirect_dma semaphore(%arg16 : memref<!tpu.dma_semaphore, #tpu.memory_space<semaphore_mem>>) src(%dma_wait3A_125 : memref<10000x32xf32, #tpu.memory_space<hbm>>) dst(%arg11 : memref<128x32xf32, #tpu.memory_space<vmem>>)
      %dma_start3A_126 = arith.constant 0 : i32
      %dma_start3A_127 = tpu.memref_slice %arg8[%add3A_115, %dma_start3A_126] : memref<160x128xi32, #tpu.memory_space<vmem>> -> memref<1x128xi32, #tpu.memory_space<vmem>>
      %dma_start3A_128 = tpu.memref_squeeze %dma_start3A_127 : memref<1x128xi32, #tpu.memory_space<vmem>> -> memref<128xi32, #tpu.memory_space<vmem>>
      %dma_start3A_129 = arith.constant 0 : i32
      %dma_start3A_130 = arith.constant 0 : i32
      %dma_start3A_131 = tpu.memref_slice %arg13[%dma_start3A_129, %dma_start3A_130] : memref<10112x32xf32, #tpu.memory_space<vmem_shared>> -> memref<10112x32xf32, #tpu.memory_space<vmem_shared>>
      tpu.enqueue_indirect_dma source(%arg11 : memref<128x32xf32, #tpu.memory_space<vmem>>) target(%dma_start3A_131 : memref<10112x32xf32, #tpu.memory_space<vmem_shared>>) offsets(%dma_start3A_128 : memref<128xi32, #tpu.memory_space<vmem>>) semaphore(%arg20 : memref<!tpu.dma_semaphore, #tpu.memory_space<semaphore_mem>>) {add = true}
      %sub3A = arith.constant 2 : i32
      %sub3A_132 = arith.subi %add3A_115, %sub3A : i32
      %dma_wait3A_133 = arith.constant 0 : i32
      %dma_wait3A_134 = tpu.memref_slice %arg8[%sub3A_132, %dma_wait3A_133] : memref<160x128xi32, #tpu.memory_space<vmem>> -> memref<1x128xi32, #tpu.memory_space<vmem>>
      %dma_wait3A_135 = tpu.memref_squeeze %dma_wait3A_134 : memref<1x128xi32, #tpu.memory_space<vmem>> -> memref<128xi32, #tpu.memory_space<vmem>>
      %dma_wait3A_136 = arith.constant 0 : i32
      %dma_wait3A_137 = arith.constant 0 : i32
      %dma_wait3A_138 = tpu.memref_slice %arg13[%dma_wait3A_136, %dma_wait3A_137] : memref<10112x32xf32, #tpu.memory_space<vmem_shared>> -> memref<10112x32xf32, #tpu.memory_space<vmem_shared>>
      tpu.wait_indirect_dma semaphore(%arg18 : memref<!tpu.dma_semaphore, #tpu.memory_space<semaphore_mem>>) src(%arg9 : memref<128x32xf32, #tpu.memory_space<vmem>>) dst(%dma_wait3A_138 : memref<10112x32xf32, #tpu.memory_space<vmem_shared>>)
      %lt3A = arith.constant 39 : i32
      %lt3A_139 = arith.cmpi slt, %scan3A_45, %lt3A : i32
      %convert_element_type3A_140 = arith.extui %lt3A_139 : i1 to i32
      %cond3A_141 = arith.constant 0 : i32
      %cond3A_142 = arith.cmpi ne, %convert_element_type3A_140, %cond3A_141 : i32
      scf.if %cond3A_142 {
        %add3A_174 = arith.constant 2 : i32
        %add3A_175 = arith.addi %add3A_115, %add3A_174 : i32
        %dma_start3A_176 = arith.constant 0 : i32
        %dma_start3A_177 = tpu.memref_slice %arg7[%add3A_175, %dma_start3A_176] : memref<160x128xi32, #tpu.memory_space<vmem>> -> memref<1x128xi32, #tpu.memory_space<vmem>>
        %dma_start3A_178 = tpu.memref_squeeze %dma_start3A_177 : memref<1x128xi32, #tpu.memory_space<vmem>> -> memref<128xi32, #tpu.memory_space<vmem>>
        %dma_start3A_179 = arith.constant 0 : i32
        %dma_start3A_180 = arith.constant 0 : i32
        %dma_start3A_181 = tpu.memref_slice %arg2[%arg0, %dma_start3A_179, %dma_start3A_180] : memref<2x10000x32xf32, #tpu.memory_space<hbm>> -> memref<1x10000x32xf32, #tpu.memory_space<hbm>>
        %dma_start3A_182 = tpu.memref_squeeze %dma_start3A_181 : memref<1x10000x32xf32, #tpu.memory_space<hbm>> -> memref<10000x32xf32, #tpu.memory_space<hbm>>
        %dma_start3A_183 = arith.constant 0 : i32
        %dma_start3A_184 = arith.constant 0 : i32
        %dma_start3A_185 = tpu.memref_slice %dma_start3A_182[%dma_start3A_183, %dma_start3A_184] : memref<10000x32xf32, #tpu.memory_space<hbm>> -> memref<10000x32xf32, #tpu.memory_space<hbm>>
        tpu.enqueue_indirect_dma source(%dma_start3A_185 : memref<10000x32xf32, #tpu.memory_space<hbm>>) target(%arg9 : memref<128x32xf32, #tpu.memory_space<vmem>>) offsets(%dma_start3A_178 : memref<128xi32, #tpu.memory_space<vmem>>) semaphore(%arg14 : memref<!tpu.dma_semaphore, #tpu.memory_space<semaphore_mem>>)
      } else {
      }
      %add3A_143 = arith.constant 3 : i32
      %add3A_144 = arith.addi %mul3A_47, %add3A_143 : i32
      %dma_wait3A_145 = arith.constant 0 : i32
      %dma_wait3A_146 = tpu.memref_slice %arg7[%add3A_144, %dma_wait3A_145] : memref<160x128xi32, #tpu.memory_space<vmem>> -> memref<1x128xi32, #tpu.memory_space<vmem>>
      %dma_wait3A_147 = tpu.memref_squeeze %dma_wait3A_146 : memref<1x128xi32, #tpu.memory_space<vmem>> -> memref<128xi32, #tpu.memory_space<vmem>>
      %dma_wait3A_148 = arith.constant 0 : i32
      %dma_wait3A_149 = arith.constant 0 : i32
      %dma_wait3A_150 = tpu.memref_slice %arg2[%arg0, %dma_wait3A_148, %dma_wait3A_149] : memref<2x10000x32xf32, #tpu.memory_space<hbm>> -> memref<1x10000x32xf32, #tpu.memory_space<hbm>>
      %dma_wait3A_151 = tpu.memref_squeeze %dma_wait3A_150 : memref<1x10000x32xf32, #tpu.memory_space<hbm>> -> memref<10000x32xf32, #tpu.memory_space<hbm>>
      %dma_wait3A_152 = arith.constant 0 : i32
      %dma_wait3A_153 = arith.constant 0 : i32
      %dma_wait3A_154 = tpu.memref_slice %dma_wait3A_151[%dma_wait3A_152, %dma_wait3A_153] : memref<10000x32xf32, #tpu.memory_space<hbm>> -> memref<10000x32xf32, #tpu.memory_space<hbm>>
      tpu.wait_indirect_dma semaphore(%arg17 : memref<!tpu.dma_semaphore, #tpu.memory_space<semaphore_mem>>) src(%dma_wait3A_154 : memref<10000x32xf32, #tpu.memory_space<hbm>>) dst(%arg12 : memref<128x32xf32, #tpu.memory_space<vmem>>)
      %dma_start3A_155 = arith.constant 0 : i32
      %dma_start3A_156 = tpu.memref_slice %arg8[%add3A_144, %dma_start3A_155] : memref<160x128xi32, #tpu.memory_space<vmem>> -> memref<1x128xi32, #tpu.memory_space<vmem>>
      %dma_start3A_157 = tpu.memref_squeeze %dma_start3A_156 : memref<1x128xi32, #tpu.memory_space<vmem>> -> memref<128xi32, #tpu.memory_space<vmem>>
      %dma_start3A_158 = arith.constant 0 : i32
      %dma_start3A_159 = arith.constant 0 : i32
      %dma_start3A_160 = tpu.memref_slice %arg13[%dma_start3A_158, %dma_start3A_159] : memref<10112x32xf32, #tpu.memory_space<vmem_shared>> -> memref<10112x32xf32, #tpu.memory_space<vmem_shared>>
      tpu.enqueue_indirect_dma source(%arg12 : memref<128x32xf32, #tpu.memory_space<vmem>>) target(%dma_start3A_160 : memref<10112x32xf32, #tpu.memory_space<vmem_shared>>) offsets(%dma_start3A_157 : memref<128xi32, #tpu.memory_space<vmem>>) semaphore(%arg21 : memref<!tpu.dma_semaphore, #tpu.memory_space<semaphore_mem>>) {add = true}
      %sub3A_161 = arith.constant 2 : i32
      %sub3A_162 = arith.subi %add3A_144, %sub3A_161 : i32
      %dma_wait3A_163 = arith.constant 0 : i32
      %dma_wait3A_164 = tpu.memref_slice %arg8[%sub3A_162, %dma_wait3A_163] : memref<160x128xi32, #tpu.memory_space<vmem>> -> memref<1x128xi32, #tpu.memory_space<vmem>>
      %dma_wait3A_165 = tpu.memref_squeeze %dma_wait3A_164 : memref<1x128xi32, #tpu.memory_space<vmem>> -> memref<128xi32, #tpu.memory_space<vmem>>
      %dma_wait3A_166 = arith.constant 0 : i32
      %dma_wait3A_167 = arith.constant 0 : i32
      %dma_wait3A_168 = tpu.memref_slice %arg13[%dma_wait3A_166, %dma_wait3A_167] : memref<10112x32xf32, #tpu.memory_space<vmem_shared>> -> memref<10112x32xf32, #tpu.memory_space<vmem_shared>>
      tpu.wait_indirect_dma semaphore(%arg19 : memref<!tpu.dma_semaphore, #tpu.memory_space<semaphore_mem>>) src(%arg10 : memref<128x32xf32, #tpu.memory_space<vmem>>) dst(%dma_wait3A_168 : memref<10112x32xf32, #tpu.memory_space<vmem_shared>>)
      %lt3A_169 = arith.constant 39 : i32
      %lt3A_170 = arith.cmpi slt, %scan3A_45, %lt3A_169 : i32
      %convert_element_type3A_171 = arith.extui %lt3A_170 : i1 to i32
      %cond3A_172 = arith.constant 0 : i32
      %cond3A_173 = arith.cmpi ne, %convert_element_type3A_171, %cond3A_172 : i32
      scf.if %cond3A_173 {
        %add3A_174 = arith.constant 2 : i32
        %add3A_175 = arith.addi %add3A_144, %add3A_174 : i32
        %dma_start3A_176 = arith.constant 0 : i32
        %dma_start3A_177 = tpu.memref_slice %arg7[%add3A_175, %dma_start3A_176] : memref<160x128xi32, #tpu.memory_space<vmem>> -> memref<1x128xi32, #tpu.memory_space<vmem>>
        %dma_start3A_178 = tpu.memref_squeeze %dma_start3A_177 : memref<1x128xi32, #tpu.memory_space<vmem>> -> memref<128xi32, #tpu.memory_space<vmem>>
        %dma_start3A_179 = arith.constant 0 : i32
        %dma_start3A_180 = arith.constant 0 : i32
        %dma_start3A_181 = tpu.memref_slice %arg2[%arg0, %dma_start3A_179, %dma_start3A_180] : memref<2x10000x32xf32, #tpu.memory_space<hbm>> -> memref<1x10000x32xf32, #tpu.memory_space<hbm>>
        %dma_start3A_182 = tpu.memref_squeeze %dma_start3A_181 : memref<1x10000x32xf32, #tpu.memory_space<hbm>> -> memref<10000x32xf32, #tpu.memory_space<hbm>>
        %dma_start3A_183 = arith.constant 0 : i32
        %dma_start3A_184 = arith.constant 0 : i32
        %dma_start3A_185 = tpu.memref_slice %dma_start3A_182[%dma_start3A_183, %dma_start3A_184] : memref<10000x32xf32, #tpu.memory_space<hbm>> -> memref<10000x32xf32, #tpu.memory_space<hbm>>
        tpu.enqueue_indirect_dma source(%dma_start3A_185 : memref<10000x32xf32, #tpu.memory_space<hbm>>) target(%arg10 : memref<128x32xf32, #tpu.memory_space<vmem>>) offsets(%dma_start3A_178 : memref<128xi32, #tpu.memory_space<vmem>>) semaphore(%arg15 : memref<!tpu.dma_semaphore, #tpu.memory_space<semaphore_mem>>)
      } else {
      }
    }
    %scan3A_26 = arith.constant 40 : i32
    %dma_wait3A = arith.constant 158 : i32
    %dma_wait3A_27 = arith.constant 0 : i32
    %dma_wait3A_28 = tpu.memref_slice %arg8[%dma_wait3A, %dma_wait3A_27] : memref<160x128xi32, #tpu.memory_space<vmem>> -> memref<1x128xi32, #tpu.memory_space<vmem>>
    %dma_wait3A_29 = tpu.memref_squeeze %dma_wait3A_28 : memref<1x128xi32, #tpu.memory_space<vmem>> -> memref<128xi32, #tpu.memory_space<vmem>>
    %dma_wait3A_30 = arith.constant 0 : i32
    %dma_wait3A_31 = arith.constant 0 : i32
    %dma_wait3A_32 = tpu.memref_slice %arg13[%dma_wait3A_30, %dma_wait3A_31] : memref<10112x32xf32, #tpu.memory_space<vmem_shared>> -> memref<10112x32xf32, #tpu.memory_space<vmem_shared>>
    tpu.wait_indirect_dma semaphore(%arg20 : memref<!tpu.dma_semaphore, #tpu.memory_space<semaphore_mem>>) src(%arg11 : memref<128x32xf32, #tpu.memory_space<vmem>>) dst(%dma_wait3A_32 : memref<10112x32xf32, #tpu.memory_space<vmem_shared>>)
    %dma_wait3A_33 = arith.constant 159 : i32
    %dma_wait3A_34 = arith.constant 0 : i32
    %dma_wait3A_35 = tpu.memref_slice %arg8[%dma_wait3A_33, %dma_wait3A_34] : memref<160x128xi32, #tpu.memory_space<vmem>> -> memref<1x128xi32, #tpu.memory_space<vmem>>
    %dma_wait3A_36 = tpu.memref_squeeze %dma_wait3A_35 : memref<1x128xi32, #tpu.memory_space<vmem>> -> memref<128xi32, #tpu.memory_space<vmem>>
    %dma_wait3A_37 = arith.constant 0 : i32
    %dma_wait3A_38 = arith.constant 0 : i32
    %dma_wait3A_39 = tpu.memref_slice %arg13[%dma_wait3A_37, %dma_wait3A_38] : memref<10112x32xf32, #tpu.memory_space<vmem_shared>> -> memref<10112x32xf32, #tpu.memory_space<vmem_shared>>
    tpu.wait_indirect_dma semaphore(%arg21 : memref<!tpu.dma_semaphore, #tpu.memory_space<semaphore_mem>>) src(%arg12 : memref<128x32xf32, #tpu.memory_space<vmem>>) dst(%dma_wait3A_39 : memref<10112x32xf32, #tpu.memory_space<vmem_shared>>)
    %barrier3A_40 = arith.constant 0 : index
    tpu.barrier barrier_id(%barrier3A_40)
    %mul3A_41 = arith.constant 632 : i32
    %mul3A_42 = arith.muli %arg1, %mul3A_41 : i32
    %mul3A_43 = arith.constant 632 : i32
    %mul3A_44 = arith.muli %arg1, %mul3A_43 : i32
    "tpu.region"() ({
      %run_scoped3A = tpu.sem_alloc : memref<!tpu.dma_semaphore, #tpu.memory_space<semaphore_mem>>
      %dma_start3A_45 = arith.constant 0 : i32
      %dma_start3A_46 = arith.constant 0 : i32
      %dma_start3A_47 = tpu.memref_slice %arg6[%arg0, %dma_start3A_45, %dma_start3A_46] : memref<2x10112x32xf32, #tpu.memory_space<hbm>> -> memref<1x10112x32xf32, #tpu.memory_space<hbm>>
      %dma_start3A_48 = tpu.memref_squeeze %dma_start3A_47 : memref<1x10112x32xf32, #tpu.memory_space<hbm>> -> memref<10112x32xf32, #tpu.memory_space<hbm>>
      %dma_start3A_49 = arith.constant 0 : i32
      %dma_start3A_50 = tpu.memref_slice %dma_start3A_48[%mul3A_44, %dma_start3A_49] : memref<10112x32xf32, #tpu.memory_space<hbm>> -> memref<632x32xf32, #tpu.memory_space<hbm>>
      %dma_start3A_51 = arith.constant 0 : i32
      %dma_start3A_52 = tpu.memref_slice %arg13[%mul3A_42, %dma_start3A_51] : memref<10112x32xf32, #tpu.memory_space<vmem_shared>> -> memref<632x32xf32, #tpu.memory_space<vmem_shared>>
      tpu.enqueue_dma source(%dma_start3A_52 : memref<632x32xf32, #tpu.memory_space<vmem_shared>>) target(%dma_start3A_50 : memref<632x32xf32, #tpu.memory_space<hbm>>) target_semaphore(%run_scoped3A : memref<!tpu.dma_semaphore, #tpu.memory_space<semaphore_mem>>)
      %dma_wait3A_53 = arith.constant 0 : i32
      %dma_wait3A_54 = arith.constant 0 : i32
      %dma_wait3A_55 = tpu.memref_slice %arg6[%arg0, %dma_wait3A_53, %dma_wait3A_54] : memref<2x10112x32xf32, #tpu.memory_space<hbm>> -> memref<1x10112x32xf32, #tpu.memory_space<hbm>>
      %dma_wait3A_56 = tpu.memref_squeeze %dma_wait3A_55 : memref<1x10112x32xf32, #tpu.memory_space<hbm>> -> memref<10112x32xf32, #tpu.memory_space<hbm>>
      %dma_wait3A_57 = arith.constant 0 : i32
      %dma_wait3A_58 = tpu.memref_slice %dma_wait3A_56[%mul3A_44, %dma_wait3A_57] : memref<10112x32xf32, #tpu.memory_space<hbm>> -> memref<632x32xf32, #tpu.memory_space<hbm>>
      %dma_wait3A_59 = arith.constant 0 : i32
      %dma_wait3A_60 = tpu.memref_slice %arg13[%mul3A_42, %dma_wait3A_59] : memref<10112x32xf32, #tpu.memory_space<vmem_shared>> -> memref<632x32xf32, #tpu.memory_space<vmem_shared>>
      tpu.wait_dma2 semaphore(%run_scoped3A : memref<!tpu.dma_semaphore, #tpu.memory_space<semaphore_mem>>) src(%dma_wait3A_60 : memref<632x32xf32, #tpu.memory_space<vmem_shared>>) dst(%dma_wait3A_58 : memref<632x32xf32, #tpu.memory_space<hbm>>)
      tpu.yield
    }) : () -> ()
    return
  }
}

module attributes {stable_mosaic.version = 14 : i64} {
  func.func @_dense0_body(%arg0: i32, %arg1: memref<2000x128xf32, #tpu.memory_space<vmem>>, %arg2: memref<128x64xf32, #tpu.memory_space<vmem>>, %arg3: memref<128x64xf32, #tpu.memory_space<vmem>>, %arg4: memref<128x128xf32, #tpu.memory_space<vmem>>, %arg5: memref<1x128xf32, #tpu.memory_space<vmem>>, %arg6: memref<2x2000x64xf32, #tpu.memory_space<vmem>>, %arg7: memref<2000x128xf32, #tpu.memory_space<vmem>>) attributes {dimension_semantics = [#tpu.dimension_semantics<arbitrary>], iteration_bounds = array<i64: 5>, scalar_prefetch = 0 : i64, scratch_operands = 0 : i64, tpu.core_type = #tpu.core_type<tc>, window_params = [{transform_indices = @transform_0, window_bounds = array<i64: 2000, 128>}, {pipeline_mode = #tpu.pipeline_mode<synchronous>, transform_indices = @transform_1, window_bounds = array<i64: 128, 64>}, {pipeline_mode = #tpu.pipeline_mode<synchronous>, transform_indices = @transform_2, window_bounds = array<i64: 128, 64>}, {pipeline_mode = #tpu.pipeline_mode<synchronous>, transform_indices = @transform_3, window_bounds = array<i64: 128, 128>}, {pipeline_mode = #tpu.pipeline_mode<synchronous>, transform_indices = @transform_4, window_bounds = array<i64: 1, 128>}, {transform_indices = @transform_5, window_bounds = array<i64: 2, 2000, 64>}, {transform_indices = @transform_6, window_bounds = array<i64: 2000, 128>}]} {
    %get3A = arith.constant 0 : index
    %get3A_0 = arith.constant 0 : index
    %get3A_1 = vector.load %arg1[%get3A, %get3A_0] : memref<2000x128xf32, #tpu.memory_space<vmem>>, vector<2000x128xf32>
    %get3A_2 = arith.constant 0 : index
    %get3A_3 = arith.constant 0 : index
    %get3A_4 = vector.load %arg2[%get3A_2, %get3A_3] : memref<128x64xf32, #tpu.memory_space<vmem>>, vector<128x64xf32>
    %dot_general3A = arith.constant dense<0.000000e+00> : vector<2000x64xf32>
    %dot_general3A_5 = tpu.matmul %get3A_1, %get3A_4, %dot_general3A {dimension_numbers = #tpu.dot_dimension_numbers<[1], [0], [0], [1], [0, 0, 1, 1], [], []>, transpose_lhs_hint = false} : vector<2000x128xf32>, vector<128x64xf32>, vector<2000x64xf32> -> vector<2000x64xf32>
    %swap3A = arith.constant 0 : index
    %swap3A_6 = arith.constant 0 : index
    %swap3A_7 = arith.constant 0 : index
    %swap3A_8 = vector.load %arg6[%swap3A, %swap3A_6, %swap3A_7] : memref<2x2000x64xf32, #tpu.memory_space<vmem>>, vector<1x2000x64xf32>
    %swap3A_9 = vector.shape_cast %swap3A_8 : vector<1x2000x64xf32> to vector<2000x64xf32>
    %swap3A_10 = vector.shape_cast %dot_general3A_5 : vector<2000x64xf32> to vector<1x2000x64xf32>
    tpu.vector_store %arg6[%swap3A, %swap3A_6, %swap3A_7], %swap3A_10 {strides = array<i32>} : memref<2x2000x64xf32, #tpu.memory_space<vmem>>, vector<1x2000x64xf32>,
    %get3A_11 = arith.constant 0 : index
    %get3A_12 = arith.constant 0 : index
    %get3A_13 = vector.load %arg3[%get3A_11, %get3A_12] : memref<128x64xf32, #tpu.memory_space<vmem>>, vector<128x64xf32>
    %dot_general3A_14 = arith.constant dense<0.000000e+00> : vector<2000x64xf32>
    %dot_general3A_15 = tpu.matmul %get3A_1, %get3A_13, %dot_general3A_14 {dimension_numbers = #tpu.dot_dimension_numbers<[1], [0], [0], [1], [0, 0, 1, 1], [], []>, transpose_lhs_hint = false} : vector<2000x128xf32>, vector<128x64xf32>, vector<2000x64xf32> -> vector<2000x64xf32>
    %swap3A_16 = arith.constant 1 : index
    %swap3A_17 = arith.constant 0 : index
    %swap3A_18 = arith.constant 0 : index
    %swap3A_19 = vector.load %arg6[%swap3A_16, %swap3A_17, %swap3A_18] : memref<2x2000x64xf32, #tpu.memory_space<vmem>>, vector<1x2000x64xf32>
    %swap3A_20 = vector.shape_cast %swap3A_19 : vector<1x2000x64xf32> to vector<2000x64xf32>
    %swap3A_21 = vector.shape_cast %dot_general3A_15 : vector<2000x64xf32> to vector<1x2000x64xf32>
    tpu.vector_store %arg6[%swap3A_16, %swap3A_17, %swap3A_18], %swap3A_21 {strides = array<i32>} : memref<2x2000x64xf32, #tpu.memory_space<vmem>>, vector<1x2000x64xf32>,
    %get3A_22 = arith.constant 0 : index
    %get3A_23 = arith.constant 0 : index
    %get3A_24 = vector.load %arg4[%get3A_22, %get3A_23] : memref<128x128xf32, #tpu.memory_space<vmem>>, vector<128x128xf32>
    %dot_general3A_25 = arith.constant dense<0.000000e+00> : vector<2000x128xf32>
    %dot_general3A_26 = tpu.matmul %get3A_1, %get3A_24, %dot_general3A_25 {dimension_numbers = #tpu.dot_dimension_numbers<[1], [0], [0], [1], [0, 0, 1, 1], [], []>, transpose_lhs_hint = false} : vector<2000x128xf32>, vector<128x128xf32>, vector<2000x128xf32> -> vector<2000x128xf32>
    %get3A_27 = arith.constant 0 : index
    %get3A_28 = arith.constant 0 : index
    %get3A_29 = vector.load %arg5[%get3A_27, %get3A_28] : memref<1x128xf32, #tpu.memory_space<vmem>>, vector<1x128xf32>
    %add3A = vector.broadcast %get3A_29 : vector<1x128xf32> to vector<2000x128xf32>
    %add3A_30 = arith.addf %dot_general3A_26, %add3A : vector<2000x128xf32>
    %swap3A_31 = arith.constant 0 : index
    %swap3A_32 = arith.constant 0 : index
    %swap3A_33 = vector.load %arg7[%swap3A_31, %swap3A_32] : memref<2000x128xf32, #tpu.memory_space<vmem>>, vector<2000x128xf32>
    tpu.vector_store %arg7[%swap3A_31, %swap3A_32], %add3A_30 {strides = array<i32>} : memref<2000x128xf32, #tpu.memory_space<vmem>>, vector<2000x128xf32>,
    return
  }
  func.func @transform_0(%arg0: i32) -> (i32, i32) {
    %c0_i32 = arith.constant 0 : i32
    %c0_i32_0 = arith.constant 0 : i32
    return %arg0, %c0_i32 : i32, i32
  }
  func.func @transform_1(%arg0: i32) -> (i32, i32) {
    %c0_i32 = arith.constant 0 : i32
    %c0_i32_0 = arith.constant 0 : i32
    %c0_i32_1 = arith.constant 0 : i32
    return %c0_i32, %c0_i32_0 : i32, i32
  }
  func.func @transform_2(%arg0: i32) -> (i32, i32) {
    %c0_i32 = arith.constant 0 : i32
    %c0_i32_0 = arith.constant 0 : i32
    %c0_i32_1 = arith.constant 0 : i32
    return %c0_i32, %c0_i32_0 : i32, i32
  }
  func.func @transform_3(%arg0: i32) -> (i32, i32) {
    %c0_i32 = arith.constant 0 : i32
    %c0_i32_0 = arith.constant 0 : i32
    %c0_i32_1 = arith.constant 0 : i32
    return %c0_i32, %c0_i32_0 : i32, i32
  }
  func.func @transform_4(%arg0: i32) -> (i32, i32) {
    %c0_i32 = arith.constant 0 : i32
    %c0_i32_0 = arith.constant 0 : i32
    %c0_i32_1 = arith.constant 0 : i32
    return %c0_i32, %c0_i32_0 : i32, i32
  }
  func.func @transform_5(%arg0: i32) -> (i32, i32, i32) {
    %c0_i32 = arith.constant 0 : i32
    %c0_i32_0 = arith.constant 0 : i32
    %c0_i32_1 = arith.constant 0 : i32
    return %c0_i32, %arg0, %c0_i32_0 : i32, i32, i32
  }
  func.func @transform_6(%arg0: i32) -> (i32, i32) {
    %c0_i32 = arith.constant 0 : i32
    %c0_i32_0 = arith.constant 0 : i32
    return %arg0, %c0_i32 : i32, i32
  }
}

module attributes {stable_mosaic.version = 14 : i64} {
  func.func @_combine_body(%arg0: i32, %arg1: memref<2x2000x64xf32, #tpu.memory_space<vmem>>, %arg2: memref<2000x16xf32, #tpu.memory_space<vmem>>, %arg3: memref<2000x128xf32, #tpu.memory_space<vmem>>, %arg4: memref<128x64xf32, #tpu.memory_space<vmem>>, %arg5: memref<128x64xf32, #tpu.memory_space<vmem>>, %arg6: memref<128x128xf32, #tpu.memory_space<vmem>>, %arg7: memref<1x128xf32, #tpu.memory_space<vmem>>, %arg8: memref<2x2000x64xf32, #tpu.memory_space<vmem>>, %arg9: memref<2000x128xf32, #tpu.memory_space<vmem>>) attributes {dimension_semantics = [#tpu.dimension_semantics<arbitrary>], iteration_bounds = array<i64: 5>, scalar_prefetch = 0 : i64, scratch_operands = 0 : i64, tpu.core_type = #tpu.core_type<tc>, window_params = [{transform_indices = @transform_0, window_bounds = array<i64: 2, 2000, 64>}, {transform_indices = @transform_1, window_bounds = array<i64: 2000, 16>}, {transform_indices = @transform_2, window_bounds = array<i64: 2000, 128>}, {pipeline_mode = #tpu.pipeline_mode<synchronous>, transform_indices = @transform_3, window_bounds = array<i64: 128, 64>}, {pipeline_mode = #tpu.pipeline_mode<synchronous>, transform_indices = @transform_4, window_bounds = array<i64: 128, 64>}, {pipeline_mode = #tpu.pipeline_mode<synchronous>, transform_indices = @transform_5, window_bounds = array<i64: 128, 128>}, {pipeline_mode = #tpu.pipeline_mode<synchronous>, transform_indices = @transform_6, window_bounds = array<i64: 1, 128>}, {transform_indices = @transform_7, window_bounds = array<i64: 2, 2000, 64>}, {transform_indices = @transform_8, window_bounds = array<i64: 2000, 128>}]} {
    %get3A = arith.constant 0 : index
    %get3A_0 = arith.constant 0 : index
    %get3A_1 = vector.load %arg2[%get3A, %get3A_0] : memref<2000x16xf32, #tpu.memory_space<vmem>>, vector<2000x1xf32>
    %max3A = arith.constant 1.000000e+00 : f32
    %max3A_2 = vector.broadcast %max3A : f32 to vector<2000x1xf32>
    %max3A_3 = arith.maximumf %get3A_1, %max3A_2 : vector<2000x1xf32>
    %div3A = arith.constant 1.000000e+00 : f32
    %div3A_4 = vector.broadcast %div3A : f32 to vector<2000x1xf32>
    %div3A_5 = arith.divf %div3A_4, %max3A_3 : vector<2000x1xf32>
    %get3A_6 = arith.constant 0 : index
    %get3A_7 = arith.constant 0 : index
    %get3A_8 = arith.constant 0 : index
    %get3A_9 = vector.load %arg1[%get3A_6, %get3A_7, %get3A_8] : memref<2x2000x64xf32, #tpu.memory_space<vmem>>, vector<1x2000x64xf32>
    %get3A_10 = vector.shape_cast %get3A_9 : vector<1x2000x64xf32> to vector<2000x64xf32>
    %get3A_11 = arith.constant 1 : index
    %get3A_12 = arith.constant 0 : index
    %get3A_13 = arith.constant 0 : index
    %get3A_14 = vector.load %arg1[%get3A_11, %get3A_12, %get3A_13] : memref<2x2000x64xf32, #tpu.memory_space<vmem>>, vector<1x2000x64xf32>
    %get3A_15 = vector.shape_cast %get3A_14 : vector<1x2000x64xf32> to vector<2000x64xf32>
    %concatenate3A = tpu.concatenate %get3A_10, %get3A_15 in 1 : vector<2000x64xf32>, vector<2000x64xf32> -> vector<2000x128xf32>
    %mul3A = vector.broadcast %div3A_5 : vector<2000x1xf32> to vector<2000x128xf32>
    %mul3A_16 = arith.mulf %concatenate3A, %mul3A : vector<2000x128xf32>
    %get3A_17 = arith.constant 0 : index
    %get3A_18 = arith.constant 0 : index
    %get3A_19 = vector.load %arg3[%get3A_17, %get3A_18] : memref<2000x128xf32, #tpu.memory_space<vmem>>, vector<2000x128xf32>
    %add3A = arith.addf %mul3A_16, %get3A_19 : vector<2000x128xf32>
    %max3A_20 = arith.constant 0.000000e+00 : f32
    %max3A_21 = vector.broadcast %max3A_20 : f32 to vector<2000x128xf32>
    %max3A_22 = arith.maximumf %add3A, %max3A_21 : vector<2000x128xf32>
    %get3A_23 = arith.constant 0 : index
    %get3A_24 = arith.constant 0 : index
    %get3A_25 = vector.load %arg4[%get3A_23, %get3A_24] : memref<128x64xf32, #tpu.memory_space<vmem>>, vector<128x64xf32>
    %dot_general3A = arith.constant dense<0.000000e+00> : vector<2000x64xf32>
    %dot_general3A_26 = tpu.matmul %max3A_22, %get3A_25, %dot_general3A {dimension_numbers = #tpu.dot_dimension_numbers<[1], [0], [0], [1], [0, 0, 1, 1], [], []>, transpose_lhs_hint = false} : vector<2000x128xf32>, vector<128x64xf32>, vector<2000x64xf32> -> vector<2000x64xf32>
    %swap3A = arith.constant 0 : index
    %swap3A_27 = arith.constant 0 : index
    %swap3A_28 = arith.constant 0 : index
    %swap3A_29 = vector.load %arg8[%swap3A, %swap3A_27, %swap3A_28] : memref<2x2000x64xf32, #tpu.memory_space<vmem>>, vector<1x2000x64xf32>
    %swap3A_30 = vector.shape_cast %swap3A_29 : vector<1x2000x64xf32> to vector<2000x64xf32>
    %swap3A_31 = vector.shape_cast %dot_general3A_26 : vector<2000x64xf32> to vector<1x2000x64xf32>
    tpu.vector_store %arg8[%swap3A, %swap3A_27, %swap3A_28], %swap3A_31 {strides = array<i32>} : memref<2x2000x64xf32, #tpu.memory_space<vmem>>, vector<1x2000x64xf32>,
    %get3A_32 = arith.constant 0 : index
    %get3A_33 = arith.constant 0 : index
    %get3A_34 = vector.load %arg5[%get3A_32, %get3A_33] : memref<128x64xf32, #tpu.memory_space<vmem>>, vector<128x64xf32>
    %dot_general3A_35 = arith.constant dense<0.000000e+00> : vector<2000x64xf32>
    %dot_general3A_36 = tpu.matmul %max3A_22, %get3A_34, %dot_general3A_35 {dimension_numbers = #tpu.dot_dimension_numbers<[1], [0], [0], [1], [0, 0, 1, 1], [], []>, transpose_lhs_hint = false} : vector<2000x128xf32>, vector<128x64xf32>, vector<2000x64xf32> -> vector<2000x64xf32>
    %swap3A_37 = arith.constant 1 : index
    %swap3A_38 = arith.constant 0 : index
    %swap3A_39 = arith.constant 0 : index
    %swap3A_40 = vector.load %arg8[%swap3A_37, %swap3A_38, %swap3A_39] : memref<2x2000x64xf32, #tpu.memory_space<vmem>>, vector<1x2000x64xf32>
    %swap3A_41 = vector.shape_cast %swap3A_40 : vector<1x2000x64xf32> to vector<2000x64xf32>
    %swap3A_42 = vector.shape_cast %dot_general3A_36 : vector<2000x64xf32> to vector<1x2000x64xf32>
    tpu.vector_store %arg8[%swap3A_37, %swap3A_38, %swap3A_39], %swap3A_42 {strides = array<i32>} : memref<2x2000x64xf32, #tpu.memory_space<vmem>>, vector<1x2000x64xf32>,
    %get3A_43 = arith.constant 0 : index
    %get3A_44 = arith.constant 0 : index
    %get3A_45 = vector.load %arg6[%get3A_43, %get3A_44] : memref<128x128xf32, #tpu.memory_space<vmem>>, vector<128x128xf32>
    %dot_general3A_46 = arith.constant dense<0.000000e+00> : vector<2000x128xf32>
    %dot_general3A_47 = tpu.matmul %max3A_22, %get3A_45, %dot_general3A_46 {dimension_numbers = #tpu.dot_dimension_numbers<[1], [0], [0], [1], [0, 0, 1, 1], [], []>, transpose_lhs_hint = false} : vector<2000x128xf32>, vector<128x128xf32>, vector<2000x128xf32> -> vector<2000x128xf32>
    %get3A_48 = arith.constant 0 : index
    %get3A_49 = arith.constant 0 : index
    %get3A_50 = vector.load %arg7[%get3A_48, %get3A_49] : memref<1x128xf32, #tpu.memory_space<vmem>>, vector<1x128xf32>
    %add3A_51 = vector.broadcast %get3A_50 : vector<1x128xf32> to vector<2000x128xf32>
    %add3A_52 = arith.addf %dot_general3A_47, %add3A_51 : vector<2000x128xf32>
    %swap3A_53 = arith.constant 0 : index
    %swap3A_54 = arith.constant 0 : index
    %swap3A_55 = vector.load %arg9[%swap3A_53, %swap3A_54] : memref<2000x128xf32, #tpu.memory_space<vmem>>, vector<2000x128xf32>
    tpu.vector_store %arg9[%swap3A_53, %swap3A_54], %add3A_52 {strides = array<i32>} : memref<2000x128xf32, #tpu.memory_space<vmem>>, vector<2000x128xf32>,
    return
  }
  func.func @transform_0(%arg0: i32) -> (i32, i32, i32) {
    %c0_i32 = arith.constant 0 : i32
    %c0_i32_0 = arith.constant 0 : i32
    %c0_i32_1 = arith.constant 0 : i32
    return %c0_i32, %arg0, %c0_i32_0 : i32, i32, i32
  }
  func.func @transform_1(%arg0: i32) -> (i32, i32) {
    %c0_i32 = arith.constant 0 : i32
    %c0_i32_0 = arith.constant 0 : i32
    return %arg0, %c0_i32 : i32, i32
  }
  func.func @transform_2(%arg0: i32) -> (i32, i32) {
    %c0_i32 = arith.constant 0 : i32
    %c0_i32_0 = arith.constant 0 : i32
    return %arg0, %c0_i32 : i32, i32
  }
  func.func @transform_3(%arg0: i32) -> (i32, i32) {
    %c0_i32 = arith.constant 0 : i32
    %c0_i32_0 = arith.constant 0 : i32
    %c0_i32_1 = arith.constant 0 : i32
    return %c0_i32, %c0_i32_0 : i32, i32
  }
  func.func @transform_4(%arg0: i32) -> (i32, i32) {
    %c0_i32 = arith.constant 0 : i32
    %c0_i32_0 = arith.constant 0 : i32
    %c0_i32_1 = arith.constant 0 : i32
    return %c0_i32, %c0_i32_0 : i32, i32
  }
  func.func @transform_5(%arg0: i32) -> (i32, i32) {
    %c0_i32 = arith.constant 0 : i32
    %c0_i32_0 = arith.constant 0 : i32
    %c0_i32_1 = arith.constant 0 : i32
    return %c0_i32, %c0_i32_0 : i32, i32
  }
  func.func @transform_6(%arg0: i32) -> (i32, i32) {
    %c0_i32 = arith.constant 0 : i32
    %c0_i32_0 = arith.constant 0 : i32
    %c0_i32_1 = arith.constant 0 : i32
    return %c0_i32, %c0_i32_0 : i32, i32
  }
  func.func @transform_7(%arg0: i32) -> (i32, i32, i32) {
    %c0_i32 = arith.constant 0 : i32
    %c0_i32_0 = arith.constant 0 : i32
    %c0_i32_1 = arith.constant 0 : i32
    return %c0_i32, %arg0, %c0_i32_0 : i32, i32, i32
  }
  func.func @transform_8(%arg0: i32) -> (i32, i32) {
    %c0_i32 = arith.constant 0 : i32
    %c0_i32_0 = arith.constant 0 : i32
    return %arg0, %c0_i32 : i32, i32
  }
}

module attributes {stable_mosaic.version = 14 : i64} {
  func.func @_combine_body(%arg0: i32, %arg1: memref<2x2000x64xf32, #tpu.memory_space<vmem>>, %arg2: memref<2000x16xf32, #tpu.memory_space<vmem>>, %arg3: memref<2000x128xf32, #tpu.memory_space<vmem>>, %arg4: memref<128x32xf32, #tpu.memory_space<vmem>>, %arg5: memref<128x32xf32, #tpu.memory_space<vmem>>, %arg6: memref<128x64xf32, #tpu.memory_space<vmem>>, %arg7: memref<1x64xf32, #tpu.memory_space<vmem>>, %arg8: memref<2x2000x32xf32, #tpu.memory_space<vmem>>, %arg9: memref<2000x64xf32, #tpu.memory_space<vmem>>) attributes {dimension_semantics = [#tpu.dimension_semantics<arbitrary>], iteration_bounds = array<i64: 5>, scalar_prefetch = 0 : i64, scratch_operands = 0 : i64, tpu.core_type = #tpu.core_type<tc>, window_params = [{transform_indices = @transform_0, window_bounds = array<i64: 2, 2000, 64>}, {transform_indices = @transform_1, window_bounds = array<i64: 2000, 16>}, {transform_indices = @transform_2, window_bounds = array<i64: 2000, 128>}, {pipeline_mode = #tpu.pipeline_mode<synchronous>, transform_indices = @transform_3, window_bounds = array<i64: 128, 32>}, {pipeline_mode = #tpu.pipeline_mode<synchronous>, transform_indices = @transform_4, window_bounds = array<i64: 128, 32>}, {pipeline_mode = #tpu.pipeline_mode<synchronous>, transform_indices = @transform_5, window_bounds = array<i64: 128, 64>}, {pipeline_mode = #tpu.pipeline_mode<synchronous>, transform_indices = @transform_6, window_bounds = array<i64: 1, 64>}, {transform_indices = @transform_7, window_bounds = array<i64: 2, 2000, 32>}, {transform_indices = @transform_8, window_bounds = array<i64: 2000, 64>}]} {
    %get3A = arith.constant 0 : index
    %get3A_0 = arith.constant 0 : index
    %get3A_1 = vector.load %arg2[%get3A, %get3A_0] : memref<2000x16xf32, #tpu.memory_space<vmem>>, vector<2000x1xf32>
    %max3A = arith.constant 1.000000e+00 : f32
    %max3A_2 = vector.broadcast %max3A : f32 to vector<2000x1xf32>
    %max3A_3 = arith.maximumf %get3A_1, %max3A_2 : vector<2000x1xf32>
    %div3A = arith.constant 1.000000e+00 : f32
    %div3A_4 = vector.broadcast %div3A : f32 to vector<2000x1xf32>
    %div3A_5 = arith.divf %div3A_4, %max3A_3 : vector<2000x1xf32>
    %get3A_6 = arith.constant 0 : index
    %get3A_7 = arith.constant 0 : index
    %get3A_8 = arith.constant 0 : index
    %get3A_9 = vector.load %arg1[%get3A_6, %get3A_7, %get3A_8] : memref<2x2000x64xf32, #tpu.memory_space<vmem>>, vector<1x2000x64xf32>
    %get3A_10 = vector.shape_cast %get3A_9 : vector<1x2000x64xf32> to vector<2000x64xf32>
    %get3A_11 = arith.constant 1 : index
    %get3A_12 = arith.constant 0 : index
    %get3A_13 = arith.constant 0 : index
    %get3A_14 = vector.load %arg1[%get3A_11, %get3A_12, %get3A_13] : memref<2x2000x64xf32, #tpu.memory_space<vmem>>, vector<1x2000x64xf32>
    %get3A_15 = vector.shape_cast %get3A_14 : vector<1x2000x64xf32> to vector<2000x64xf32>
    %concatenate3A = tpu.concatenate %get3A_10, %get3A_15 in 1 : vector<2000x64xf32>, vector<2000x64xf32> -> vector<2000x128xf32>
    %mul3A = vector.broadcast %div3A_5 : vector<2000x1xf32> to vector<2000x128xf32>
    %mul3A_16 = arith.mulf %concatenate3A, %mul3A : vector<2000x128xf32>
    %get3A_17 = arith.constant 0 : index
    %get3A_18 = arith.constant 0 : index
    %get3A_19 = vector.load %arg3[%get3A_17, %get3A_18] : memref<2000x128xf32, #tpu.memory_space<vmem>>, vector<2000x128xf32>
    %add3A = arith.addf %mul3A_16, %get3A_19 : vector<2000x128xf32>
    %max3A_20 = arith.constant 0.000000e+00 : f32
    %max3A_21 = vector.broadcast %max3A_20 : f32 to vector<2000x128xf32>
    %max3A_22 = arith.maximumf %add3A, %max3A_21 : vector<2000x128xf32>
    %get3A_23 = arith.constant 0 : index
    %get3A_24 = arith.constant 0 : index
    %get3A_25 = vector.load %arg4[%get3A_23, %get3A_24] : memref<128x32xf32, #tpu.memory_space<vmem>>, vector<128x32xf32>
    %dot_general3A = arith.constant dense<0.000000e+00> : vector<2000x32xf32>
    %dot_general3A_26 = tpu.matmul %max3A_22, %get3A_25, %dot_general3A {dimension_numbers = #tpu.dot_dimension_numbers<[1], [0], [0], [1], [0, 0, 1, 1], [], []>, transpose_lhs_hint = false} : vector<2000x128xf32>, vector<128x32xf32>, vector<2000x32xf32> -> vector<2000x32xf32>
    %swap3A = arith.constant 0 : index
    %swap3A_27 = arith.constant 0 : index
    %swap3A_28 = arith.constant 0 : index
    %swap3A_29 = vector.load %arg8[%swap3A, %swap3A_27, %swap3A_28] : memref<2x2000x32xf32, #tpu.memory_space<vmem>>, vector<1x2000x32xf32>
    %swap3A_30 = vector.shape_cast %swap3A_29 : vector<1x2000x32xf32> to vector<2000x32xf32>
    %swap3A_31 = vector.shape_cast %dot_general3A_26 : vector<2000x32xf32> to vector<1x2000x32xf32>
    tpu.vector_store %arg8[%swap3A, %swap3A_27, %swap3A_28], %swap3A_31 {strides = array<i32>} : memref<2x2000x32xf32, #tpu.memory_space<vmem>>, vector<1x2000x32xf32>,
    %get3A_32 = arith.constant 0 : index
    %get3A_33 = arith.constant 0 : index
    %get3A_34 = vector.load %arg5[%get3A_32, %get3A_33] : memref<128x32xf32, #tpu.memory_space<vmem>>, vector<128x32xf32>
    %dot_general3A_35 = arith.constant dense<0.000000e+00> : vector<2000x32xf32>
    %dot_general3A_36 = tpu.matmul %max3A_22, %get3A_34, %dot_general3A_35 {dimension_numbers = #tpu.dot_dimension_numbers<[1], [0], [0], [1], [0, 0, 1, 1], [], []>, transpose_lhs_hint = false} : vector<2000x128xf32>, vector<128x32xf32>, vector<2000x32xf32> -> vector<2000x32xf32>
    %swap3A_37 = arith.constant 1 : index
    %swap3A_38 = arith.constant 0 : index
    %swap3A_39 = arith.constant 0 : index
    %swap3A_40 = vector.load %arg8[%swap3A_37, %swap3A_38, %swap3A_39] : memref<2x2000x32xf32, #tpu.memory_space<vmem>>, vector<1x2000x32xf32>
    %swap3A_41 = vector.shape_cast %swap3A_40 : vector<1x2000x32xf32> to vector<2000x32xf32>
    %swap3A_42 = vector.shape_cast %dot_general3A_36 : vector<2000x32xf32> to vector<1x2000x32xf32>
    tpu.vector_store %arg8[%swap3A_37, %swap3A_38, %swap3A_39], %swap3A_42 {strides = array<i32>} : memref<2x2000x32xf32, #tpu.memory_space<vmem>>, vector<1x2000x32xf32>,
    %get3A_43 = arith.constant 0 : index
    %get3A_44 = arith.constant 0 : index
    %get3A_45 = vector.load %arg6[%get3A_43, %get3A_44] : memref<128x64xf32, #tpu.memory_space<vmem>>, vector<128x64xf32>
    %dot_general3A_46 = arith.constant dense<0.000000e+00> : vector<2000x64xf32>
    %dot_general3A_47 = tpu.matmul %max3A_22, %get3A_45, %dot_general3A_46 {dimension_numbers = #tpu.dot_dimension_numbers<[1], [0], [0], [1], [0, 0, 1, 1], [], []>, transpose_lhs_hint = false} : vector<2000x128xf32>, vector<128x64xf32>, vector<2000x64xf32> -> vector<2000x64xf32>
    %get3A_48 = arith.constant 0 : index
    %get3A_49 = arith.constant 0 : index
    %get3A_50 = vector.load %arg7[%get3A_48, %get3A_49] : memref<1x64xf32, #tpu.memory_space<vmem>>, vector<1x64xf32>
    %add3A_51 = vector.broadcast %get3A_50 : vector<1x64xf32> to vector<2000x64xf32>
    %add3A_52 = arith.addf %dot_general3A_47, %add3A_51 : vector<2000x64xf32>
    %swap3A_53 = arith.constant 0 : index
    %swap3A_54 = arith.constant 0 : index
    %swap3A_55 = vector.load %arg9[%swap3A_53, %swap3A_54] : memref<2000x64xf32, #tpu.memory_space<vmem>>, vector<2000x64xf32>
    tpu.vector_store %arg9[%swap3A_53, %swap3A_54], %add3A_52 {strides = array<i32>} : memref<2000x64xf32, #tpu.memory_space<vmem>>, vector<2000x64xf32>,
    return
  }
  func.func @transform_0(%arg0: i32) -> (i32, i32, i32) {
    %c0_i32 = arith.constant 0 : i32
    %c0_i32_0 = arith.constant 0 : i32
    %c0_i32_1 = arith.constant 0 : i32
    return %c0_i32, %arg0, %c0_i32_0 : i32, i32, i32
  }
  func.func @transform_1(%arg0: i32) -> (i32, i32) {
    %c0_i32 = arith.constant 0 : i32
    %c0_i32_0 = arith.constant 0 : i32
    return %arg0, %c0_i32 : i32, i32
  }
  func.func @transform_2(%arg0: i32) -> (i32, i32) {
    %c0_i32 = arith.constant 0 : i32
    %c0_i32_0 = arith.constant 0 : i32
    return %arg0, %c0_i32 : i32, i32
  }
  func.func @transform_3(%arg0: i32) -> (i32, i32) {
    %c0_i32 = arith.constant 0 : i32
    %c0_i32_0 = arith.constant 0 : i32
    %c0_i32_1 = arith.constant 0 : i32
    return %c0_i32, %c0_i32_0 : i32, i32
  }
  func.func @transform_4(%arg0: i32) -> (i32, i32) {
    %c0_i32 = arith.constant 0 : i32
    %c0_i32_0 = arith.constant 0 : i32
    %c0_i32_1 = arith.constant 0 : i32
    return %c0_i32, %c0_i32_0 : i32, i32
  }
  func.func @transform_5(%arg0: i32) -> (i32, i32) {
    %c0_i32 = arith.constant 0 : i32
    %c0_i32_0 = arith.constant 0 : i32
    %c0_i32_1 = arith.constant 0 : i32
    return %c0_i32, %c0_i32_0 : i32, i32
  }
  func.func @transform_6(%arg0: i32) -> (i32, i32) {
    %c0_i32 = arith.constant 0 : i32
    %c0_i32_0 = arith.constant 0 : i32
    %c0_i32_1 = arith.constant 0 : i32
    return %c0_i32, %c0_i32_0 : i32, i32
  }
  func.func @transform_7(%arg0: i32) -> (i32, i32, i32) {
    %c0_i32 = arith.constant 0 : i32
    %c0_i32_0 = arith.constant 0 : i32
    %c0_i32_1 = arith.constant 0 : i32
    return %c0_i32, %arg0, %c0_i32_0 : i32, i32, i32
  }
  func.func @transform_8(%arg0: i32) -> (i32, i32) {
    %c0_i32 = arith.constant 0 : i32
    %c0_i32_0 = arith.constant 0 : i32
    return %arg0, %c0_i32 : i32, i32
  }
}

module attributes {stable_mosaic.version = 14 : i64} {
  func.func @_final_body(%arg0: i32, %arg1: memref<2x2000x32xf32, #tpu.memory_space<vmem>>, %arg2: memref<2000x16xf32, #tpu.memory_space<vmem>>, %arg3: memref<2000x64xf32, #tpu.memory_space<vmem>>, %arg4: memref<2000x64xf32, #tpu.memory_space<vmem>>) attributes {dimension_semantics = [#tpu.dimension_semantics<arbitrary>], iteration_bounds = array<i64: 5>, scalar_prefetch = 0 : i64, scratch_operands = 0 : i64, tpu.core_type = #tpu.core_type<tc>, window_params = [{transform_indices = @transform_0, window_bounds = array<i64: 2, 2000, 32>}, {transform_indices = @transform_1, window_bounds = array<i64: 2000, 16>}, {transform_indices = @transform_2, window_bounds = array<i64: 2000, 64>}, {transform_indices = @transform_3, window_bounds = array<i64: 2000, 64>}]} {
    %get3A = arith.constant 0 : index
    %get3A_0 = arith.constant 0 : index
    %get3A_1 = vector.load %arg2[%get3A, %get3A_0] : memref<2000x16xf32, #tpu.memory_space<vmem>>, vector<2000x1xf32>
    %max3A = arith.constant 1.000000e+00 : f32
    %max3A_2 = vector.broadcast %max3A : f32 to vector<2000x1xf32>
    %max3A_3 = arith.maximumf %get3A_1, %max3A_2 : vector<2000x1xf32>
    %div3A = arith.constant 1.000000e+00 : f32
    %div3A_4 = vector.broadcast %div3A : f32 to vector<2000x1xf32>
    %div3A_5 = arith.divf %div3A_4, %max3A_3 : vector<2000x1xf32>
    %get3A_6 = arith.constant 0 : index
    %get3A_7 = arith.constant 0 : index
    %get3A_8 = arith.constant 0 : index
    %get3A_9 = vector.load %arg1[%get3A_6, %get3A_7, %get3A_8] : memref<2x2000x32xf32, #tpu.memory_space<vmem>>, vector<1x2000x32xf32>
    %get3A_10 = vector.shape_cast %get3A_9 : vector<1x2000x32xf32> to vector<2000x32xf32>
    %get3A_11 = arith.constant 1 : index
    %get3A_12 = arith.constant 0 : index
    %get3A_13 = arith.constant 0 : index
    %get3A_14 = vector.load %arg1[%get3A_11, %get3A_12, %get3A_13] : memref<2x2000x32xf32, #tpu.memory_space<vmem>>, vector<1x2000x32xf32>
    %get3A_15 = vector.shape_cast %get3A_14 : vector<1x2000x32xf32> to vector<2000x32xf32>
    %concatenate3A = tpu.concatenate %get3A_10, %get3A_15 in 1 : vector<2000x32xf32>, vector<2000x32xf32> -> vector<2000x64xf32>
    %mul3A = vector.broadcast %div3A_5 : vector<2000x1xf32> to vector<2000x64xf32>
    %mul3A_16 = arith.mulf %concatenate3A, %mul3A : vector<2000x64xf32>
    %get3A_17 = arith.constant 0 : index
    %get3A_18 = arith.constant 0 : index
    %get3A_19 = vector.load %arg3[%get3A_17, %get3A_18] : memref<2000x64xf32, #tpu.memory_space<vmem>>, vector<2000x64xf32>
    %add3A = arith.addf %mul3A_16, %get3A_19 : vector<2000x64xf32>
    %max3A_20 = arith.constant 0.000000e+00 : f32
    %max3A_21 = vector.broadcast %max3A_20 : f32 to vector<2000x64xf32>
    %max3A_22 = arith.maximumf %add3A, %max3A_21 : vector<2000x64xf32>
    %reduce_max3A = arith.constant dense<0xFF800000> : vector<2000xf32>
    %reduce_max3A_23 = vector.multi_reduction <maximumf>, %max3A_22, %reduce_max3A [1] : vector<2000x64xf32> to vector<2000xf32>
    %broadcast_in_dim3A = vector.shape_cast %reduce_max3A_23 : vector<2000xf32> to vector<2000x1xf32>
    %sub3A = vector.broadcast %broadcast_in_dim3A : vector<2000x1xf32> to vector<2000x64xf32>
    %sub3A_24 = arith.subf %max3A_22, %sub3A : vector<2000x64xf32>
    %exp3A = math.exp %sub3A_24 : vector<2000x64xf32>
    %reduce_sum3A = arith.constant dense<0.000000e+00> : vector<2000xf32>
    %reduce_sum3A_25 = vector.multi_reduction <add>, %exp3A, %reduce_sum3A [1] : vector<2000x64xf32> to vector<2000xf32>
    %broadcast_in_dim3A_26 = vector.shape_cast %reduce_sum3A_25 : vector<2000xf32> to vector<2000x1xf32>
    %log3A = math.log %broadcast_in_dim3A_26 : vector<2000x1xf32>
    %add3A_27 = arith.addf %log3A, %broadcast_in_dim3A : vector<2000x1xf32>
    %sub3A_28 = vector.broadcast %add3A_27 : vector<2000x1xf32> to vector<2000x64xf32>
    %sub3A_29 = arith.subf %max3A_22, %sub3A_28 : vector<2000x64xf32>
    %swap3A = arith.constant 0 : index
    %swap3A_30 = arith.constant 0 : index
    %swap3A_31 = vector.load %arg4[%swap3A, %swap3A_30] : memref<2000x64xf32, #tpu.memory_space<vmem>>, vector<2000x64xf32>
    tpu.vector_store %arg4[%swap3A, %swap3A_30], %sub3A_29 {strides = array<i32>} : memref<2000x64xf32, #tpu.memory_space<vmem>>, vector<2000x64xf32>,
    return
  }
  func.func @transform_0(%arg0: i32) -> (i32, i32, i32) {
    %c0_i32 = arith.constant 0 : i32
    %c0_i32_0 = arith.constant 0 : i32
    %c0_i32_1 = arith.constant 0 : i32
    return %c0_i32, %arg0, %c0_i32_0 : i32, i32, i32
  }
  func.func @transform_1(%arg0: i32) -> (i32, i32) {
    %c0_i32 = arith.constant 0 : i32
    %c0_i32_0 = arith.constant 0 : i32
    return %arg0, %c0_i32 : i32, i32
  }
  func.func @transform_2(%arg0: i32) -> (i32, i32) {
    %c0_i32 = arith.constant 0 : i32
    %c0_i32_0 = arith.constant 0 : i32
    return %arg0, %c0_i32 : i32, i32
  }
  func.func @transform_3(%arg0: i32) -> (i32, i32) {
    %c0_i32 = arith.constant 0 : i32
    %c0_i32_0 = arith.constant 0 : i32
    return %arg0, %c0_i32 : i32, i32
  }
}

</mosaic_0001>

<sc_bundles>
// kernel: kernel.12.cloned.1.call-start
scs
__scs_entry_jumppad:
0x0: {  	(pc) =	sbr.rel $0x88, $3  }
0x1: {  	(tag) =	ssettag $0x0;
	lr =	simm.s32 $0x1  }
0x2: {  	[smem:$0x3F96] =	sst lr;
	_ =	strace $0xD0000000  }
0x3: {  	_ = 	snop  }
0x4: {  	_ = 	snop  }
0x5: {  	_ = 	snop  }
0x6: {  	_ = 	snop  }
0x7: {  	_ = 	snop  }
__scs_overlays_trampoline_lowered:
0x8: {  	[smem:$0x3FA5] =	sst s0  }
0x9: {  	[smem:$0x3FA6] =	sst s1  }
0xa: {  	[smem:$0x3FA7] =	sst s2  }
0xb: {  	[smem:$0x3FA8] =	sst s3  }
0xc: {  	[smem:$0x3FA9] =	sst s4  }
0xd: {  	[smem:$0x3FAA] =	sst s5  }
0xe: {  	[smem:$0x3FAB] =	sst s6  }
0xf: {  	[smem:$0x3FAC] =	sst s7  }
0x10: {  	[smem:$0x3FAD] =	sst s8  }
0x11: {  	[smem:$0x3FAE] =	sst s9;
	s0 =	simm.s32 @!p0 $0x0  }
0x12: {  	s1 =	sld [smem:$0x3F94];
	s0 =	simm.s32 @p0 $0x1  }
0x13: {  	[smem:$0x3FAF] =	sst s0;
	s0 =	simm.s32 @!p1 $0x0  }
0x14: {  	s2 =	sld [smem:$0x3F93];
	s0 =	simm.s32 @p1 $0x1  }
0x15: {  	[smem:$0x3FB0] =	sst s0;
	s0 =	simm.s32 @!p2 $0x0  }
0x16: {  	s3 =	sld [smem:$0x3FDB];
	s0 =	simm.s32 @p2 $0x1  }
0x17: {  	s4 =	simm.s32 $0x1BF5;
	[smem:$0x3FB2] =	sst s0  }
0x18: {  	s0 =	sld [smem:$0x3F95];
	_ =	swait.ge [sflag:s4], $0x0  }
0x19: {  	s7 =	sld [smem:$0x3F96]  }
0x1a: {  	s8 =	sadd.s32 $0xFFFFE003, lr  }
0x1b: {  	s9 =	sadd.s32 $0xFFFFFEF7, lr;
	s5 =	simm.s32 $0xFFFFFFFF;
	p2 =	slt.u32 s8, $0xFFFFF086  }
0x1c: {  	p1 =	slt.u32 s9, $0xF7A;
	s5 =	simm.s32 @!p2 $0x0  }
0x1d: {  	s5 =	simm.s32 @p1 $0x1;
	p0 =	seq.s32 s7, s2  }
0x1e: {  	s7 =	smul.u32 @!p0 $0xF7A, s2;
	p2 =	seq.s32 @!p0 s5, $0x0  }
0x1f: {  	s9 =	smul.u32 $0xF7A, s1;
	s8 =	simm.s32 @!p0 $0x1BF5;
	p2 =	por !p2, p0  }
0x20: {  	[sflag:s8] =	ssyncset.s32 @!p0 $0xFFFFF086;
	s6 =	sadd.s32 @!p0 s3, s7;
	s7 =	simm.s32 @!p0 $0x108  }
0x21: {  	s3 =	sadd.s32 s3, s9;
	s6 =	sadd.s32 @!p0 $0x88, s6;
	s7 =	simm.s32 @p2 $0x1082  }
0x22: {  	[simem:s7], [sflag:s8] =	dma.local @!p0 [hbm:s6], $0xF7A  }
0x23: {  	s9 =	sor.u32 $0xD0000000, s2;
	s6 =	simm.s32 $0x108;
	_ =	swait.ge @!p0 [sflag:s8], $0x0  }
0x24: {  	s3 =	sadd.s32 $0x88, s3;
	s6 =	simm.s32 @!p1 $0x1082;
	[sflag:s4] =	ssyncset.s32 $0xFFFFF086  }
0x25: {  	[simem:s6], [sflag:s4] =	dma.local [hbm:s3], $0xF7A  }
0x26: {  	[smem:$0x3F96] =	sst s1;
	(tag) =	ssettag s2;
	_ =	strace s9  }
0x27: {  	s1 =	sld [smem:$0x3FA6]  }
0x28: {  	s2 =	sld [smem:$0x3FA7]  }
0x29: {  	s4 =	sld [smem:$0x3FA9]  }
0x2a: {  	p0 =	seq.s32 s5, $0x0;
	s5 =	sld [smem:$0x3FAA]  }
0x2b: {  	s6 =	sld [smem:$0x3FAB]  }
0x2c: {  	s7 =	sld [smem:$0x3FAC]  }
0x2d: {  	s3 =	simm.s32 $0x108;
	s8 =	sld [smem:$0x3FAD]  }
0x2e: {  	s3 =	simm.s32 @!p0 $0x1082;
	s9 =	sld [smem:$0x3FAE]  }
0x2f: {  	lr =	sadd.s32 s0, s3;
	s0 =	sld [smem:$0x3FA5]  }
0x30: {  	s3 =	sld [smem:$0x3FA8]  }
0x31: {  	[smem:$0x3FB1] =	sst s10  }
0x32: {  	s10 =	sld [smem:$0x3FAF];
	_ =	sdelay $0x3  }
0x33: {  	p0 =	seq.s32 s10, $0x1;
	s10 =	sld [smem:$0x3FB1];
	_ =	sdelay $0x3  }
0x34: {  	[smem:$0x3FB1] =	sst s10  }
0x35: {  	s10 =	sld [smem:$0x3FB0];
	_ =	sdelay $0x3  }
0x36: {  	p1 =	seq.s32 s10, $0x1;
	s10 =	sld [smem:$0x3FB1];
	_ =	sdelay $0x3  }
0x37: {  	[smem:$0x3FB1] =	sst s10  }
0x38: {  	s10 =	sld [smem:$0x3FB2]  }
0x39: {  	_ = 	snop;
	(pc) =	sbr.ind lr, $3  }
0x3a: {  	_ = 	snop  }
0x3b: {  	_ = 	snop  }
0x3c: {  	p2 =	seq.s32 s10, $0x1;
	s10 =	sld [smem:$0x3FB1]  }
0x3d: {  	_ =	shalt  }
0x3e: {  	_ =	shalt  }
0x3f: {  	_ =	shalt  }
0x40: {  	_ =	shalt  }
0x41: {  	_ =	shalt  }
0x42: {  	_ =	shalt  }
0x43: {  	_ =	shalt  }
0x44: {  	_ =	shalt  }
0x45: {  	_ =	shalt  }
0x46: {  	_ =	shalt  }
0x47: {  	_ =	shalt  }
0x48: {  	_ =	shalt  }
0x49: {  	_ =	shalt  }
0x4a: {  	_ =	shalt  }
0x4b: {  	_ =	shalt  }
0x4c: {  	_ =	shalt  }
0x4d: {  	_ =	shalt  }
0x4e: {  	_ =	shalt  }
0x4f: {  	_ =	shalt  }
0x50: {  	_ =	shalt  }
0x51: {  	_ =	shalt  }
0x52: {  	_ =	shalt  }
0x53: {  	_ =	shalt  }
0x54: {  	_ =	shalt  }
0x55: {  	_ =	shalt  }
0x56: {  	_ =	shalt  }
0x57: {  	_ =	shalt  }
0x58: {  	_ =	shalt  }
0x59: {  	_ =	shalt  }
0x5a: {  	_ =	shalt  }
0x5b: {  	_ =	shalt  }
0x5c: {  	_ =	shalt  }
0x5d: {  	_ =	shalt  }
0x5e: {  	_ =	shalt  }
0x5f: {  	_ =	shalt  }
0x60: {  	_ =	shalt  }
0x61: {  	_ =	shalt  }
0x62: {  	_ =	shalt  }
0x63: {  	_ =	shalt  }
0x64: {  	_ =	shalt  }
0x65: {  	_ =	shalt  }
0x66: {  	_ =	shalt  }
0x67: {  	_ =	shalt  }
0x68: {  	_ =	shalt  }
0x69: {  	_ =	shalt  }
0x6a: {  	_ =	shalt  }
0x6b: {  	_ =	shalt  }
0x6c: {  	_ =	shalt  }
0x6d: {  	_ =	shalt  }
0x6e: {  	_ =	shalt  }
0x6f: {  	_ =	shalt  }
0x70: {  	_ =	shalt  }
0x71: {  	_ =	shalt  }
0x72: {  	_ =	shalt  }
0x73: {  	_ =	shalt  }
0x74: {  	_ =	shalt  }
0x75: {  	_ =	shalt  }
0x76: {  	_ =	shalt  }
0x77: {  	_ =	shalt  }
0x78: {  	_ =	shalt  }
0x79: {  	_ =	shalt  }
0x7a: {  	_ =	shalt  }
0x7b: {  	_ =	shalt  }
0x7c: {  	_ =	shalt  }
0x7d: {  	_ =	shalt  }
0x7e: {  	_ =	shalt  }
0x7f: {  	_ =	shalt  }
0x80: {  	_ =	shalt  }
0x81: {  	_ =	shalt  }
0x82: {  	_ =	shalt  }
0x83: {  	_ =	shalt  }
0x84: {  	_ =	shalt  }
0x85: {  	_ =	shalt  }
0x86: {  	_ =	shalt  }
0x87: {  	_ =	shalt  }
.Lfunc_end0:
.L_simem_size_0:
called_computation.1_lowered:
.L_overlay_start_0:
0x88: {  	s2 =	sld [smem:$0x3FD9]  }
0x89: {  	s3 =	sld [smem:$0x3FFE];
	_ =	sdelay $0x1  }
0x8a: {  	s1 =	srdreg.scid  }
0x8b: {  	s0 =	sand.u32 $0x1, s1  }
0x8c: {  	s16 =	sshll.u32 s0, $0xA;
	s2 =	sadd.s32 s3, s2  }
0x8d: {  	s2 =	sadd.s32 s2, s16  }
0x8e: {  	[smem:$0x3FBD] =	sst s2  }
0x8f: {  	_ = 	snop  }
0x90: {  	(tm) =	ssettm $0x1  }
0x91: {  	s17 =	sld [smem:$0x3FFB];
	_ =	sdelay $0x3  }
0x92: {  	_ =	strace s17  }
0x93: {  	s2 =	sld [smem:$0x3FFC];
	_ =	sdelay $0x3  }
0x94: {  	_ =	strace s2  }
0x95: {  	s2 =	sld [smem:$0x3FFD];
	_ =	sdelay $0x3  }
0x96: {  	_ =	strace s2  }
0x97: {  	_ =	strace $0x8FFFFFFF  }
0x98: {  	s18 =	sld [smem:$0x3FDB];
	_ =	sdelay $0x1  }
0x99: {  	s19 =	simm.s32 $_scs_section_size  }
0x9a: {  	s4 =	simm.s32 $_size__tile_overlayer_lowered;
	s5 =	simm.s32 $_tile_overlayer_lowered  }
0x9b: {  	s22 =	simm.s32 $0x1BFF;
	s21 =	sshll.u32 s5, $0x1;
	s2 =	sadd.s32 s19, s18  }
0x9c: {  	s6 =	simm.s32 $0x0;
	s20 =	sshll.u32 s4, $0x1;
	s4 =	sadd.s32 s21, s2  }
0x9d: {  	[timem:s6], [sflag:s22] =	dma.local [hbm:s4], s20  }
0x9e: {  	_ =	swait.ge [sflag:s22], s20  }
0x9f: {  	s3 =	ssub.s32 $0x0, s20;
	[sflag:s22] =	ssyncset.done $0x0  }
0xa0: {  	[sflag:s22] =	ssyncadd.s32 s3;
	_ =	sdelay $0x1  }
0xa1: {  	s23 =	simm.s32 $0x1B8B  }
0xa2: {  	_ =	swait.ge [sflag:s23], $0x1  }
0xa3: {  	[sflag:s23] =	ssyncset.done $0x0  }
0xa4: {  	s25 =	simm.s32 $0x1B8E;
	s24 =	sld [smem:$0x3FFE];
	[sflag:s23] =	ssyncadd.s32 $0xFFFFFFFF  }
0xa5: {  	s26 =	simm.s32 $execute0_lowered;
	[smem:$0x3FD2] =	sst s25  }
0xa6: {  	s4 =	sshll.u32 s26, $0x1;
	_ =	strace $0x80000049;
	[dreg:$0x1] =	wrdreg $0xFFFFFFFF  }
0xa7: {  	s28 =	simm.s32 $_size_execute0_lowered;
	s2 =	sadd.s32 s2, s4;
	[dreg:$0x0] =	wrdreg $0x0  }
0xa8: {  	s4 =	sshll.u32 s28, $0x1;
	[dreg:$0x2] =	wrdreg s2  }
0xa9: {  	[dreg:$0x3] =	wrdreg s4  }
0xaa: {  	[dreg:$0x4] =	wrdreg $0xC0  }
0xab: {  	_ =	task [dreg:s6], $0x5FFFF  }
0xac: {  	[dreg:$0x1] =	wrdreg $0xFFFFFFFF  }
0xad: {  	[dreg:$0x0] =	wrdreg $0x60  }
0xae: {  	[dreg:$0x2] =	wrdreg s24  }
0xaf: {  	[dreg:$0x3] =	wrdreg $0x120000  }
0xb0: {  	[dreg:$0x4] =	wrdreg $0x9  }
0xb1: {  	_ =	task.clear_ibuf [dreg:s6], $0x5FFFF;
	_ =	strace $0x90000049  }
0xb2: {  	s29 =	simm.s32 $0x9;
	_ =	strace $0x8000004B  }
0xb3: {  	_ =	swait.ge [sflag:s29], $0x1  }
0xb4: {  	[sflag:s29] =	ssyncadd.s32 $0xFFFFFFFF  }
0xb5: {  	_ =	strace $0x9000004B  }
0xb6: {  	_ =	sfence  }
0xb7: {  	s30 =	sld [smem:$0x0];
	_ =	sdelay $0x2  }
0xb8: {  	s31 =	sshll.u32 s1, $0xD;
	s1 =	sshrl.u32 s1, $0x2  }
0xb9: {  	s3 =	sand.u32 $0x4000, s31;
	s1 =	sadd.s32 s1, s30  }
0xba: {  	s0 =	sor.u32 s3, s0;
	s1 =	sshll.u32 s1, $0x11  }
0xbb: {  	s0 =	sor.u32 s1, s0  }
0xbc: {  	s0 =	sadd.s32 $0x8F2B, s0  }
0xbd: {  	[sflag:s0] =	ssyncadd.remote.s32 $0x1  }
0xbe: {  	_ =	sfence.sel $0xFFFF  }
0xbf: {  	[dreg:$0x0] =	wrdreg $0xFFFFFFFF;
	(pc) =	sbr.abs _section_cstart, $3  }
0xc0: {  	[dreg:$0x1] =	wrdreg $0xFFFFFFFF  }
0xc1: {  	_ =	task.clear_ibuf [dreg:s6], $0x2FFFF;
	_ =	strace $0x9FFFFFFF  }
0xc2: {  	(tm) =	ssettm $0x7FFFFFFF  }
0xc3: {  	_ =	shalt  }
tec
execute0_lowered:
.L_overlay_start_1:
0x0: {  	(tag) =	ssettag $0x1  }
0x1: {  	s0 =	rddreg [dreg:$0x0]  }
0x2: {  	s1 =	rddreg [dreg:$0x1];
	s2 =	srdreg.scid  }
0x3: {  	s3 =	simm.s32 $0x0;
	s11 =	stileid.u32;
	s10 =	simm.s32 $0x5000  }
0x4: {  	s13 =	simm.s32 $0x80;
	s14 =	simm.s32 $0xA000;
	s15 =	simm.s32 $0xC000  }
0x5: {  	s16 =	simm.s32 $0x1;
	s18 =	simm.s32 $0xE000;
	s19 =	simm.s32 $0x2  }
0x6: {  	s22 =	simm.s32 $0x10000;
	s23 =	simm.s32 $0x3;
	s26 =	simm.s32 $0x5  }
0x7: {  	s29 =	simm.s32 $0x4;
	s31 =	simm.s32 $0x6;
	s5 =	smul.u32 $0xA00, s11  }
0x8: {  	s20 =	simm.s32 $0x0;
	s2 =	sand.u32 $0x1, s2;
	s9 =	smul.u32 $0x9E00, s11  }
0x9: {  	[smem:$0x7FF] =	sst s3;
	s30 =	sshll.u32 s11, $0x6;
	s4 =	smul.u32 $0x13880, s2  }
0xa: {  	_ =	strace $0x8000004A;
	s28 =	smul.u32 $0x13C00, s2;
	s2 =	ssub.s32 $0x2, s2  }
0xb: {  	s11 =	sor.u32 $0x1C09, s30;
	s6 =	sadd.s32 s5, s0;
	s8 =	sshrl.u32 s2, $0x1  }
0xc: {  	s12 =	sadd.s32 s9, s1;
	s17 =	sshrl.u32 s9, $0x3;
	s9 =	simm.s32 $0x9  }
.Ltmp0:
0xd: {  	s7 =	sadd.s32 s4, s0;
	s4 =	sadd.s32 $0x3DC00, s0;
	(pc) =	sbr.rel .LBB2_1-.Ltmp0, $4  }
0xe: {  	s0 =	sadd.s32 s28, s0;
	s2 =	ssub.s32 s2, s8;
	s5 =	sadd.s32 $0x33C00, s6  }
0xf: {  	s6 =	sadd.s32 $0x29C00, s6;
	s12 =	sshrl.u32 s12, $0x3;
	s7 =	sadd.s32 $0x2A00, s7  }
0x10: {  	s0 =	sadd.s32 $0x3F000, s0;
	s8 =	smax.u32 s2, $0x1;
	s2 =	simm.s32 $0x7  }
0x11: {  	s24 =	sadd.s32 s17, s0;
	s0 =	simm.s32 $0x280;
	s17 =	simm.s32 $0x8  }
.LBB2_4:
0x12: {  	_ =	swait.ge [sflag:s29], $0x2000  }
0x13: {  	[sflag:s29] =	ssyncset.done $0x0  }
0x14: {  	[sflag:s29] =	ssyncadd.s32 $0xFFFFE000  }
0x15: {  	[spmem:s1] =	stream.indirect.scatter.add.f32 [tilespmem:s22], [sflag:$0x8], $0x40, s28, s13, $0xb8;
	[tilespmem:$0x1BE00] =	vst v63  }
0x16: {  	_ =	swait.ge [sflag:s31], $0x2000  }
0x17: {  	[sflag:s31] =	ssyncset.done $0x0  }
0x18: {  	[sflag:s31] =	ssyncadd.s32 $0xFFFFE000  }
0x19: {  	_ =	swait.ge [sflag:s2], $0x2000  }
0x1a: {  	[sflag:s2] =	ssyncset.done $0x0  }
0x1b: {  	[sflag:s2] =	ssyncadd.s32 $0xFFFFE000  }
0x1c: {  	_ =	swait.ge [sflag:s17], $0x2000  }
0x1d: {  	s20 =	sadd.s32 $0x1, s20;
	[sflag:s17] =	ssyncset.done $0x0  }
0x1e: {  	p0 =	sne.s32 s20, s8;
	[sflag:s17] =	ssyncadd.s32 $0xFFFFE000  }
.Ltmp1:
0x1f: {  	[bflag:$0x0] =	sbarrier.arrive $0xFFFF;
	(pc) =	sbr.rel @!p0 .LBB2_5-.Ltmp1, $4  }
0x20: {  	[hbm:s24], [sflag:s11] =	dma.local [spmem:s12], $0x13C0  }
0x21: {  	_ =	swait.ge [sflag:s9], $0x13C0  }
0x22: {  	[sflag:s9] =	ssyncset.done $0x0  }
0x23: {  	[sflag:s9] =	ssyncadd.s32 $0xFFFFEC40  }
.LBB2_1:
0x24: {  	[tilespmem:s3], [sflag:$0x9] =	stream.linear.gather [hbm4b:s5+s3], $0x5000, $0x38;
	[tilespmem:$0x1BE00] =	vst v63  }
0x25: {  	_ =	swait.ge [sflag:s9], $0x5000  }
0x26: {  	[sflag:s9] =	ssyncset.done $0x0  }
0x27: {  	[sflag:s9] =	ssyncadd.s32 $0xFFFFB000  }
0x28: {  	[tilespmem:s10], [sflag:$0x9] =	stream.linear.gather [hbm4b:s6+s3], $0x5000, $0x38;
	[tilespmem:$0x1BE00] =	vst v63  }
0x29: {  	_ =	swait.ge [sflag:s9], $0x5000  }
0x2a: {  	[sflag:s9] =	ssyncset.done $0x0  }
0x2b: {  	[sflag:s9] =	ssyncadd.s32 $0xFFFFB000  }
0x2c: {  	[spmem:s12], [sflag:s11] =	dma.local [hbm:s4], $0x13C0  }
0x2d: {  	_ =	swait.ge [sflag:s9], $0x13C0  }
0x2e: {  	[sflag:s9] =	ssyncset.done $0x0  }
0x2f: {  	[sflag:s9] =	ssyncadd.s32 $0xFFFFEC40  }
0x30: {  	[bflag:$0x0] =	sbarrier.arrive $0xFFFF  }
0x31: {  	[tilespmem:s14], [sflag:$0x1] =	stream.indirect.gather [hbm4b:s7+s13], $0x40, s3, s13, $0xb8;
	[tilespmem:$0x1BE00] =	vst v63  }
0x32: {  	_ = 	snop  }
0x33: {  	[tilespmem:s15], [sflag:$0x2] =	stream.indirect.gather [hbm4b:s7+s13], $0x40, s13, s13, $0xb8;
	[tilespmem:$0x1BE00] =	vst v63  }
0x34: {  	_ =	swait.ge [sflag:s16], $0x2000  }
0x35: {  	[sflag:s16] =	ssyncset.done $0x0  }
0x36: {  	[sflag:s16] =	ssyncadd.s32 $0xFFFFE000  }
0x37: {  	[spmem:s1] =	stream.indirect.scatter.add.f32 [tilespmem:s14], [sflag:$0x5], $0x40, s10, s13, $0xb8;
	[tilespmem:$0x1BE00] =	vst v63  }
0x38: {  	s21 =	simm.s32 $0x100  }
0x39: {  	[tilespmem:s18], [sflag:$0x3] =	stream.indirect.gather [hbm4b:s7+s13], $0x40, s21, s13, $0xb8;
	[tilespmem:$0x1BE00] =	vst v63  }
0x3a: {  	_ =	swait.ge [sflag:s19], $0x2000  }
0x3b: {  	[sflag:s19] =	ssyncset.done $0x0  }
0x3c: {  	s28 =	simm.s32 $0x5080;
	[sflag:s19] =	ssyncadd.s32 $0xFFFFE000  }
0x3d: {  	[spmem:s1] =	stream.indirect.scatter.add.f32 [tilespmem:s15], [sflag:$0x6], $0x40, s28, s13, $0xb8;
	[tilespmem:$0x1BE00] =	vst v63  }
0x3e: {  	s30 =	simm.s32 $0x180  }
0x3f: {  	[tilespmem:s22], [sflag:$0x4] =	stream.indirect.gather [hbm4b:s7+s13], $0x40, s30, s13, $0xb8;
	[tilespmem:$0x1BE00] =	vst v63  }
0x40: {  	_ =	swait.ge [sflag:s23], $0x2000  }
0x41: {  	[sflag:s23] =	ssyncset.done $0x0  }
0x42: {  	s25 =	simm.s32 $0x5100;
	[sflag:s23] =	ssyncadd.s32 $0xFFFFE000  }
0x43: {  	[spmem:s1] =	stream.indirect.scatter.add.f32 [tilespmem:s18], [sflag:$0x7], $0x40, s25, s13, $0xb8;
	[tilespmem:$0x1BE00] =	vst v63  }
0x44: {  	_ =	swait.ge [sflag:s26], $0x2000  }
0x45: {  	[sflag:s26] =	ssyncset.done $0x0  }
0x46: {  	s28 =	simm.s32 $0x200;
	[sflag:s26] =	ssyncadd.s32 $0xFFFFE000  }
0x47: {  	[tilespmem:s14], [sflag:$0x1] =	stream.indirect.gather [hbm4b:s7+s13], $0x40, s28, s13, $0xb8;
	[tilespmem:$0x1BE00] =	vst v63  }
0x48: {  	_ =	swait.ge [sflag:s29], $0x2000  }
0x49: {  	[sflag:s29] =	ssyncset.done $0x0  }
0x4a: {  	s30 =	simm.s32 $0x5180;
	[sflag:s29] =	ssyncadd.s32 $0xFFFFE000  }
0x4b: {  	[spmem:s1] =	stream.indirect.scatter.add.f32 [tilespmem:s22], [sflag:$0x8], $0x40, s30, s13, $0xb8;
	[tilespmem:$0x1BE00] =	vst v63  }
0x4c: {  	_ =	swait.ge [sflag:s31], $0x2000  }
0x4d: {  	[sflag:s31] =	ssyncset.done $0x0  }
0x4e: {  	s21 =	simm.s32 $0x0;
	[sflag:s31] =	ssyncadd.s32 $0xFFFFE000  }
0x4f: {  	[tilespmem:s15], [sflag:$0x2] =	stream.indirect.gather [hbm4b:s7+s13], $0x40, s0, s13, $0xb8;
	[tilespmem:$0x1BE00] =	vst v63  }
.LBB2_2:
0x50: {  	_ =	swait.ge [sflag:s16], $0x2000  }
0x51: {  	s25 =	sshra.s32 s21, $0x2;
	[sflag:s16] =	ssyncset.done $0x0  }
0x52: {  	s28 =	sadd.s32 $0x5200, s25;
	[sflag:s16] =	ssyncadd.s32 $0xFFFFE000  }
0x53: {  	[spmem:s1] =	stream.indirect.scatter.add.f32 [tilespmem:s14], [sflag:$0x5], $0x40, s28, s13, $0xb8;
	[tilespmem:$0x1BE00] =	vst v63  }
0x54: {  	_ =	swait.ge [sflag:s2], $0x2000  }
0x55: {  	[sflag:s2] =	ssyncset.done $0x0  }
0x56: {  	s28 =	sadd.s32 $0x300, s25;
	[sflag:s2] =	ssyncadd.s32 $0xFFFFE000  }
0x57: {  	[tilespmem:s18], [sflag:$0x3] =	stream.indirect.gather [hbm4b:s7+s13], $0x40, s28, s13, $0xb8;
	[tilespmem:$0x1BE00] =	vst v63  }
0x58: {  	_ =	swait.ge [sflag:s19], $0x2000  }
0x59: {  	[sflag:s19] =	ssyncset.done $0x0  }
0x5a: {  	s28 =	sadd.s32 $0x5280, s25;
	[sflag:s19] =	ssyncadd.s32 $0xFFFFE000  }
0x5b: {  	[spmem:s1] =	stream.indirect.scatter.add.f32 [tilespmem:s15], [sflag:$0x6], $0x40, s28, s13, $0xb8;
	[tilespmem:$0x1BE00] =	vst v63  }
0x5c: {  	_ =	swait.ge [sflag:s17], $0x2000  }
0x5d: {  	[sflag:s17] =	ssyncset.done $0x0  }
0x5e: {  	s28 =	sadd.s32 $0x380, s25;
	[sflag:s17] =	ssyncadd.s32 $0xFFFFE000  }
0x5f: {  	[tilespmem:s22], [sflag:$0x4] =	stream.indirect.gather [hbm4b:s7+s13], $0x40, s28, s13, $0xb8;
	[tilespmem:$0x1BE00] =	vst v63  }
0x60: {  	_ =	swait.ge [sflag:s23], $0x2000  }
0x61: {  	p0 =	seq.s32 s21, $0x13000;
	[sflag:s23] =	ssyncset.done $0x0  }
.Ltmp2:
0x62: {  	s28 =	sadd.s32 $0x5300, s25;
	[sflag:s23] =	ssyncadd.s32 $0xFFFFE000;
	(pc) =	sbr.rel @p0 .LBB2_4-.Ltmp2, $4  }
0x63: {  	[spmem:s1] =	stream.indirect.scatter.add.f32 [tilespmem:s18], [sflag:$0x7], $0x40, s28, s13, $0xb8;
	[tilespmem:$0x1BE00] =	vst v63  }
0x64: {  	_ =	swait.ge [sflag:s26], $0x2000  }
0x65: {  	[sflag:s26] =	ssyncset.done $0x0  }
0x66: {  	s28 =	sadd.s32 $0x5380, s25;
	[sflag:s26] =	ssyncadd.s32 $0xFFFFE000  }
0x67: {  	s30 =	sadd.s32 $0x400, s25  }
0x68: {  	[tilespmem:s14], [sflag:$0x1] =	stream.indirect.gather [hbm4b:s7+s13], $0x40, s30, s13, $0xb8;
	[tilespmem:$0x1BE00] =	vst v63  }
0x69: {  	_ =	swait.ge [sflag:s29], $0x2000  }
0x6a: {  	[sflag:s29] =	ssyncset.done $0x0  }
0x6b: {  	[sflag:s29] =	ssyncadd.s32 $0xFFFFE000  }
0x6c: {  	[spmem:s1] =	stream.indirect.scatter.add.f32 [tilespmem:s22], [sflag:$0x8], $0x40, s28, s13, $0xb8;
	[tilespmem:$0x1BE00] =	vst v63  }
.Ltmp3:
0x6d: {  	_ = 	snop;
	(pc) =	sbr.rel .LBB2_2-.Ltmp3, $4  }
0x6e: {  	_ =	swait.ge [sflag:s31], $0x2000  }
0x6f: {  	[sflag:s31] =	ssyncset.done $0x0  }
0x70: {  	s21 =	sadd.s32 $0x800, s21;
	s30 =	sadd.s32 $0x480, s25;
	[sflag:s31] =	ssyncadd.s32 $0xFFFFE000  }
0x71: {  	[tilespmem:s15], [sflag:$0x2] =	stream.indirect.gather [hbm4b:s7+s13], $0x40, s30, s13, $0xb8;
	[tilespmem:$0x1BE00] =	vst v63  }
.LBB2_5:
0x72: {  	_ =	sfence.sel $0x180000  }
0x73: {  	[bflag:$0x0] =	sbarrier.arrive $0xFFFF  }
0x74: {  	_ =	strace $0x9000004A  }
0x75: {  	s0 =	stileid.u32;
	[bflag:$0x2] =	sbarrier.arrive $0xFFFF  }
0x76: {  	p0 =	sne.s32 s0, $0x0;
	s0 =	rddreg [dreg:$0x2]  }
0x77: {  	s0 =	sadd.s32 @!p0 $0x100000, s0  }
0x78: {  	[sflag:s0] =	ssyncadd.tile.s32 @!p0 $0x1;
	_ =	shalt  }
.Lfunc_end2:
_tile_overlayer_lowered:
.L_overlay_start_2:
0x79: {  	(tag) =	ssettag $0x2  }
0x7a: {  	s0 =	rddreg [dreg:$0x0];
	s2 =	stileid.u32  }
0x7b: {  	s1 =	rddreg [dreg:$0x1];
	p0 =	sne.s32 s2, $0x0  }
0x7c: {  	s3 =	rddreg [dreg:$0x2];
	[bflag:$0x3] =	sbarrier.arrive $0xFFFF;
	s2 =	simm.s32 @!p0 $0x1C09  }
0x7d: {  	[timem:s3], [sflag:s2] =	dma.local @!p0 [hbm:s0], s1  }
0x7e: {  	s0 =	simm.s32 @!p0 $0x9  }
0x7f: {  	_ =	swait.ge @!p0 [sflag:s0], s1  }
0x80: {  	s1 =	ssub.s32 @!p0 $0x0, s1;
	[sflag:s0] =	ssyncset.done @!p0 $0x0  }
0x81: {  	[sflag:s0] =	ssyncadd.s32 @!p0 s1  }
0x82: {  	[bflag:$0x3] =	sbarrier.arrive $0xFFFF  }
0x83: {  	_ =	shalt  }

// kernel: kernel.15.cloned.1.call-start
scs
__scs_entry_jumppad:
0x0: {  	(pc) =	sbr.rel $0x88, $3  }
0x1: {  	(tag) =	ssettag $0x0;
	lr =	simm.s32 $0x1  }
0x2: {  	[smem:$0x3F96] =	sst lr;
	_ =	strace $0xD0000000  }
0x3: {  	_ = 	snop  }
0x4: {  	_ = 	snop  }
0x5: {  	_ = 	snop  }
0x6: {  	_ = 	snop  }
0x7: {  	_ = 	snop  }
__scs_overlays_trampoline_lowered:
0x8: {  	[smem:$0x3FA5] =	sst s0  }
0x9: {  	[smem:$0x3FA6] =	sst s1  }
0xa: {  	[smem:$0x3FA7] =	sst s2  }
0xb: {  	[smem:$0x3FA8] =	sst s3  }
0xc: {  	[smem:$0x3FA9] =	sst s4  }
0xd: {  	[smem:$0x3FAA] =	sst s5  }
0xe: {  	[smem:$0x3FAB] =	sst s6  }
0xf: {  	[smem:$0x3FAC] =	sst s7  }
0x10: {  	[smem:$0x3FAD] =	sst s8  }
0x11: {  	[smem:$0x3FAE] =	sst s9;
	s0 =	simm.s32 @!p0 $0x0  }
0x12: {  	s1 =	sld [smem:$0x3F94];
	s0 =	simm.s32 @p0 $0x1  }
0x13: {  	[smem:$0x3FAF] =	sst s0;
	s0 =	simm.s32 @!p1 $0x0  }
0x14: {  	s2 =	sld [smem:$0x3F93];
	s0 =	simm.s32 @p1 $0x1  }
0x15: {  	[smem:$0x3FB0] =	sst s0;
	s0 =	simm.s32 @!p2 $0x0  }
0x16: {  	s3 =	sld [smem:$0x3FDB];
	s0 =	simm.s32 @p2 $0x1  }
0x17: {  	s4 =	simm.s32 $0x1BF5;
	[smem:$0x3FB2] =	sst s0  }
0x18: {  	s0 =	sld [smem:$0x3F95];
	_ =	swait.ge [sflag:s4], $0x0  }
0x19: {  	s7 =	sld [smem:$0x3F96]  }
0x1a: {  	s8 =	sadd.s32 $0xFFFFE003, lr  }
0x1b: {  	s9 =	sadd.s32 $0xFFFFFEF7, lr;
	s5 =	simm.s32 $0xFFFFFFFF;
	p2 =	slt.u32 s8, $0xFFFFF086  }
0x1c: {  	p1 =	slt.u32 s9, $0xF7A;
	s5 =	simm.s32 @!p2 $0x0  }
0x1d: {  	s5 =	simm.s32 @p1 $0x1;
	p0 =	seq.s32 s7, s2  }
0x1e: {  	s7 =	smul.u32 @!p0 $0xF7A, s2;
	p2 =	seq.s32 @!p0 s5, $0x0  }
0x1f: {  	s9 =	smul.u32 $0xF7A, s1;
	s8 =	simm.s32 @!p0 $0x1BF5;
	p2 =	por !p2, p0  }
0x20: {  	[sflag:s8] =	ssyncset.s32 @!p0 $0xFFFFF086;
	s6 =	sadd.s32 @!p0 s3, s7;
	s7 =	simm.s32 @!p0 $0x108  }
0x21: {  	s3 =	sadd.s32 s3, s9;
	s6 =	sadd.s32 @!p0 $0x88, s6;
	s7 =	simm.s32 @p2 $0x1082  }
0x22: {  	[simem:s7], [sflag:s8] =	dma.local @!p0 [hbm:s6], $0xF7A  }
0x23: {  	s9 =	sor.u32 $0xD0000000, s2;
	s6 =	simm.s32 $0x108;
	_ =	swait.ge @!p0 [sflag:s8], $0x0  }
0x24: {  	s3 =	sadd.s32 $0x88, s3;
	s6 =	simm.s32 @!p1 $0x1082;
	[sflag:s4] =	ssyncset.s32 $0xFFFFF086  }
0x25: {  	[simem:s6], [sflag:s4] =	dma.local [hbm:s3], $0xF7A  }
0x26: {  	[smem:$0x3F96] =	sst s1;
	(tag) =	ssettag s2;
	_ =	strace s9  }
0x27: {  	s1 =	sld [smem:$0x3FA6]  }
0x28: {  	s2 =	sld [smem:$0x3FA7]  }
0x29: {  	s4 =	sld [smem:$0x3FA9]  }
0x2a: {  	p0 =	seq.s32 s5, $0x0;
	s5 =	sld [smem:$0x3FAA]  }
0x2b: {  	s6 =	sld [smem:$0x3FAB]  }
0x2c: {  	s7 =	sld [smem:$0x3FAC]  }
0x2d: {  	s3 =	simm.s32 $0x108;
	s8 =	sld [smem:$0x3FAD]  }
0x2e: {  	s3 =	simm.s32 @!p0 $0x1082;
	s9 =	sld [smem:$0x3FAE]  }
0x2f: {  	lr =	sadd.s32 s0, s3;
	s0 =	sld [smem:$0x3FA5]  }
0x30: {  	s3 =	sld [smem:$0x3FA8]  }
0x31: {  	[smem:$0x3FB1] =	sst s10  }
0x32: {  	s10 =	sld [smem:$0x3FAF];
	_ =	sdelay $0x3  }
0x33: {  	p0 =	seq.s32 s10, $0x1;
	s10 =	sld [smem:$0x3FB1];
	_ =	sdelay $0x3  }
0x34: {  	[smem:$0x3FB1] =	sst s10  }
0x35: {  	s10 =	sld [smem:$0x3FB0];
	_ =	sdelay $0x3  }
0x36: {  	p1 =	seq.s32 s10, $0x1;
	s10 =	sld [smem:$0x3FB1];
	_ =	sdelay $0x3  }
0x37: {  	[smem:$0x3FB1] =	sst s10  }
0x38: {  	s10 =	sld [smem:$0x3FB2]  }
0x39: {  	_ = 	snop;
	(pc) =	sbr.ind lr, $3  }
0x3a: {  	_ = 	snop  }
0x3b: {  	_ = 	snop  }
0x3c: {  	p2 =	seq.s32 s10, $0x1;
	s10 =	sld [smem:$0x3FB1]  }
0x3d: {  	_ =	shalt  }
0x3e: {  	_ =	shalt  }
0x3f: {  	_ =	shalt  }
0x40: {  	_ =	shalt  }
0x41: {  	_ =	shalt  }
0x42: {  	_ =	shalt  }
0x43: {  	_ =	shalt  }
0x44: {  	_ =	shalt  }
0x45: {  	_ =	shalt  }
0x46: {  	_ =	shalt  }
0x47: {  	_ =	shalt  }
0x48: {  	_ =	shalt  }
0x49: {  	_ =	shalt  }
0x4a: {  	_ =	shalt  }
0x4b: {  	_ =	shalt  }
0x4c: {  	_ =	shalt  }
0x4d: {  	_ =	shalt  }
0x4e: {  	_ =	shalt  }
0x4f: {  	_ =	shalt  }
0x50: {  	_ =	shalt  }
0x51: {  	_ =	shalt  }
0x52: {  	_ =	shalt  }
0x53: {  	_ =	shalt  }
0x54: {  	_ =	shalt  }
0x55: {  	_ =	shalt  }
0x56: {  	_ =	shalt  }
0x57: {  	_ =	shalt  }
0x58: {  	_ =	shalt  }
0x59: {  	_ =	shalt  }
0x5a: {  	_ =	shalt  }
0x5b: {  	_ =	shalt  }
0x5c: {  	_ =	shalt  }
0x5d: {  	_ =	shalt  }
0x5e: {  	_ =	shalt  }
0x5f: {  	_ =	shalt  }
0x60: {  	_ =	shalt  }
0x61: {  	_ =	shalt  }
0x62: {  	_ =	shalt  }
0x63: {  	_ =	shalt  }
0x64: {  	_ =	shalt  }
0x65: {  	_ =	shalt  }
0x66: {  	_ =	shalt  }
0x67: {  	_ =	shalt  }
0x68: {  	_ =	shalt  }
0x69: {  	_ =	shalt  }
0x6a: {  	_ =	shalt  }
0x6b: {  	_ =	shalt  }
0x6c: {  	_ =	shalt  }
0x6d: {  	_ =	shalt  }
0x6e: {  	_ =	shalt  }
0x6f: {  	_ =	shalt  }
0x70: {  	_ =	shalt  }
0x71: {  	_ =	shalt  }
0x72: {  	_ =	shalt  }
0x73: {  	_ =	shalt  }
0x74: {  	_ =	shalt  }
0x75: {  	_ =	shalt  }
0x76: {  	_ =	shalt  }
0x77: {  	_ =	shalt  }
0x78: {  	_ =	shalt  }
0x79: {  	_ =	shalt  }
0x7a: {  	_ =	shalt  }
0x7b: {  	_ =	shalt  }
0x7c: {  	_ =	shalt  }
0x7d: {  	_ =	shalt  }
0x7e: {  	_ =	shalt  }
0x7f: {  	_ =	shalt  }
0x80: {  	_ =	shalt  }
0x81: {  	_ =	shalt  }
0x82: {  	_ =	shalt  }
0x83: {  	_ =	shalt  }
0x84: {  	_ =	shalt  }
0x85: {  	_ =	shalt  }
0x86: {  	_ =	shalt  }
0x87: {  	_ =	shalt  }
.Lfunc_end0:
.L_simem_size_0:
called_computation.2_lowered:
.L_overlay_start_0:
0x88: {  	s2 =	sld [smem:$0x3FD9]  }
0x89: {  	s3 =	sld [smem:$0x3FFE];
	_ =	sdelay $0x1  }
0x8a: {  	s1 =	srdreg.scid  }
0x8b: {  	s0 =	sand.u32 $0x1, s1  }
0x8c: {  	s17 =	sshll.u32 s0, $0xA;
	s2 =	sadd.s32 s3, s2  }
0x8d: {  	s2 =	sadd.s32 s2, s17  }
0x8e: {  	[smem:$0x3FBD] =	sst s2  }
0x8f: {  	_ = 	snop  }
0x90: {  	s2 =	sld [smem:$0x3FD0];
	(tm) =	ssettm $0x1  }
0x91: {  	s18 =	sld [smem:$0x3FFB];
	_ =	sdelay $0x3  }
0x92: {  	_ =	strace s18  }
0x93: {  	s3 =	sld [smem:$0x3FFC];
	_ =	sdelay $0x3  }
0x94: {  	_ =	strace s3  }
0x95: {  	s3 =	sld [smem:$0x3FFD];
	_ =	sdelay $0x3  }
0x96: {  	_ =	strace s3  }
0x97: {  	_ =	strace $0x8FFFFFFF  }
0x98: {  	s19 =	sld [smem:$0x3FDB];
	_ =	sdelay $0x1  }
0x99: {  	s4 =	simm.s32 $_scs_section_size  }
0x9a: {  	s5 =	simm.s32 $_size__tile_overlayer_lowered;
	s6 =	simm.s32 $_tile_overlayer_lowered  }
0x9b: {  	s22 =	simm.s32 $0x1BFF;
	s21 =	sshll.u32 s6, $0x1;
	s3 =	sadd.s32 s4, s19  }
0x9c: {  	s7 =	simm.s32 $0x0;
	s20 =	sshll.u32 s5, $0x1;
	s5 =	sadd.s32 s21, s3  }
0x9d: {  	[timem:s7], [sflag:s22] =	dma.local [hbm:s5], s20  }
0x9e: {  	_ =	swait.ge [sflag:s22], s20  }
0x9f: {  	s4 =	ssub.s32 $0x0, s20;
	[sflag:s22] =	ssyncset.done $0x0  }
0xa0: {  	[sflag:s22] =	ssyncadd.s32 s4;
	_ =	sdelay $0x1  }
0xa1: {  	s23 =	simm.s32 $0x1B8B  }
0xa2: {  	_ =	swait.ge [sflag:s23], $0x1  }
0xa3: {  	[sflag:s23] =	ssyncset.done $0x0  }
0xa4: {  	s25 =	simm.s32 $0x1B8E;
	s24 =	sld [smem:$0x3FFE];
	[sflag:s23] =	ssyncadd.s32 $0xFFFFFFFF  }
0xa5: {  	s26 =	simm.s32 $execute0_lowered;
	[smem:$0x3FD2] =	sst s25  }
0xa6: {  	s5 =	sshll.u32 s26, $0x1;
	_ =	strace $0x8000004C;
	[dreg:$0x1] =	wrdreg $0xFFFFFFFF  }
0xa7: {  	s28 =	simm.s32 $_size_execute0_lowered;
	s3 =	sadd.s32 s3, s5;
	[dreg:$0x0] =	wrdreg $0x0  }
0xa8: {  	s5 =	sshll.u32 s28, $0x1;
	[dreg:$0x2] =	wrdreg s3  }
0xa9: {  	[dreg:$0x3] =	wrdreg s5  }
0xaa: {  	[dreg:$0x4] =	wrdreg $0xC0  }
0xab: {  	_ =	task [dreg:s7], $0x5FFFF  }
0xac: {  	[dreg:$0x1] =	wrdreg $0xFFFFFFFF  }
0xad: {  	[dreg:$0x0] =	wrdreg $0x60  }
0xae: {  	[dreg:$0x2] =	wrdreg s24  }
0xaf: {  	[dreg:$0x3] =	wrdreg s2  }
0xb0: {  	[dreg:$0x4] =	wrdreg $0xE0000  }
0xb1: {  	[dreg:$0x5] =	wrdreg $0x9  }
0xb2: {  	_ =	task.clear_ibuf [dreg:s7], $0x6FFFF;
	_ =	strace $0x9000004C  }
0xb3: {  	s29 =	simm.s32 $0x9;
	_ =	strace $0x8000004E  }
0xb4: {  	_ =	swait.ge [sflag:s29], $0x1  }
0xb5: {  	[sflag:s29] =	ssyncadd.s32 $0xFFFFFFFF  }
0xb6: {  	_ =	strace $0x9000004E  }
0xb7: {  	_ =	sfence  }
0xb8: {  	s30 =	sld [smem:$0x0];
	_ =	sdelay $0x2  }
0xb9: {  	s31 =	sshll.u32 s1, $0xD;
	s1 =	sshrl.u32 s1, $0x2  }
0xba: {  	s3 =	sand.u32 $0x4000, s31;
	s1 =	sadd.s32 s1, s30  }
0xbb: {  	s0 =	sor.u32 s3, s0;
	s1 =	sshll.u32 s1, $0x11  }
0xbc: {  	s0 =	sor.u32 s1, s0  }
0xbd: {  	s0 =	sadd.s32 $0x8F2B, s0  }
0xbe: {  	[sflag:s0] =	ssyncadd.remote.s32 $0x1  }
0xbf: {  	_ =	sfence.sel $0xFFFF  }
0xc0: {  	[dreg:$0x0] =	wrdreg $0xFFFFFFFF;
	(pc) =	sbr.abs _section_cstart, $3  }
0xc1: {  	[dreg:$0x1] =	wrdreg $0xFFFFFFFF  }
0xc2: {  	_ =	task.clear_ibuf [dreg:s7], $0x2FFFF;
	_ =	strace $0x9FFFFFFF  }
0xc3: {  	(tm) =	ssettm $0x7FFFFFFF  }
tec
execute0_lowered:
.L_overlay_start_1:
0x0: {  	(tag) =	ssettag $0x1  }
0x1: {  	s0 =	rddreg [dreg:$0x0]  }
0x2: {  	s2 =	rddreg [dreg:$0x1]  }
0x3: {  	s1 =	rddreg [dreg:$0x2]  }
0x4: {  	s3 =	srdreg.scid;
	s11 =	stileid.u32;
	s13 =	simm.s32 $0x80  }
0x5: {  	s14 =	simm.s32 $0xA000;
	s15 =	simm.s32 $0xB000;
	s16 =	simm.s32 $0x1  }
0x6: {  	s18 =	simm.s32 $0xC000;
	s19 =	simm.s32 $0x2;
	s22 =	simm.s32 $0xD000  }
0x7: {  	s23 =	simm.s32 $0x3;
	s29 =	simm.s32 $0x4;
	s31 =	simm.s32 $0x6  }
0x8: {  	s20 =	simm.s32 $0x0;
	s6 =	sand.u32 $0x1, s3;
	s5 =	smul.u32 $0xA00, s11  }
0x9: {  	s3 =	simm.s32 $0x0;
	s9 =	smul.u32 $0x4F00, s11;
	s30 =	sshll.u32 s11, $0x6  }
0xa: {  	s4 =	smul.u32 $0x9C40, s6;
	[smem:$0x7FF] =	sst s3;
	s26 =	ssub.s32 $0x2, s6  }
0xb: {  	s10 =	smul.u32 $0x9E00, s6;
	s11 =	sor.u32 $0x1C09, s30;
	_ =	strace $0x8000004D  }
0xc: {  	s8 =	sadd.s32 s5, s0;
	s28 =	sshrl.u32 s26, $0x1;
	s12 =	sadd.s32 s9, s1  }
0xd: {  	s17 =	sshrl.u32 s9, $0x3;
	s9 =	simm.s32 $0x9;
	s7 =	sadd.s32 s4, s0  }
.Ltmp0:
0xe: {  	s4 =	sadd.s32 $0x16400, s0;
	s0 =	ssub.s32 s26, s28;
	(pc) =	sbr.rel .LBB2_1-.Ltmp0, $4  }
0xf: {  	s5 =	sadd.s32 $0x33C00, s8;
	s6 =	sadd.s32 $0x29C00, s8;
	s2 =	sadd.s32 s2, s10  }
0x10: {  	s10 =	simm.s32 $0x5000;
	s12 =	sshrl.u32 s12, $0x3;
	s26 =	simm.s32 $0x5  }
0x11: {  	s7 =	sadd.s32 $0x2A00, s7;
	s8 =	smax.u32 s0, $0x1;
	s24 =	sadd.s32 s17, s2  }
0x12: {  	s0 =	simm.s32 $0x280;
	s2 =	simm.s32 $0x7;
	s17 =	simm.s32 $0x8  }
.LBB2_4:
0x13: {  	_ =	swait.ge [sflag:s29], $0x1000  }
0x14: {  	[sflag:s29] =	ssyncset.done $0x0  }
0x15: {  	[sflag:s29] =	ssyncadd.s32 $0xFFFFF000  }
0x16: {  	[spmem:s1] =	stream.indirect.scatter.add.f32 [tilespmem:s22], [sflag:$0x8], $0x20, s28, s13, $0xb8;
	[tilespmem:$0x12F00] =	vst v63  }
0x17: {  	_ =	swait.ge [sflag:s31], $0x1000  }
0x18: {  	[sflag:s31] =	ssyncset.done $0x0  }
0x19: {  	[sflag:s31] =	ssyncadd.s32 $0xFFFFF000  }
0x1a: {  	_ =	swait.ge [sflag:s2], $0x1000  }
0x1b: {  	[sflag:s2] =	ssyncset.done $0x0  }
0x1c: {  	[sflag:s2] =	ssyncadd.s32 $0xFFFFF000  }
0x1d: {  	_ =	swait.ge [sflag:s17], $0x1000  }
0x1e: {  	s20 =	sadd.s32 $0x1, s20;
	[sflag:s17] =	ssyncset.done $0x0  }
0x1f: {  	p0 =	sne.s32 s20, s8;
	[sflag:s17] =	ssyncadd.s32 $0xFFFFF000  }
.Ltmp1:
0x20: {  	[bflag:$0x0] =	sbarrier.arrive $0xFFFF;
	(pc) =	sbr.rel @!p0 .LBB2_5-.Ltmp1, $4  }
0x21: {  	[hbm:s24], [sflag:s11] =	dma.local [spmem:s12], $0x9E0  }
0x22: {  	_ =	swait.ge [sflag:s9], $0x9E0  }
0x23: {  	[sflag:s9] =	ssyncset.done $0x0  }
0x24: {  	[sflag:s9] =	ssyncadd.s32 $0xFFFFF620  }
.LBB2_1:
0x25: {  	[tilespmem:s3], [sflag:$0x9] =	stream.linear.gather [hbm4b:s5+s3], $0x5000, $0x38;
	[tilespmem:$0x12F00] =	vst v63  }
0x26: {  	_ =	swait.ge [sflag:s9], $0x5000  }
0x27: {  	[sflag:s9] =	ssyncset.done $0x0  }
0x28: {  	[sflag:s9] =	ssyncadd.s32 $0xFFFFB000  }
0x29: {  	[tilespmem:s10], [sflag:$0x9] =	stream.linear.gather [hbm4b:s6+s3], $0x5000, $0x38;
	[tilespmem:$0x12F00] =	vst v63  }
0x2a: {  	_ =	swait.ge [sflag:s9], $0x5000  }
0x2b: {  	[sflag:s9] =	ssyncset.done $0x0  }
0x2c: {  	[sflag:s9] =	ssyncadd.s32 $0xFFFFB000  }
0x2d: {  	[spmem:s12], [sflag:s11] =	dma.local [hbm:s4], $0x9E0  }
0x2e: {  	_ =	swait.ge [sflag:s9], $0x9E0  }
0x2f: {  	[sflag:s9] =	ssyncset.done $0x0  }
0x30: {  	[sflag:s9] =	ssyncadd.s32 $0xFFFFF620  }
0x31: {  	[bflag:$0x0] =	sbarrier.arrive $0xFFFF  }
0x32: {  	[tilespmem:s14], [sflag:$0x1] =	stream.indirect.gather [hbm4b:s7+s13], $0x20, s3, s13, $0xb8;
	[tilespmem:$0x12F00] =	vst v63  }
0x33: {  	_ = 	snop  }
0x34: {  	[tilespmem:s15], [sflag:$0x2] =	stream.indirect.gather [hbm4b:s7+s13], $0x20, s13, s13, $0xb8;
	[tilespmem:$0x12F00] =	vst v63  }
0x35: {  	_ =	swait.ge [sflag:s16], $0x1000  }
0x36: {  	[sflag:s16] =	ssyncset.done $0x0  }
0x37: {  	[sflag:s16] =	ssyncadd.s32 $0xFFFFF000  }
0x38: {  	[spmem:s1] =	stream.indirect.scatter.add.f32 [tilespmem:s14], [sflag:$0x5], $0x20, s10, s13, $0xb8;
	[tilespmem:$0x12F00] =	vst v63  }
0x39: {  	s21 =	simm.s32 $0x100  }
0x3a: {  	[tilespmem:s18], [sflag:$0x3] =	stream.indirect.gather [hbm4b:s7+s13], $0x20, s21, s13, $0xb8;
	[tilespmem:$0x12F00] =	vst v63  }
0x3b: {  	_ =	swait.ge [sflag:s19], $0x1000  }
0x3c: {  	[sflag:s19] =	ssyncset.done $0x0  }
0x3d: {  	s28 =	simm.s32 $0x5080;
	[sflag:s19] =	ssyncadd.s32 $0xFFFFF000  }
0x3e: {  	[spmem:s1] =	stream.indirect.scatter.add.f32 [tilespmem:s15], [sflag:$0x6], $0x20, s28, s13, $0xb8;
	[tilespmem:$0x12F00] =	vst v63  }
0x3f: {  	s30 =	simm.s32 $0x180  }
0x40: {  	[tilespmem:s22], [sflag:$0x4] =	stream.indirect.gather [hbm4b:s7+s13], $0x20, s30, s13, $0xb8;
	[tilespmem:$0x12F00] =	vst v63  }
0x41: {  	_ =	swait.ge [sflag:s23], $0x1000  }
0x42: {  	[sflag:s23] =	ssyncset.done $0x0  }
0x43: {  	s25 =	simm.s32 $0x5100;
	[sflag:s23] =	ssyncadd.s32 $0xFFFFF000  }
0x44: {  	[spmem:s1] =	stream.indirect.scatter.add.f32 [tilespmem:s18], [sflag:$0x7], $0x20, s25, s13, $0xb8;
	[tilespmem:$0x12F00] =	vst v63  }
0x45: {  	_ =	swait.ge [sflag:s26], $0x1000  }
0x46: {  	[sflag:s26] =	ssyncset.done $0x0  }
0x47: {  	s28 =	simm.s32 $0x200;
	[sflag:s26] =	ssyncadd.s32 $0xFFFFF000  }
0x48: {  	[tilespmem:s14], [sflag:$0x1] =	stream.indirect.gather [hbm4b:s7+s13], $0x20, s28, s13, $0xb8;
	[tilespmem:$0x12F00] =	vst v63  }
0x49: {  	_ =	swait.ge [sflag:s29], $0x1000  }
0x4a: {  	[sflag:s29] =	ssyncset.done $0x0  }
0x4b: {  	s30 =	simm.s32 $0x5180;
	[sflag:s29] =	ssyncadd.s32 $0xFFFFF000  }
0x4c: {  	[spmem:s1] =	stream.indirect.scatter.add.f32 [tilespmem:s22], [sflag:$0x8], $0x20, s30, s13, $0xb8;
	[tilespmem:$0x12F00] =	vst v63  }
0x4d: {  	_ =	swait.ge [sflag:s31], $0x1000  }
0x4e: {  	[sflag:s31] =	ssyncset.done $0x0  }
0x4f: {  	s21 =	simm.s32 $0x0;
	[sflag:s31] =	ssyncadd.s32 $0xFFFFF000  }
0x50: {  	[tilespmem:s15], [sflag:$0x2] =	stream.indirect.gather [hbm4b:s7+s13], $0x20, s0, s13, $0xb8;
	[tilespmem:$0x12F00] =	vst v63  }
.LBB2_2:
0x51: {  	_ =	swait.ge [sflag:s16], $0x1000  }
0x52: {  	s25 =	sshra.s32 s21, $0x2;
	[sflag:s16] =	ssyncset.done $0x0  }
0x53: {  	s28 =	sadd.s32 $0x5200, s25;
	[sflag:s16] =	ssyncadd.s32 $0xFFFFF000  }
0x54: {  	[spmem:s1] =	stream.indirect.scatter.add.f32 [tilespmem:s14], [sflag:$0x5], $0x20, s28, s13, $0xb8;
	[tilespmem:$0x12F00] =	vst v63  }
0x55: {  	_ =	swait.ge [sflag:s2], $0x1000  }
0x56: {  	[sflag:s2] =	ssyncset.done $0x0  }
0x57: {  	s28 =	sadd.s32 $0x300, s25;
	[sflag:s2] =	ssyncadd.s32 $0xFFFFF000  }
0x58: {  	[tilespmem:s18], [sflag:$0x3] =	stream.indirect.gather [hbm4b:s7+s13], $0x20, s28, s13, $0xb8;
	[tilespmem:$0x12F00] =	vst v63  }
0x59: {  	_ =	swait.ge [sflag:s19], $0x1000  }
0x5a: {  	[sflag:s19] =	ssyncset.done $0x0  }
0x5b: {  	s28 =	sadd.s32 $0x5280, s25;
	[sflag:s19] =	ssyncadd.s32 $0xFFFFF000  }
0x5c: {  	[spmem:s1] =	stream.indirect.scatter.add.f32 [tilespmem:s15], [sflag:$0x6], $0x20, s28, s13, $0xb8;
	[tilespmem:$0x12F00] =	vst v63  }
0x5d: {  	_ =	swait.ge [sflag:s17], $0x1000  }
0x5e: {  	[sflag:s17] =	ssyncset.done $0x0  }
0x5f: {  	s28 =	sadd.s32 $0x380, s25;
	[sflag:s17] =	ssyncadd.s32 $0xFFFFF000  }
0x60: {  	[tilespmem:s22], [sflag:$0x4] =	stream.indirect.gather [hbm4b:s7+s13], $0x20, s28, s13, $0xb8;
	[tilespmem:$0x12F00] =	vst v63  }
0x61: {  	_ =	swait.ge [sflag:s23], $0x1000  }
0x62: {  	p0 =	seq.s32 s21, $0x13000;
	[sflag:s23] =	ssyncset.done $0x0  }
.Ltmp2:
0x63: {  	s28 =	sadd.s32 $0x5300, s25;
	[sflag:s23] =	ssyncadd.s32 $0xFFFFF000;
	(pc) =	sbr.rel @p0 .LBB2_4-.Ltmp2, $4  }
0x64: {  	[spmem:s1] =	stream.indirect.scatter.add.f32 [tilespmem:s18], [sflag:$0x7], $0x20, s28, s13, $0xb8;
	[tilespmem:$0x12F00] =	vst v63  }
0x65: {  	_ =	swait.ge [sflag:s26], $0x1000  }
0x66: {  	[sflag:s26] =	ssyncset.done $0x0  }
0x67: {  	s28 =	sadd.s32 $0x5380, s25;
	[sflag:s26] =	ssyncadd.s32 $0xFFFFF000  }
0x68: {  	s30 =	sadd.s32 $0x400, s25  }
0x69: {  	[tilespmem:s14], [sflag:$0x1] =	stream.indirect.gather [hbm4b:s7+s13], $0x20, s30, s13, $0xb8;
	[tilespmem:$0x12F00] =	vst v63  }
0x6a: {  	_ =	swait.ge [sflag:s29], $0x1000  }
0x6b: {  	[sflag:s29] =	ssyncset.done $0x0  }
0x6c: {  	[sflag:s29] =	ssyncadd.s32 $0xFFFFF000  }
0x6d: {  	[spmem:s1] =	stream.indirect.scatter.add.f32 [tilespmem:s22], [sflag:$0x8], $0x20, s28, s13, $0xb8;
	[tilespmem:$0x12F00] =	vst v63  }
.Ltmp3:
0x6e: {  	_ = 	snop;
	(pc) =	sbr.rel .LBB2_2-.Ltmp3, $4  }
0x6f: {  	_ =	swait.ge [sflag:s31], $0x1000  }
0x70: {  	[sflag:s31] =	ssyncset.done $0x0  }
0x71: {  	s21 =	sadd.s32 $0x800, s21;
	s30 =	sadd.s32 $0x480, s25;
	[sflag:s31] =	ssyncadd.s32 $0xFFFFF000  }
0x72: {  	[tilespmem:s15], [sflag:$0x2] =	stream.indirect.gather [hbm4b:s7+s13], $0x20, s30, s13, $0xb8;
	[tilespmem:$0x12F00] =	vst v63  }
.LBB2_5:
0x73: {  	_ =	sfence.sel $0x180000  }
0x74: {  	[bflag:$0x0] =	sbarrier.arrive $0xFFFF  }
0x75: {  	_ =	strace $0x9000004D  }
0x76: {  	s0 =	stileid.u32;
	[bflag:$0x2] =	sbarrier.arrive $0xFFFF  }
0x77: {  	p0 =	sne.s32 s0, $0x0;
	s0 =	rddreg [dreg:$0x3]  }
0x78: {  	s0 =	sadd.s32 @!p0 $0x100000, s0  }
0x79: {  	[sflag:s0] =	ssyncadd.tile.s32 @!p0 $0x1;
	_ =	shalt  }
.Lfunc_end2:
_tile_overlayer_lowered:
.L_overlay_start_2:
0x7a: {  	(tag) =	ssettag $0x2  }
0x7b: {  	s0 =	rddreg [dreg:$0x0];
	s2 =	stileid.u32  }
0x7c: {  	s1 =	rddreg [dreg:$0x1];
	p0 =	sne.s32 s2, $0x0  }
0x7d: {  	s3 =	rddreg [dreg:$0x2];
	[bflag:$0x3] =	sbarrier.arrive $0xFFFF;
	s2 =	simm.s32 @!p0 $0x1C09  }
0x7e: {  	[timem:s3], [sflag:s2] =	dma.local @!p0 [hbm:s0], s1  }
0x7f: {  	s0 =	simm.s32 @!p0 $0x9  }
0x80: {  	_ =	swait.ge @!p0 [sflag:s0], s1  }
0x81: {  	s1 =	ssub.s32 @!p0 $0x0, s1;
	[sflag:s0] =	ssyncset.done @!p0 $0x0  }
0x82: {  	[sflag:s0] =	ssyncadd.s32 @!p0 s1  }
0x83: {  	[bflag:$0x3] =	sbarrier.arrive $0xFFFF  }
0x84: {  	_ =	shalt  }

// kernel: kernel.9.cloned.1.call-start
scs
__scs_entry_jumppad:
0x0: {  	(pc) =	sbr.rel $0x88, $3  }
0x1: {  	(tag) =	ssettag $0x0;
	lr =	simm.s32 $0x1  }
0x2: {  	[smem:$0x3F96] =	sst lr;
	_ =	strace $0xD0000000  }
0x3: {  	_ = 	snop  }
0x4: {  	_ = 	snop  }
0x5: {  	_ = 	snop  }
0x6: {  	_ = 	snop  }
0x7: {  	_ = 	snop  }
__scs_overlays_trampoline_lowered:
0x8: {  	[smem:$0x3FA5] =	sst s0  }
0x9: {  	[smem:$0x3FA6] =	sst s1  }
0xa: {  	[smem:$0x3FA7] =	sst s2  }
0xb: {  	[smem:$0x3FA8] =	sst s3  }
0xc: {  	[smem:$0x3FA9] =	sst s4  }
0xd: {  	[smem:$0x3FAA] =	sst s5  }
0xe: {  	[smem:$0x3FAB] =	sst s6  }
0xf: {  	[smem:$0x3FAC] =	sst s7  }
0x10: {  	[smem:$0x3FAD] =	sst s8  }
0x11: {  	[smem:$0x3FAE] =	sst s9;
	s0 =	simm.s32 @!p0 $0x0  }
0x12: {  	s1 =	sld [smem:$0x3F94];
	s0 =	simm.s32 @p0 $0x1  }
0x13: {  	[smem:$0x3FAF] =	sst s0;
	s0 =	simm.s32 @!p1 $0x0  }
0x14: {  	s2 =	sld [smem:$0x3F93];
	s0 =	simm.s32 @p1 $0x1  }
0x15: {  	[smem:$0x3FB0] =	sst s0;
	s0 =	simm.s32 @!p2 $0x0  }
0x16: {  	s3 =	sld [smem:$0x3FDB];
	s0 =	simm.s32 @p2 $0x1  }
0x17: {  	s4 =	simm.s32 $0x1BF5;
	[smem:$0x3FB2] =	sst s0  }
0x18: {  	s0 =	sld [smem:$0x3F95];
	_ =	swait.ge [sflag:s4], $0x0  }
0x19: {  	s7 =	sld [smem:$0x3F96]  }
0x1a: {  	s8 =	sadd.s32 $0xFFFFE003, lr  }
0x1b: {  	s9 =	sadd.s32 $0xFFFFFEF7, lr;
	s5 =	simm.s32 $0xFFFFFFFF;
	p2 =	slt.u32 s8, $0xFFFFF086  }
0x1c: {  	p1 =	slt.u32 s9, $0xF7A;
	s5 =	simm.s32 @!p2 $0x0  }
0x1d: {  	s5 =	simm.s32 @p1 $0x1;
	p0 =	seq.s32 s7, s2  }
0x1e: {  	s7 =	smul.u32 @!p0 $0xF7A, s2;
	p2 =	seq.s32 @!p0 s5, $0x0  }
0x1f: {  	s9 =	smul.u32 $0xF7A, s1;
	s8 =	simm.s32 @!p0 $0x1BF5;
	p2 =	por !p2, p0  }
0x20: {  	[sflag:s8] =	ssyncset.s32 @!p0 $0xFFFFF086;
	s6 =	sadd.s32 @!p0 s3, s7;
	s7 =	simm.s32 @!p0 $0x108  }
0x21: {  	s3 =	sadd.s32 s3, s9;
	s6 =	sadd.s32 @!p0 $0x88, s6;
	s7 =	simm.s32 @p2 $0x1082  }
0x22: {  	[simem:s7], [sflag:s8] =	dma.local @!p0 [hbm:s6], $0xF7A  }
0x23: {  	s9 =	sor.u32 $0xD0000000, s2;
	s6 =	simm.s32 $0x108;
	_ =	swait.ge @!p0 [sflag:s8], $0x0  }
0x24: {  	s3 =	sadd.s32 $0x88, s3;
	s6 =	simm.s32 @!p1 $0x1082;
	[sflag:s4] =	ssyncset.s32 $0xFFFFF086  }
0x25: {  	[simem:s6], [sflag:s4] =	dma.local [hbm:s3], $0xF7A  }
0x26: {  	[smem:$0x3F96] =	sst s1;
	(tag) =	ssettag s2;
	_ =	strace s9  }
0x27: {  	s1 =	sld [smem:$0x3FA6]  }
0x28: {  	s2 =	sld [smem:$0x3FA7]  }
0x29: {  	s4 =	sld [smem:$0x3FA9]  }
0x2a: {  	p0 =	seq.s32 s5, $0x0;
	s5 =	sld [smem:$0x3FAA]  }
0x2b: {  	s6 =	sld [smem:$0x3FAB]  }
0x2c: {  	s7 =	sld [smem:$0x3FAC]  }
0x2d: {  	s3 =	simm.s32 $0x108;
	s8 =	sld [smem:$0x3FAD]  }
0x2e: {  	s3 =	simm.s32 @!p0 $0x1082;
	s9 =	sld [smem:$0x3FAE]  }
0x2f: {  	lr =	sadd.s32 s0, s3;
	s0 =	sld [smem:$0x3FA5]  }
0x30: {  	s3 =	sld [smem:$0x3FA8]  }
0x31: {  	[smem:$0x3FB1] =	sst s10  }
0x32: {  	s10 =	sld [smem:$0x3FAF];
	_ =	sdelay $0x3  }
0x33: {  	p0 =	seq.s32 s10, $0x1;
	s10 =	sld [smem:$0x3FB1];
	_ =	sdelay $0x3  }
0x34: {  	[smem:$0x3FB1] =	sst s10  }
0x35: {  	s10 =	sld [smem:$0x3FB0];
	_ =	sdelay $0x3  }
0x36: {  	p1 =	seq.s32 s10, $0x1;
	s10 =	sld [smem:$0x3FB1];
	_ =	sdelay $0x3  }
0x37: {  	[smem:$0x3FB1] =	sst s10  }
0x38: {  	s10 =	sld [smem:$0x3FB2]  }
0x39: {  	_ = 	snop;
	(pc) =	sbr.ind lr, $3  }
0x3a: {  	_ = 	snop  }
0x3b: {  	_ = 	snop  }
0x3c: {  	p2 =	seq.s32 s10, $0x1;
	s10 =	sld [smem:$0x3FB1]  }
0x3d: {  	_ =	shalt  }
0x3e: {  	_ =	shalt  }
0x3f: {  	_ =	shalt  }
0x40: {  	_ =	shalt  }
0x41: {  	_ =	shalt  }
0x42: {  	_ =	shalt  }
0x43: {  	_ =	shalt  }
0x44: {  	_ =	shalt  }
0x45: {  	_ =	shalt  }
0x46: {  	_ =	shalt  }
0x47: {  	_ =	shalt  }
0x48: {  	_ =	shalt  }
0x49: {  	_ =	shalt  }
0x4a: {  	_ =	shalt  }
0x4b: {  	_ =	shalt  }
0x4c: {  	_ =	shalt  }
0x4d: {  	_ =	shalt  }
0x4e: {  	_ =	shalt  }
0x4f: {  	_ =	shalt  }
0x50: {  	_ =	shalt  }
0x51: {  	_ =	shalt  }
0x52: {  	_ =	shalt  }
0x53: {  	_ =	shalt  }
0x54: {  	_ =	shalt  }
0x55: {  	_ =	shalt  }
0x56: {  	_ =	shalt  }
0x57: {  	_ =	shalt  }
0x58: {  	_ =	shalt  }
0x59: {  	_ =	shalt  }
0x5a: {  	_ =	shalt  }
0x5b: {  	_ =	shalt  }
0x5c: {  	_ =	shalt  }
0x5d: {  	_ =	shalt  }
0x5e: {  	_ =	shalt  }
0x5f: {  	_ =	shalt  }
0x60: {  	_ =	shalt  }
0x61: {  	_ =	shalt  }
0x62: {  	_ =	shalt  }
0x63: {  	_ =	shalt  }
0x64: {  	_ =	shalt  }
0x65: {  	_ =	shalt  }
0x66: {  	_ =	shalt  }
0x67: {  	_ =	shalt  }
0x68: {  	_ =	shalt  }
0x69: {  	_ =	shalt  }
0x6a: {  	_ =	shalt  }
0x6b: {  	_ =	shalt  }
0x6c: {  	_ =	shalt  }
0x6d: {  	_ =	shalt  }
0x6e: {  	_ =	shalt  }
0x6f: {  	_ =	shalt  }
0x70: {  	_ =	shalt  }
0x71: {  	_ =	shalt  }
0x72: {  	_ =	shalt  }
0x73: {  	_ =	shalt  }
0x74: {  	_ =	shalt  }
0x75: {  	_ =	shalt  }
0x76: {  	_ =	shalt  }
0x77: {  	_ =	shalt  }
0x78: {  	_ =	shalt  }
0x79: {  	_ =	shalt  }
0x7a: {  	_ =	shalt  }
0x7b: {  	_ =	shalt  }
0x7c: {  	_ =	shalt  }
0x7d: {  	_ =	shalt  }
0x7e: {  	_ =	shalt  }
0x7f: {  	_ =	shalt  }
0x80: {  	_ =	shalt  }
0x81: {  	_ =	shalt  }
0x82: {  	_ =	shalt  }
0x83: {  	_ =	shalt  }
0x84: {  	_ =	shalt  }
0x85: {  	_ =	shalt  }
0x86: {  	_ =	shalt  }
0x87: {  	_ =	shalt  }
.Lfunc_end0:
.L_simem_size_0:
called_computation_lowered:
.L_overlay_start_0:
0x88: {  	s2 =	sld [smem:$0x3FD9]  }
0x89: {  	s3 =	sld [smem:$0x3FFE];
	_ =	sdelay $0x1  }
0x8a: {  	s1 =	srdreg.scid  }
0x8b: {  	s0 =	sand.u32 $0x1, s1  }
0x8c: {  	s17 =	sshll.u32 s0, $0xA;
	s2 =	sadd.s32 s3, s2  }
0x8d: {  	s2 =	sadd.s32 s2, s17  }
0x8e: {  	[smem:$0x3FBD] =	sst s2  }
0x8f: {  	_ = 	snop  }
0x90: {  	s2 =	sld [smem:$0x3FD0];
	(tm) =	ssettm $0x1  }
0x91: {  	s18 =	sld [smem:$0x3FFB];
	_ =	sdelay $0x3  }
0x92: {  	_ =	strace s18  }
0x93: {  	s3 =	sld [smem:$0x3FFC];
	_ =	sdelay $0x3  }
0x94: {  	_ =	strace s3  }
0x95: {  	s3 =	sld [smem:$0x3FFD];
	_ =	sdelay $0x3  }
0x96: {  	_ =	strace s3  }
0x97: {  	_ =	strace $0x8FFFFFFF  }
0x98: {  	s19 =	sld [smem:$0x3FDB];
	_ =	sdelay $0x1  }
0x99: {  	s4 =	simm.s32 $_scs_section_size  }
0x9a: {  	s5 =	simm.s32 $_size__tile_overlayer_lowered;
	s6 =	simm.s32 $_tile_overlayer_lowered  }
0x9b: {  	s22 =	simm.s32 $0x1BFF;
	s21 =	sshll.u32 s6, $0x1;
	s3 =	sadd.s32 s4, s19  }
0x9c: {  	s7 =	simm.s32 $0x0;
	s20 =	sshll.u32 s5, $0x1;
	s5 =	sadd.s32 s21, s3  }
0x9d: {  	[timem:s7], [sflag:s22] =	dma.local [hbm:s5], s20  }
0x9e: {  	_ =	swait.ge [sflag:s22], s20  }
0x9f: {  	s4 =	ssub.s32 $0x0, s20;
	[sflag:s22] =	ssyncset.done $0x0  }
0xa0: {  	[sflag:s22] =	ssyncadd.s32 s4;
	_ =	sdelay $0x1  }
0xa1: {  	s23 =	simm.s32 $0x1B8B  }
0xa2: {  	_ =	swait.ge [sflag:s23], $0x1  }
0xa3: {  	[sflag:s23] =	ssyncset.done $0x0  }
0xa4: {  	s25 =	simm.s32 $0x1B8E;
	s24 =	sld [smem:$0x3FFE];
	[sflag:s23] =	ssyncadd.s32 $0xFFFFFFFF  }
0xa5: {  	s26 =	simm.s32 $execute0_lowered;
	[smem:$0x3FD2] =	sst s25  }
0xa6: {  	s5 =	sshll.u32 s26, $0x1;
	_ =	strace $0x80000046;
	[dreg:$0x1] =	wrdreg $0xFFFFFFFF  }
0xa7: {  	s28 =	simm.s32 $_size_execute0_lowered;
	s3 =	sadd.s32 s3, s5;
	[dreg:$0x0] =	wrdreg $0x0  }
0xa8: {  	s5 =	sshll.u32 s28, $0x1;
	[dreg:$0x2] =	wrdreg s3  }
0xa9: {  	[dreg:$0x3] =	wrdreg s5  }
0xaa: {  	[dreg:$0x4] =	wrdreg $0xC0  }
0xab: {  	_ =	task [dreg:s7], $0x5FFFF  }
0xac: {  	[dreg:$0x1] =	wrdreg $0xFFFFFFFF  }
0xad: {  	[dreg:$0x0] =	wrdreg $0x60  }
0xae: {  	[dreg:$0x2] =	wrdreg s24  }
0xaf: {  	[dreg:$0x3] =	wrdreg s2  }
0xb0: {  	[dreg:$0x4] =	wrdreg $0x120000  }
0xb1: {  	[dreg:$0x5] =	wrdreg $0x1C6000  }
0xb2: {  	[dreg:$0x6] =	wrdreg $0x9  }
0xb3: {  	_ =	task.clear_ibuf [dreg:s7], $0x7FFFF;
	_ =	strace $0x90000046  }
0xb4: {  	s29 =	simm.s32 $0x9;
	_ =	strace $0x80000048  }
0xb5: {  	_ =	swait.ge [sflag:s29], $0x1  }
0xb6: {  	[sflag:s29] =	ssyncadd.s32 $0xFFFFFFFF  }
0xb7: {  	_ =	strace $0x90000048  }
0xb8: {  	_ =	sfence  }
0xb9: {  	s30 =	sld [smem:$0x0];
	_ =	sdelay $0x2  }
0xba: {  	s31 =	sshll.u32 s1, $0xD;
	s1 =	sshrl.u32 s1, $0x2  }
0xbb: {  	s3 =	sand.u32 $0x4000, s31;
	s1 =	sadd.s32 s1, s30  }
0xbc: {  	s0 =	sor.u32 s3, s0;
	s1 =	sshll.u32 s1, $0x11  }
0xbd: {  	s0 =	sor.u32 s1, s0  }
0xbe: {  	s0 =	sadd.s32 $0x8F2B, s0  }
0xbf: {  	[sflag:s0] =	ssyncadd.remote.s32 $0x1  }
0xc0: {  	_ =	sfence.sel $0xFFFF  }
0xc1: {  	[dreg:$0x0] =	wrdreg $0xFFFFFFFF;
	(pc) =	sbr.abs _section_cstart, $3  }
0xc2: {  	[dreg:$0x1] =	wrdreg $0xFFFFFFFF  }
0xc3: {  	_ =	task.clear_ibuf [dreg:s7], $0x2FFFF;
	_ =	strace $0x9FFFFFFF  }
0xc4: {  	(tm) =	ssettm $0x7FFFFFFF  }
0xc5: {  	_ =	shalt  }
tec
execute0_lowered:
.L_overlay_start_1:
0x0: {  	(tag) =	ssettag $0x1  }
0x1: {  	s0 =	rddreg [dreg:$0x0]  }
0x2: {  	s2 =	rddreg [dreg:$0x1]  }
0x3: {  	s1 =	rddreg [dreg:$0x2];
	s4 =	srdreg.scid  }
0x4: {  	s3 =	rddreg [dreg:$0x3];
	s16 =	stileid.u32;
	s8 =	simm.s32 $0x0  }
0x5: {  	s28 =	simm.s32 $0xE000;
	s29 =	simm.s32 $0x2;
	s30 =	simm.s32 $0x5  }
0x6: {  	s31 =	simm.s32 $0x6;
	s5 =	sand.u32 $0x1, s4;
	s7 =	smul.u32 $0xA00, s16  }
0x7: {  	[smem:$0x7FF] =	sst s8;
	s17 =	sadd.s32 $0x3DC00, s0;
	s13 =	smul.u32 $0x9E00, s16  }
0x8: {  	s10 =	sadd.s32 $0x3F000, s0;
	s11 =	sadd.s32 $0x3F600, s0;
	s14 =	smul.u32 $0x2780, s16  }
0x9: {  	s25 =	sshll.u32 s16, $0x6;
	_ =	strace $0x80000047;
	[dreg:$0x5] =	wrdreg s17  }
0xa: {  	s16 =	simm.s32 $0xA;
	s6 =	smul.u32 $0x13880, s5;
	[dreg:$0x6] =	wrdreg s10  }
0xb: {  	s18 =	smul.u32 $0x13C00, s5;
	s9 =	ssub.s32 $0x2, s5;
	[dreg:$0x7] =	wrdreg s11  }
0xc: {  	p0 =	sne.s32 s5, $0x0;
	s5 =	simm.s32 $0x7;
	s7 =	sadd.s32 s7, s0  }
0xd: {  	s19 =	sshrl.u32 s9, $0x1;
	s22 =	sshrl.u32 s13, $0x2;
	s10 =	sadd.s32 s13, s1  }
0xe: {  	s23 =	sshrl.u32 s14, $0x3;
	s13 =	sshrl.u32 s13, $0x3;
	s6 =	sadd.s32 s6, s0  }
0xf: {  	s0 =	sadd.s32 s18, s0;
	s20 =	ssub.s32 s9, s19;
	s21 =	sadd.s32 $0x33C00, s7  }
0x10: {  	s7 =	sadd.s32 $0x29C00, s7;
	s18 =	sor.u32 $0x1C0A, s25;
	[dreg:$0x8] =	wrdreg s21  }
0x11: {  	s26 =	sshrl.u32 s10, $0x3;
	[dreg:$0x9] =	wrdreg s7;
	s7 =	sadd.s32 s22, s3  }
0x12: {  	s11 =	sadd.s32 $0x2A00, s6;
	s12 =	sadd.s32 $0x3F800, s0;
	s0 =	sadd.s32 s2, s23  }
0x13: {  	s24 =	smax.u32 s20, $0x1;
	[dreg:$0xc] =	wrdreg s26;
	s21 =	simm.s32 $0x80  }
0x14: {  	s22 =	simm.s32 $0xA000;
	s23 =	simm.s32 $0xC000;
	s26 =	simm.s32 $0x4  }
0x15: {  	s6 =	simm.s32 $0x8;
	[dreg:$0xa] =	wrdreg s0;
	s0 =	sadd.s32 s14, s3  }
0x16: {  	[dreg:$0xb] =	wrdreg s24;
	s2 =	sshrl.u32 @!p0 s7, $0x3;
	s24 =	simm.s32 $0x1  }
0x17: {  	s7 =	simm.s32 $0x0;
	[dreg:$0xd] =	wrdreg s2;
	s0 =	sshrl.u32 @!p0 s0, $0x3  }
0x18: {  	s2 =	simm.s32 $0x3;
	[dreg:$0xe] =	wrdreg s0;
	s0 =	simm.s32 $0x10000  }
.LBB2_1:
0x19: {  	s4 =	simm.s32 $0x0;
	s8 =	rddreg [dreg:$0x8]  }
0x1a: {  	[tilespmem:s4], [sflag:$0xA] =	stream.linear.gather [hbm4b:s8+s4], $0x5000, $0x38;
	[tilespmem:$0x1ED80] =	vst v63  }
0x1b: {  	_ =	swait.ge [sflag:s16], $0x5000  }
0x1c: {  	[sflag:s16] =	ssyncset.done $0x0  }
0x1d: {  	s17 =	simm.s32 $0x5000;
	s9 =	rddreg [dreg:$0x9];
	[sflag:s16] =	ssyncadd.s32 $0xFFFFB000  }
0x1e: {  	[tilespmem:s17], [sflag:$0xA] =	stream.linear.gather [hbm4b:s9+s4], $0x5000, $0x38;
	[tilespmem:$0x1ED80] =	vst v63  }
0x1f: {  	_ =	swait.ge [sflag:s16], $0x5000  }
0x20: {  	[sflag:s16] =	ssyncset.done $0x0;
	s14 =	rddreg [dreg:$0x5]  }
0x21: {  	s9 =	rddreg [dreg:$0xc];
	[sflag:s16] =	ssyncadd.s32 $0xFFFFB000  }
0x22: {  	[spmem:s9], [sflag:s18] =	dma.local [hbm:s14], $0x13C0  }
0x23: {  	_ =	swait.ge [sflag:s16], $0x13C0  }
0x24: {  	[sflag:s16] =	ssyncset.done $0x0;
	s8 =	rddreg [dreg:$0x6]  }
0x25: {  	s9 =	rddreg [dreg:$0xd];
	[sflag:s16] =	ssyncadd.s32 $0xFFFFEC40  }
0x26: {  	[spmem:s9], [sflag:s18] =	dma.local @!p0 [hbm:s8], $0x4F0  }
0x27: {  	s8 =	simm.s32 @!p0 $0xA  }
0x28: {  	_ =	swait.ge @!p0 [sflag:s8], $0x4F0  }
0x29: {  	s14 =	simm.s32 @!p0 $0x0;
	[sflag:s8] =	ssyncset.done @!p0 $0x0  }
0x2a: {  	s9 =	simm.s32 @!p0 $0x1BE00;
	s15 =	rddreg [dreg:$0x7];
	[sflag:s8] =	ssyncadd.s32 @!p0 $0xFFFFFB10  }
0x2b: {  	[tilespmem:s9], [sflag:$0xA] =	stream.linear.gather @!p0 [hbm4b:s15+s14], $0x800, $0x38;
	[tilespmem:$0x1ED80] =	vst v63  }
0x2c: {  	_ =	swait.ge @!p0 [sflag:s8], $0x800  }
0x2d: {  	[sflag:s8] =	ssyncset.done @!p0 $0x0  }
0x2e: {  	[sflag:s8] =	ssyncadd.s32 @!p0 $0xFFFFF800  }
0x2f: {  	[bflag:$0x0] =	sbarrier.arrive $0xFFFF  }
0x30: {  	[tilespmem:s22], [sflag:$0x1] =	stream.indirect.gather [hbm4b:s11+s21], $0x40, s4, s21, $0xb8;
	[tilespmem:$0x1ED80] =	vst v63  }
0x31: {  	_ = 	snop  }
0x32: {  	[tilespmem:s23], [sflag:$0x2] =	stream.indirect.gather [hbm4b:s11+s21], $0x40, s21, s21, $0xb8;
	[tilespmem:$0x1ED80] =	vst v63  }
0x33: {  	_ =	swait.ge [sflag:s24], $0x2000  }
0x34: {  	[sflag:s24] =	ssyncset.done $0x0  }
0x35: {  	[sflag:s24] =	ssyncadd.s32 $0xFFFFE000  }
0x36: {  	[spmem:s1] =	stream.indirect.scatter.add.f32 [tilespmem:s22], [sflag:$0x5], $0x40, s17, s21, $0xb8;
	[tilespmem:$0x1ED80] =	vst v63  }
0x37: {  	s15 =	simm.s32 $0x100  }
0x38: {  	[tilespmem:s28], [sflag:$0x3] =	stream.indirect.gather [hbm4b:s11+s21], $0x40, s15, s21, $0xb8;
	[tilespmem:$0x1ED80] =	vst v63  }
0x39: {  	_ =	swait.ge [sflag:s29], $0x2000  }
0x3a: {  	[sflag:s29] =	ssyncset.done $0x0  }
0x3b: {  	s17 =	simm.s32 $0x5080;
	[sflag:s29] =	ssyncadd.s32 $0xFFFFE000  }
0x3c: {  	[spmem:s1] =	stream.indirect.scatter.add.f32 [tilespmem:s23], [sflag:$0x6], $0x40, s17, s21, $0xb8;
	[tilespmem:$0x1ED80] =	vst v63  }
0x3d: {  	s19 =	simm.s32 $0x180  }
0x3e: {  	[tilespmem:s0], [sflag:$0x4] =	stream.indirect.gather [hbm4b:s11+s21], $0x40, s19, s21, $0xb8;
	[tilespmem:$0x1ED80] =	vst v63  }
0x3f: {  	_ =	swait.ge [sflag:s2], $0x2000  }
0x40: {  	[sflag:s2] =	ssyncset.done $0x0  }
0x41: {  	s20 =	simm.s32 $0x5100;
	[sflag:s2] =	ssyncadd.s32 $0xFFFFE000  }
0x42: {  	[spmem:s1] =	stream.indirect.scatter.add.f32 [tilespmem:s28], [sflag:$0x7], $0x40, s20, s21, $0xb8;
	[tilespmem:$0x1ED80] =	vst v63  }
0x43: {  	_ =	swait.ge [sflag:s30], $0x2000  }
0x44: {  	[sflag:s30] =	ssyncset.done $0x0  }
0x45: {  	s25 =	simm.s32 $0x200;
	[sflag:s30] =	ssyncadd.s32 $0xFFFFE000  }
0x46: {  	[tilespmem:s22], [sflag:$0x1] =	stream.indirect.gather [hbm4b:s11+s21], $0x40, s25, s21, $0xb8;
	[tilespmem:$0x1ED80] =	vst v63  }
0x47: {  	_ =	swait.ge [sflag:s26], $0x2000  }
0x48: {  	[sflag:s26] =	ssyncset.done $0x0  }
0x49: {  	s8 =	simm.s32 $0x5180;
	[sflag:s26] =	ssyncadd.s32 $0xFFFFE000  }
0x4a: {  	[spmem:s1] =	stream.indirect.scatter.add.f32 [tilespmem:s0], [sflag:$0x8], $0x40, s8, s21, $0xb8;
	[tilespmem:$0x1ED80] =	vst v63  }
0x4b: {  	_ =	swait.ge [sflag:s31], $0x2000  }
0x4c: {  	[sflag:s31] =	ssyncset.done $0x0  }
0x4d: {  	s14 =	simm.s32 $0x280;
	[sflag:s31] =	ssyncadd.s32 $0xFFFFE000  }
0x4e: {  	[tilespmem:s23], [sflag:$0x2] =	stream.indirect.gather [hbm4b:s11+s21], $0x40, s14, s21, $0xb8;
	[tilespmem:$0x1ED80] =	vst v63  }
0x4f: {  	s17 =	simm.s32 @!p0 $0x80;
	s8 =	simm.s32 @!p0 $0x5000  }
0x50: {  	[spmem:s3] =	stream.indirect.scatter.add.f32 @!p0 [tilespmem:s9], [sflag:$0x9], $0x10, s8, s17, $0xb8;
	[tilespmem:$0x1ED80] =	vst v63  }
0x51: {  	s8 =	simm.s32 @!p0 $0x5080  }
0x52: {  	[spmem:s3] =	stream.indirect.scatter.add.f32 @!p0 [tilespmem:s9], [sflag:$0x9], $0x10, s8, s17, $0xb8;
	[tilespmem:$0x1ED80] =	vst v63  }
0x53: {  	s8 =	simm.s32 @!p0 $0x5100  }
0x54: {  	[spmem:s3] =	stream.indirect.scatter.add.f32 @!p0 [tilespmem:s9], [sflag:$0x9], $0x10, s8, s17, $0xb8;
	[tilespmem:$0x1ED80] =	vst v63  }
0x55: {  	s8 =	simm.s32 @!p0 $0x5180  }
0x56: {  	[spmem:s3] =	stream.indirect.scatter.add.f32 @!p0 [tilespmem:s9], [sflag:$0x9], $0x10, s8, s17, $0xb8;
	[tilespmem:$0x1ED80] =	vst v63  }
0x57: {  	_ =	swait.ge [sflag:s24], $0x2000  }
0x58: {  	[sflag:s24] =	ssyncset.done $0x0  }
0x59: {  	s14 =	simm.s32 $0x5200;
	[sflag:s24] =	ssyncadd.s32 $0xFFFFE000  }
0x5a: {  	[spmem:s1] =	stream.indirect.scatter.add.f32 [tilespmem:s22], [sflag:$0x5], $0x40, s14, s21, $0xb8;
	[tilespmem:$0x1ED80] =	vst v63  }
0x5b: {  	_ =	swait.ge [sflag:s5], $0x2000  }
0x5c: {  	[sflag:s5] =	ssyncset.done $0x0  }
0x5d: {  	s15 =	simm.s32 $0x300;
	[sflag:s5] =	ssyncadd.s32 $0xFFFFE000  }
0x5e: {  	[tilespmem:s28], [sflag:$0x3] =	stream.indirect.gather [hbm4b:s11+s21], $0x40, s15, s21, $0xb8;
	[tilespmem:$0x1ED80] =	vst v63  }
0x5f: {  	_ =	swait.ge [sflag:s29], $0x2000  }
0x60: {  	[sflag:s29] =	ssyncset.done $0x0  }
0x61: {  	s15 =	simm.s32 $0x5280;
	[sflag:s29] =	ssyncadd.s32 $0xFFFFE000  }
0x62: {  	[spmem:s1] =	stream.indirect.scatter.add.f32 [tilespmem:s23], [sflag:$0x6], $0x40, s15, s21, $0xb8;
	[tilespmem:$0x1ED80] =	vst v63  }
0x63: {  	_ =	swait.ge [sflag:s6], $0x2000  }
0x64: {  	[sflag:s6] =	ssyncset.done $0x0  }
0x65: {  	s19 =	simm.s32 $0x380;
	[sflag:s6] =	ssyncadd.s32 $0xFFFFE000  }
0x66: {  	[tilespmem:s0], [sflag:$0x4] =	stream.indirect.gather [hbm4b:s11+s21], $0x40, s19, s21, $0xb8;
	[tilespmem:$0x1ED80] =	vst v63  }
0x67: {  	_ =	swait.ge [sflag:s2], $0x2000  }
0x68: {  	[sflag:s2] =	ssyncset.done $0x0  }
0x69: {  	s19 =	simm.s32 $0x5300;
	[sflag:s2] =	ssyncadd.s32 $0xFFFFE000  }
0x6a: {  	[spmem:s1] =	stream.indirect.scatter.add.f32 [tilespmem:s28], [sflag:$0x7], $0x40, s19, s21, $0xb8;
	[tilespmem:$0x1ED80] =	vst v63  }
0x6b: {  	_ =	swait.ge [sflag:s30], $0x2000  }
0x6c: {  	[sflag:s30] =	ssyncset.done $0x0  }
0x6d: {  	s20 =	simm.s32 $0x400;
	[sflag:s30] =	ssyncadd.s32 $0xFFFFE000  }
0x6e: {  	[tilespmem:s22], [sflag:$0x1] =	stream.indirect.gather [hbm4b:s11+s21], $0x40, s20, s21, $0xb8;
	[tilespmem:$0x1ED80] =	vst v63  }
0x6f: {  	_ =	swait.ge [sflag:s26], $0x2000  }
0x70: {  	[sflag:s26] =	ssyncset.done $0x0  }
0x71: {  	s20 =	simm.s32 $0x5380;
	[sflag:s26] =	ssyncadd.s32 $0xFFFFE000  }
0x72: {  	[spmem:s1] =	stream.indirect.scatter.add.f32 [tilespmem:s0], [sflag:$0x8], $0x40, s20, s21, $0xb8;
	[tilespmem:$0x1ED80] =	vst v63  }
0x73: {  	_ =	swait.ge [sflag:s31], $0x2000  }
0x74: {  	[sflag:s31] =	ssyncset.done $0x0  }
0x75: {  	s25 =	simm.s32 $0x480;
	s8 =	simm.s32 @!p0 $0x9;
	[sflag:s31] =	ssyncadd.s32 $0xFFFFE000  }
0x76: {  	[tilespmem:s23], [sflag:$0x2] =	stream.indirect.gather [hbm4b:s11+s21], $0x40, s25, s21, $0xb8;
	[tilespmem:$0x1ED80] =	vst v63  }
0x77: {  	_ =	swait.ge @!p0 [sflag:s8], $0x800  }
0x78: {  	[sflag:s8] =	ssyncset.done @!p0 $0x0  }
0x79: {  	[sflag:s8] =	ssyncadd.s32 @!p0 $0xFFFFF800  }
0x7a: {  	_ =	swait.ge @!p0 [sflag:s8], $0x800  }
0x7b: {  	[sflag:s8] =	ssyncset.done @!p0 $0x0  }
0x7c: {  	[sflag:s8] =	ssyncadd.s32 @!p0 $0xFFFFF800  }
0x7d: {  	_ =	swait.ge @!p0 [sflag:s8], $0x800  }
0x7e: {  	[sflag:s8] =	ssyncset.done @!p0 $0x0  }
0x7f: {  	[sflag:s8] =	ssyncadd.s32 @!p0 $0xFFFFF800  }
0x80: {  	_ =	swait.ge @!p0 [sflag:s8], $0x800  }
0x81: {  	[sflag:s8] =	ssyncset.done @!p0 $0x0  }
0x82: {  	[sflag:s8] =	ssyncadd.s32 @!p0 $0xFFFFF800  }
0x83: {  	[spmem:s3] =	stream.indirect.scatter.add.f32 @!p0 [tilespmem:s9], [sflag:$0x9], $0x10, s14, s17, $0xb8;
	[tilespmem:$0x1ED80] =	vst v63  }
0x84: {  	_ = 	snop  }
0x85: {  	[spmem:s3] =	stream.indirect.scatter.add.f32 @!p0 [tilespmem:s9], [sflag:$0x9], $0x10, s15, s17, $0xb8;
	[tilespmem:$0x1ED80] =	vst v63  }
0x86: {  	s14 =	simm.s32 $0x800  }
0x87: {  	[spmem:s3] =	stream.indirect.scatter.add.f32 @!p0 [tilespmem:s9], [sflag:$0x9], $0x10, s19, s17, $0xb8;
	[tilespmem:$0x1ED80] =	vst v63  }
.LBB2_2:
0x88: {  	[spmem:s3] =	stream.indirect.scatter.add.f32 @!p0 [tilespmem:s9], [sflag:$0x9], $0x10, s20, s17, $0xb8;
	[tilespmem:$0x1ED80] =	vst v63  }
0x89: {  	s15 =	smov.u32 s14;
	s14 =	sadd.s32 $0x800, s14;
	_ =	swait.ge [sflag:s24], $0x2000  }
0x8a: {  	s25 =	sshra.s32 s15, $0x2;
	p1 =	sne.s32 s14, $0x13000;
	[sflag:s24] =	ssyncset.done $0x0  }
0x8b: {  	s15 =	sadd.s32 $0x5200, s25;
	[sflag:s24] =	ssyncadd.s32 $0xFFFFE000  }
0x8c: {  	[spmem:s1] =	stream.indirect.scatter.add.f32 [tilespmem:s22], [sflag:$0x5], $0x40, s15, s21, $0xb8;
	[tilespmem:$0x1ED80] =	vst v63  }
0x8d: {  	_ =	swait.ge [sflag:s5], $0x2000  }
0x8e: {  	[sflag:s5] =	ssyncset.done $0x0  }
0x8f: {  	s19 =	sadd.s32 $0x300, s25;
	[sflag:s5] =	ssyncadd.s32 $0xFFFFE000  }
0x90: {  	[tilespmem:s28], [sflag:$0x3] =	stream.indirect.gather [hbm4b:s11+s21], $0x40, s19, s21, $0xb8;
	[tilespmem:$0x1ED80] =	vst v63  }
0x91: {  	_ =	swait.ge [sflag:s29], $0x2000  }
0x92: {  	[sflag:s29] =	ssyncset.done $0x0  }
0x93: {  	s19 =	sadd.s32 $0x5280, s25;
	[sflag:s29] =	ssyncadd.s32 $0xFFFFE000  }
0x94: {  	[spmem:s1] =	stream.indirect.scatter.add.f32 [tilespmem:s23], [sflag:$0x6], $0x40, s19, s21, $0xb8;
	[tilespmem:$0x1ED80] =	vst v63  }
0x95: {  	_ =	swait.ge [sflag:s6], $0x2000  }
0x96: {  	[sflag:s6] =	ssyncset.done $0x0  }
0x97: {  	s20 =	sadd.s32 $0x380, s25;
	[sflag:s6] =	ssyncadd.s32 $0xFFFFE000  }
0x98: {  	[tilespmem:s0], [sflag:$0x4] =	stream.indirect.gather [hbm4b:s11+s21], $0x40, s20, s21, $0xb8;
	[tilespmem:$0x1ED80] =	vst v63  }
0x99: {  	_ =	swait.ge [sflag:s2], $0x2000  }
0x9a: {  	[sflag:s2] =	ssyncset.done $0x0  }
0x9b: {  	s4 =	sadd.s32 $0x5300, s25;
	[sflag:s2] =	ssyncadd.s32 $0xFFFFE000  }
0x9c: {  	[spmem:s1] =	stream.indirect.scatter.add.f32 [tilespmem:s28], [sflag:$0x7], $0x40, s4, s21, $0xb8;
	[tilespmem:$0x1ED80] =	vst v63  }
0x9d: {  	_ =	swait.ge [sflag:s30], $0x2000  }
0x9e: {  	[sflag:s30] =	ssyncset.done $0x0  }
0x9f: {  	s20 =	sadd.s32 $0x400, s25;
	[sflag:s30] =	ssyncadd.s32 $0xFFFFE000  }
0xa0: {  	[tilespmem:s22], [sflag:$0x1] =	stream.indirect.gather [hbm4b:s11+s21], $0x40, s20, s21, $0xb8;
	[tilespmem:$0x1ED80] =	vst v63  }
0xa1: {  	_ =	swait.ge [sflag:s26], $0x2000  }
0xa2: {  	[sflag:s26] =	ssyncset.done $0x0  }
0xa3: {  	s20 =	sadd.s32 $0x5380, s25;
	[sflag:s26] =	ssyncadd.s32 $0xFFFFE000  }
0xa4: {  	[spmem:s1] =	stream.indirect.scatter.add.f32 [tilespmem:s0], [sflag:$0x8], $0x40, s20, s21, $0xb8;
	[tilespmem:$0x1ED80] =	vst v63  }
0xa5: {  	_ =	swait.ge [sflag:s31], $0x2000  }
0xa6: {  	[sflag:s31] =	ssyncset.done $0x0  }
0xa7: {  	s25 =	sadd.s32 $0x480, s25;
	[sflag:s31] =	ssyncadd.s32 $0xFFFFE000  }
0xa8: {  	[tilespmem:s23], [sflag:$0x2] =	stream.indirect.gather [hbm4b:s11+s21], $0x40, s25, s21, $0xb8;
	[tilespmem:$0x1ED80] =	vst v63  }
0xa9: {  	_ =	swait.ge @!p0 [sflag:s8], $0x800  }
0xaa: {  	[sflag:s8] =	ssyncset.done @!p0 $0x0  }
0xab: {  	[sflag:s8] =	ssyncadd.s32 @!p0 $0xFFFFF800  }
0xac: {  	_ =	swait.ge @!p0 [sflag:s8], $0x800  }
0xad: {  	[sflag:s8] =	ssyncset.done @!p0 $0x0  }
0xae: {  	[sflag:s8] =	ssyncadd.s32 @!p0 $0xFFFFF800  }
0xaf: {  	_ =	swait.ge @!p0 [sflag:s8], $0x800  }
0xb0: {  	[sflag:s8] =	ssyncset.done @!p0 $0x0  }
0xb1: {  	[sflag:s8] =	ssyncadd.s32 @!p0 $0xFFFFF800  }
0xb2: {  	_ =	swait.ge @!p0 [sflag:s8], $0x800  }
0xb3: {  	[sflag:s8] =	ssyncset.done @!p0 $0x0  }
0xb4: {  	[sflag:s8] =	ssyncadd.s32 @!p0 $0xFFFFF800  }
0xb5: {  	[spmem:s3] =	stream.indirect.scatter.add.f32 @!p0 [tilespmem:s9], [sflag:$0x9], $0x10, s15, s17, $0xb8;
	[tilespmem:$0x1ED80] =	vst v63  }
.Ltmp0:
0xb6: {  	_ = 	snop;
	(pc) =	sbr.rel @p1 .LBB2_2-.Ltmp0, $4  }
0xb7: {  	_ = 	snop  }
0xb8: {  	[spmem:s3] =	stream.indirect.scatter.add.f32 @!p0 [tilespmem:s9], [sflag:$0x9], $0x10, s19, s17, $0xb8;
	[tilespmem:$0x1ED80] =	vst v63  }
0xb9: {  	_ = 	snop  }
0xba: {  	[spmem:s3] =	stream.indirect.scatter.add.f32 @!p0 [tilespmem:s9], [sflag:$0x9], $0x10, s4, s17, $0xb8;
	[tilespmem:$0x1ED80] =	vst v63  }
0xbb: {  	[spmem:s3] =	stream.indirect.scatter.add.f32 @!p0 [tilespmem:s9], [sflag:$0x9], $0x10, s20, s17, $0xb8;
	[tilespmem:$0x1ED80] =	vst v63  }
0xbc: {  	_ =	swait.ge [sflag:s24], $0x2000  }
0xbd: {  	[sflag:s24] =	ssyncset.done $0x0  }
0xbe: {  	s4 =	simm.s32 $0x9E00;
	[sflag:s24] =	ssyncadd.s32 $0xFFFFE000  }
0xbf: {  	[spmem:s1] =	stream.indirect.scatter.add.f32 [tilespmem:s22], [sflag:$0x5], $0x40, s4, s21, $0xb8;
	[tilespmem:$0x1ED80] =	vst v63  }
0xc0: {  	_ =	swait.ge [sflag:s5], $0x2000  }
0xc1: {  	[sflag:s5] =	ssyncset.done $0x0  }
0xc2: {  	s14 =	simm.s32 $0x4F00;
	[sflag:s5] =	ssyncadd.s32 $0xFFFFE000  }
0xc3: {  	[tilespmem:s28], [sflag:$0x3] =	stream.indirect.gather [hbm4b:s11+s21], $0x40, s14, s21, $0xb8;
	[tilespmem:$0x1ED80] =	vst v63  }
0xc4: {  	_ =	swait.ge [sflag:s29], $0x2000  }
0xc5: {  	[sflag:s29] =	ssyncset.done $0x0  }
0xc6: {  	s15 =	simm.s32 $0x9E80;
	[sflag:s29] =	ssyncadd.s32 $0xFFFFE000  }
0xc7: {  	[spmem:s1] =	stream.indirect.scatter.add.f32 [tilespmem:s23], [sflag:$0x6], $0x40, s15, s21, $0xb8;
	[tilespmem:$0x1ED80] =	vst v63  }
0xc8: {  	_ =	swait.ge [sflag:s6], $0x2000  }
0xc9: {  	[sflag:s6] =	ssyncset.done $0x0  }
0xca: {  	s17 =	simm.s32 $0x4F80;
	[sflag:s6] =	ssyncadd.s32 $0xFFFFE000  }
0xcb: {  	[tilespmem:s0], [sflag:$0x4] =	stream.indirect.gather [hbm4b:s11+s21], $0x40, s17, s21, $0xb8;
	[tilespmem:$0x1ED80] =	vst v63  }
0xcc: {  	_ =	swait.ge [sflag:s2], $0x2000  }
0xcd: {  	[sflag:s2] =	ssyncset.done $0x0  }
0xce: {  	s19 =	simm.s32 $0x9F00;
	[sflag:s2] =	ssyncadd.s32 $0xFFFFE000  }
0xcf: {  	[spmem:s1] =	stream.indirect.scatter.add.f32 [tilespmem:s28], [sflag:$0x7], $0x40, s19, s21, $0xb8;
	[tilespmem:$0x1ED80] =	vst v63  }
0xd0: {  	_ =	swait.ge [sflag:s30], $0x2000  }
0xd1: {  	[sflag:s30] =	ssyncset.done $0x0  }
0xd2: {  	[sflag:s30] =	ssyncadd.s32 $0xFFFFE000  }
0xd3: {  	_ =	swait.ge [sflag:s26], $0x2000  }
0xd4: {  	[sflag:s26] =	ssyncset.done $0x0  }
0xd5: {  	s20 =	simm.s32 $0x9F80;
	[sflag:s26] =	ssyncadd.s32 $0xFFFFE000  }
0xd6: {  	[spmem:s1] =	stream.indirect.scatter.add.f32 [tilespmem:s0], [sflag:$0x8], $0x40, s20, s21, $0xb8;
	[tilespmem:$0x1ED80] =	vst v63  }
0xd7: {  	_ =	swait.ge [sflag:s31], $0x2000  }
0xd8: {  	[sflag:s31] =	ssyncset.done $0x0  }
0xd9: {  	s4 =	simm.s32 @p0 $0x7;
	[sflag:s31] =	ssyncadd.s32 $0xFFFFE000  }
0xda: {  	_ =	swait.ge @p0 [sflag:s4], $0x2000  }
0xdb: {  	[sflag:s4] =	ssyncset.done @p0 $0x0  }
0xdc: {  	[sflag:s4] =	ssyncadd.s32 @p0 $0xFFFFE000;
	s4 =	simm.s32 @p0 $0x8  }
0xdd: {  	_ =	swait.ge @p0 [sflag:s4], $0x2000  }
0xde: {  	[sflag:s4] =	ssyncset.done @p0 $0x0  }
0xdf: {  	[sflag:s4] =	ssyncadd.s32 @p0 $0xFFFFE000  }
0xe0: {  	s9 =	sshrl.u32 @p0 s10, $0x3;
	s4 =	sadd.s32 @p0 s13, s12;
	[bflag:$0x0] =	sbarrier.arrive @p0 $0xFFFF  }
0xe1: {  	[hbm:s4], [sflag:s18] =	dma.local @p0 [spmem:s9], $0x13C0  }
0xe2: {  	s4 =	simm.s32 @p0 $0xA  }
0xe3: {  	_ =	swait.ge @p0 [sflag:s4], $0x13C0  }
0xe4: {  	[sflag:s4] =	ssyncset.done @p0 $0x0  }
0xe5: {  	[sflag:s4] =	ssyncadd.s32 @p0 $0xFFFFEC40  }
0xe6: {  	_ =	swait.ge @!p0 [sflag:s8], $0x800  }
0xe7: {  	[sflag:s8] =	ssyncset.done @!p0 $0x0  }
0xe8: {  	[sflag:s8] =	ssyncadd.s32 @!p0 $0xFFFFF800  }
0xe9: {  	_ =	swait.ge @!p0 [sflag:s8], $0x800  }
0xea: {  	[sflag:s8] =	ssyncset.done @!p0 $0x0  }
0xeb: {  	[sflag:s8] =	ssyncadd.s32 @!p0 $0xFFFFF800  }
0xec: {  	_ =	swait.ge @!p0 [sflag:s8], $0x800  }
0xed: {  	[sflag:s8] =	ssyncset.done @!p0 $0x0  }
0xee: {  	[sflag:s8] =	ssyncadd.s32 @!p0 $0xFFFFF800  }
0xef: {  	_ =	swait.ge @!p0 [sflag:s8], $0x800  }
0xf0: {  	s14 =	simm.s32 @!p0 $0x1BE00;
	[sflag:s8] =	ssyncset.done @!p0 $0x0  }
0xf1: {  	s9 =	simm.s32 @!p0 $0x9E00;
	s4 =	simm.s32 @!p0 $0x80;
	[sflag:s8] =	ssyncadd.s32 @!p0 $0xFFFFF800  }
0xf2: {  	[spmem:s3] =	stream.indirect.scatter.add.f32 @!p0 [tilespmem:s14], [sflag:$0x9], $0x10, s9, s4, $0xb8;
	[tilespmem:$0x1ED80] =	vst v63  }
0xf3: {  	s9 =	simm.s32 @!p0 $0x9E80  }
0xf4: {  	[spmem:s3] =	stream.indirect.scatter.add.f32 @!p0 [tilespmem:s14], [sflag:$0x9], $0x10, s9, s4, $0xb8;
	[tilespmem:$0x1ED80] =	vst v63  }
0xf5: {  	s9 =	simm.s32 @!p0 $0x9F00  }
0xf6: {  	[spmem:s3] =	stream.indirect.scatter.add.f32 @!p0 [tilespmem:s14], [sflag:$0x9], $0x10, s9, s4, $0xb8;
	[tilespmem:$0x1ED80] =	vst v63  }
0xf7: {  	s9 =	simm.s32 @!p0 $0x9F80  }
0xf8: {  	[spmem:s3] =	stream.indirect.scatter.add.f32 @!p0 [tilespmem:s14], [sflag:$0x9], $0x10, s9, s4, $0xb8;
	[tilespmem:$0x1ED80] =	vst v63  }
0xf9: {  	s4 =	simm.s32 @!p0 $0x7  }
0xfa: {  	_ =	swait.ge @!p0 [sflag:s4], $0x2000  }
0xfb: {  	[sflag:s4] =	ssyncset.done @!p0 $0x0  }
0xfc: {  	[sflag:s4] =	ssyncadd.s32 @!p0 $0xFFFFE000;
	s4 =	simm.s32 @!p0 $0x8  }
0xfd: {  	_ =	swait.ge @!p0 [sflag:s4], $0x2000  }
0xfe: {  	[sflag:s4] =	ssyncset.done @!p0 $0x0  }
0xff: {  	[sflag:s4] =	ssyncadd.s32 @!p0 $0xFFFFE000  }
0x100: {  	_ =	swait.ge @!p0 [sflag:s8], $0x800  }
0x101: {  	[sflag:s8] =	ssyncset.done @!p0 $0x0  }
0x102: {  	[sflag:s8] =	ssyncadd.s32 @!p0 $0xFFFFF800  }
0x103: {  	_ =	swait.ge @!p0 [sflag:s8], $0x800  }
0x104: {  	[sflag:s8] =	ssyncset.done @!p0 $0x0  }
0x105: {  	[sflag:s8] =	ssyncadd.s32 @!p0 $0xFFFFF800  }
0x106: {  	_ =	swait.ge @!p0 [sflag:s8], $0x800  }
0x107: {  	[sflag:s8] =	ssyncset.done @!p0 $0x0  }
0x108: {  	[sflag:s8] =	ssyncadd.s32 @!p0 $0xFFFFF800  }
0x109: {  	_ =	swait.ge @!p0 [sflag:s8], $0x800  }
0x10a: {  	[sflag:s8] =	ssyncset.done @!p0 $0x0  }
0x10b: {  	[sflag:s8] =	ssyncadd.s32 @!p0 $0xFFFFF800  }
0x10c: {  	s4 =	sadd.s32 @!p0 s13, s12;
	s8 =	sshrl.u32 @!p0 s10, $0x3;
	[bflag:$0x0] =	sbarrier.arrive @!p0 $0xFFFF  }
0x10d: {  	[hbm:s4], [sflag:s18] =	dma.local @!p0 [spmem:s8], $0x13C0  }
0x10e: {  	s4 =	simm.s32 @!p0 $0xA  }
0x10f: {  	_ =	swait.ge @!p0 [sflag:s4], $0x13C0  }
0x110: {  	[sflag:s4] =	ssyncset.done @!p0 $0x0;
	s8 =	rddreg [dreg:$0xa]  }
0x111: {  	s9 =	rddreg [dreg:$0xe];
	[sflag:s4] =	ssyncadd.s32 @!p0 $0xFFFFEC40  }
0x112: {  	[hbm:s8], [sflag:s18] =	dma.local @!p0 [spmem:s9], $0x4F0  }
0x113: {  	_ =	swait.ge @!p0 [sflag:s4], $0x4F0  }
0x114: {  	s7 =	sadd.s32 $0x1, s7;
	s25 =	rddreg [dreg:$0xb]  }
0x115: {  	p1 =	sne.s32 s7, s25  }
.Ltmp1:
0x116: {  	_ = 	snop;
	(pc) =	sbr.rel @p1 .LBB2_1-.Ltmp1, $3  }
0x117: {  	_ =	sdelay $0x1  }
0x118: {  	[sflag:s4] =	ssyncset.done @!p0 $0x0  }
0x119: {  	[sflag:s4] =	ssyncadd.s32 @!p0 $0xFFFFFB10  }
0x11a: {  	_ =	sfence.sel $0x180000  }
0x11b: {  	[bflag:$0x0] =	sbarrier.arrive $0xFFFF  }
0x11c: {  	_ =	strace $0x90000047  }
0x11d: {  	s0 =	stileid.u32;
	[bflag:$0x2] =	sbarrier.arrive $0xFFFF  }
0x11e: {  	p0 =	sne.s32 s0, $0x0;
	s0 =	rddreg [dreg:$0x4]  }
0x11f: {  	s0 =	sadd.s32 @!p0 $0x100000, s0  }
0x120: {  	[sflag:s0] =	ssyncadd.tile.s32 @!p0 $0x1;
	_ =	shalt  }
.Lfunc_end2:
_tile_overlayer_lowered:
.L_overlay_start_2:
0x121: {  	(tag) =	ssettag $0x2  }
0x122: {  	s0 =	rddreg [dreg:$0x0];
	s2 =	stileid.u32  }
0x123: {  	s1 =	rddreg [dreg:$0x1];
	p0 =	sne.s32 s2, $0x0  }
0x124: {  	s3 =	rddreg [dreg:$0x2];
	[bflag:$0x3] =	sbarrier.arrive $0xFFFF;
	s2 =	simm.s32 @!p0 $0x1C0A  }
0x125: {  	[timem:s3], [sflag:s2] =	dma.local @!p0 [hbm:s0], s1  }
0x126: {  	s0 =	simm.s32 @!p0 $0xA  }
0x127: {  	_ =	swait.ge @!p0 [sflag:s0], s1  }
0x128: {  	s1 =	ssub.s32 @!p0 $0x0, s1;
	[sflag:s0] =	ssyncset.done @!p0 $0x0  }
0x129: {  	[sflag:s0] =	ssyncadd.s32 @!p0 s1  }
0x12a: {  	[bflag:$0x3] =	sbarrier.arrive $0xFFFF  }
0x12b: {  	_ =	shalt  }

</sc_bundles>
